<compile_context>
chip_gen: v7x
topology: tpu7x:2x2x1
jax: 0.10.2.dev20260603
libtpu: 0.0.44.dev20260713+nightly
codegen_flags: <defaults>
</compile_context>

<pallas_src>
import jax
import jax.numpy as jnp
from jax import lax
from jax.experimental import pallas as pl
from jax.experimental.pallas import tpu as pltpu
from jax.experimental.pallas import tpu_sc as plsc

NUM_RAYS = 32768
NS = 64
NB = NS + 1
NOUT = 2 * NB
L = 16
NI = 1

_info = plsc.get_sparse_core_info()
NWORK = _info.num_cores * _info.num_subcores
RAYS_PER_W = NUM_RAYS // NWORK

CHUNK = 128
GPC = CHUNK // (L * NI)
NCHUNK = RAYS_PER_W // CHUNK


def _body(w_hbm, e_hbm, near_hbm, far_hbm, out_hbm,
          w_c, e_c, near_c, far_c, out_c, *cfhf):
    nc = _info.num_cores
    wid = lax.axis_index("s") * nc + lax.axis_index("c")
    craw = list(cfhf[:NI])
    cf = list(cfhf[NI:2 * NI])
    hf = list(cfhf[2 * NI:3 * NI])
    sems = list(cfhf[3 * NI:])
    lanes = lax.iota(jnp.int32, L)
    lanes_m = lanes - L
    ones_i = jnp.full((L,), 1, jnp.int32)
    zeros_i = jnp.zeros((L,), jnp.int32)
    zerosf = jnp.zeros((L,), jnp.float32)

    for s in range(NI):
        cf[s][pl.ds(0, L)] = zerosf
        hf[s][pl.ds(0, L)] = ones_i

    def hinit(j, carry):
        for s in range(NI):
            hf[s][pl.ds(j * L, L)] = zeros_i
        return carry

    lax.fori_loop(1, NB, hinit, 0)

    def start_in(cidx, par):
        base = wid * RAYS_PER_W + cidx * CHUNK
        blk = wid * NCHUNK + cidx
        sem = sems[par]
        pltpu.async_copy(w_hbm.at[blk], w_c.at[pl.ds(par * NS, NS), :], sem)
        pltpu.async_copy(e_hbm.at[blk],
                         e_c.at[pl.ds(par * (NB + 1), NB), :], sem)
        pltpu.async_copy(near_hbm.at[pl.ds(base, CHUNK)],
                         near_c.at[pl.ds(par * CHUNK, CHUNK)], sem)
        pltpu.async_copy(far_hbm.at[pl.ds(base, CHUNK)],
                         far_c.at[pl.ds(par * CHUNK, CHUNK)], sem)

    def wait_in(cidx, par):
        base = wid * RAYS_PER_W + cidx * CHUNK
        blk = wid * NCHUNK + cidx
        sem = sems[par]
        pltpu.make_async_copy(w_hbm.at[blk],
                              w_c.at[pl.ds(par * NS, NS), :], sem).wait()
        pltpu.make_async_copy(e_hbm.at[blk],
                              e_c.at[pl.ds(par * (NB + 1), NB), :], sem).wait()
        pltpu.make_async_copy(near_hbm.at[pl.ds(base, CHUNK)],
                              near_c.at[pl.ds(par * CHUNK, CHUNK)], sem).wait()
        pltpu.make_async_copy(far_hbm.at[pl.ds(base, CHUNK)],
                              far_c.at[pl.ds(par * CHUNK, CHUNK)], sem).wait()

    def do_chunk(cidx, par):
        base = wid * RAYS_PER_W + cidx * CHUNK
        wb = par * NS
        eb = par * (NB + 1)
        nb_ = par * CHUNK
        for t in range(CHUNK // L):
            e_c[eb + NB, pl.ds(t * L, L)] = e_c[eb + NS, pl.ds(t * L, L)]

        def quad(gq, carry2):
            offs = [gq * (L * NI) + s * L for s in range(NI)]
            rows = [offs[s] + lanes for s in range(NI)]
            near = [near_c[pl.ds(nb_ + offs[s], L)] for s in range(NI)]
            fn = [far_c[pl.ds(nb_ + offs[s], L)] - near[s] for s in range(NI)]

            def p1(i, cs):
                out = []
                for s in range(NI):
                    wi = w_c[wb + i, pl.ds(offs[s], L)]
                    cn = cs[s] + wi
                    craw[s][pl.ds((i + 1) * L, L)] = cn
                    out.append(cn)
                return tuple(out)

            csum = plsc.parallel_loop(0, NS, unroll=8,
                                      carry=(zerosf,) * NI)(p1)
            k = []
            r = []
            for s in range(NI):
                ws = csum[s] + float(NS) * 0.01
                pad = jnp.maximum(1e-5 - ws, 0.0)
                k.append(pad * (1.0 / NS) + 0.01)
                r.append(1.0 / (ws + pad))

            for s in range(NI):
                e0 = e_c[eb, pl.ds(offs[s], L)]
                plsc.store_scatter(out_c, [rows[s], zeros_i],
                                   e0 * fn[s] + near[s])

            def p2(i, kks):
                out = []
                for s in range(NI):
                    kk = kks[s] + k[s]
                    cr = craw[s][pl.ds(i * L, L)]
                    cdf = jnp.minimum(1.0, (cr + kk) * r[s])
                    cf[s][pl.ds(i * L, L)] = cdf
                    x = cdf * float(NB) - 0.5
                    ti = x.astype(jnp.int32)
                    p = ti + (x > ti.astype(jnp.float32)).astype(jnp.int32)
                    plsc.addupdate_scatter(hf[s], [p * L + lanes], ones_i)
                    ei = e_c[eb + i, pl.ds(offs[s], L)]
                    plsc.store_scatter(out_c, [rows[s], p + i],
                                       ei * fn[s] + near[s])
                    out.append(kk)
                return tuple(out)

            plsc.parallel_loop(1, NB, unroll=8, carry=(zerosf,) * NI)(p2)
            for s in range(NI):
                cf[s][pl.ds(NB * L, L)] = cf[s][pl.ds(NS * L, L)]

            def p3(j, st):
                runs, us = st
                nruns = []
                nus = []
                for s in range(NI):
                    h = hf[s][pl.ds(j * L, L)]
                    run = runs[s] + h
                    u = us[s] + (1.0 / NB)
                    a0 = run * L + lanes_m
                    g0 = plsc.load_gather(cf[s], [a0])
                    g1 = plsc.load_gather(cf[s], [a0 + L])
                    bel = run + (eb - 1)
                    b0 = plsc.load_gather(e_c, [bel, rows[s]])
                    b1 = plsc.load_gather(e_c, [bel + 1, rows[s]])
                    denom = g1 - g0
                    ok = denom > 1e-12
                    sd = jnp.where(ok, denom, 1.0)
                    t = jnp.where(ok, (u - g0) / sd, 0.0)
                    t = jnp.clip(t, 0.0, 1.0)
                    bins = b0 + t * (b1 - b0)
                    plsc.store_scatter(out_c, [rows[s], run + j],
                                       bins * fn[s] + near[s])
                    nruns.append(run)
                    nus.append(u)
                return (tuple(nruns), tuple(nus))

            u0 = jnp.full((L,), -0.5 / NB, jnp.float32)
            plsc.parallel_loop(0, NB, unroll=8,
                               carry=((zeros_i,) * NI, (u0,) * NI))(p3)

            def hclr(j):
                for s in range(NI):
                    hf[s][pl.ds(j * L, L)] = zeros_i

            plsc.parallel_loop(1, NB, unroll=8)(hclr)
            for s in range(NI):
                hf[s][pl.ds(0, L)] = ones_i
            return carry2

        lax.fori_loop(0, GPC, quad, 0)
        pltpu.sync_copy(out_c, out_hbm.at[pl.ds(base, CHUNK), :])

    start_in(0, 0)

    def chunk2(c2, carry):
        for par in range(2):
            cidx = c2 * 2 + par

            @pl.when(cidx < NCHUNK - 1)
            def _():
                start_in(cidx + 1, 1 - par)

            wait_in(cidx, par)
            do_chunk(cidx, par)
        return carry

    lax.fori_loop(0, NCHUNK // 2, chunk2, 0)


@jax.jit
def _run(w2, e2, n1, f1):
    mesh = plsc.VectorSubcoreMesh(core_axis_name="c", subcore_axis_name="s")
    fn = pl.kernel(
        _body,
        out_type=jax.ShapeDtypeStruct((NUM_RAYS, NOUT), jnp.float32),
        mesh=mesh,
        compiler_params=pltpu.CompilerParams(needs_layout_passes=False),
        scratch_types=[
            pltpu.VMEM((2 * NS, CHUNK), jnp.float32),
            pltpu.VMEM((2 * (NB + 1), CHUNK), jnp.float32),
            pltpu.VMEM((2 * CHUNK,), jnp.float32),
            pltpu.VMEM((2 * CHUNK,), jnp.float32),
            pltpu.VMEM((CHUNK, NOUT), jnp.float32),
        ] + [pltpu.VMEM(((NB + 1) * L,), jnp.float32) for _ in range(2 * NI)]
          + [pltpu.VMEM(((NB + 1) * L,), jnp.int32) for _ in range(NI)]
          + [pltpu.SemaphoreType.DMA for _ in range(2)],
    )
    return fn(w2, e2, n1, f1)


def kernel(weights, existing_bins, nears, fars):
    nblk = NWORK * NCHUNK
    w3 = weights[..., 0].T.reshape(NS, nblk, CHUNK).transpose(1, 0, 2)
    e3 = existing_bins.T.reshape(NB, nblk, CHUNK).transpose(1, 0, 2)
    return _run(w3, e3, nears[:, 0], fars[:, 0])

# --- scband reference (transcript-rebuilt; emitter-appended) ---
"""Pipeline reference for scband-neu-sacc-sampler-17222818857002 (READ-ONLY COPY).

The authoritative reference and input builder live on the scoring server;
editing this copy changes nothing except your own understanding.
"""

import jax, jax.numpy as jnp
import numpy as np

NUM_RAYS = 32768
NUM_SAMPLES = 64
HIST_PAD = 0.01
EPS = 1e-5

def setup_inputs(seed: int = 0) -> dict:
    key = jax.random.key(seed)
    k1, k2, k3, k4 = jax.random.split(key, 4)
    weights = jax.random.uniform(k1, (NUM_RAYS, NUM_SAMPLES, 1), dtype=jnp.float32)
    # existing spacing bins must be sorted ascending in [0, 1]
    existing_bins = jnp.sort(jax.random.uniform(k2, (NUM_RAYS, NUM_SAMPLES + 1), dtype=jnp.float32), axis=-1)
    nears = 0.05 + 0.05 * jax.random.uniform(k3, (NUM_RAYS, 1), dtype=jnp.float32)
    fars = 3.0 + jax.random.uniform(k4, (NUM_RAYS, 1), dtype=jnp.float32)
    return {"weights": weights, "existing_bins": existing_bins, "nears": nears, "fars": fars}

def reference(weights, existing_bins, nears, fars):
    num_samples = NUM_SAMPLES
    num_bins = num_samples + 1
    # histogram padding + normalization -> pdf
    w = weights[..., 0] + HIST_PAD
    weights_sum = jnp.sum(w, axis=-1, keepdims=True)
    padding = jax.nn.relu(EPS - weights_sum)
    w = w + padding / w.shape[-1]
    weights_sum = weights_sum + padding
    pdf = w / weights_sum
    cdf = jnp.minimum(jnp.ones_like(pdf), jnp.cumsum(pdf, axis=-1))
    cdf = jnp.concatenate([jnp.zeros_like(cdf[..., :1]), cdf], axis=-1)
    # deterministic (eval-mode) sample positions in CDF space
    u = jnp.linspace(0.0, 1.0 - 1.0 / num_bins, num_bins, dtype=jnp.float32) + 1.0 / (2 * num_bins)
    u = jnp.broadcast_to(u, (cdf.shape[0], num_bins))
    # inverse CDF via per-ray searchsorted
    inds = jax.vmap(lambda c, uu: jnp.searchsorted(c, uu, side='right'))(cdf, u)
    below = jnp.clip(inds - 1, 0, existing_bins.shape[-1] - 1)
    above = jnp.clip(inds, 0, existing_bins.shape[-1] - 1)
    cdf_g0 = jnp.take_along_axis(cdf, below, axis=-1)
    bins_g0 = jnp.take_along_axis(existing_bins, below, axis=-1)
    cdf_g1 = jnp.take_along_axis(cdf, above, axis=-1)
    bins_g1 = jnp.take_along_axis(existing_bins, above, axis=-1)
    denom = cdf_g1 - cdf_g0
    safe_denom = jnp.where(denom > 1e-12, denom, jnp.ones_like(denom))
    t = jnp.clip(jnp.where(denom > 1e-12, (u - cdf_g0) / safe_denom, jnp.zeros_like(u)), 0.0, 1.0)
    bins = bins_g0 + t * (bins_g1 - bins_g0)
    # include_original: merge and sort
    bins = jnp.sort(jnp.concatenate([existing_bins, bins], axis=-1), axis=-1)
    # spacing_to_euclidean (uniform spacing fn): x * far + (1 - x) * near
    euclidean_bins = bins * fars + (1.0 - bins) * nears
    return euclidean_bins

if __name__ == "__main__":
    import jax
    _d = setup_inputs()
    print(jax.jit(kernel)(*tuple(_d.values())))

</pallas_src>

<mosaic_0001>
#map = affine_map<(d0, d1) -> (0, 0, 0)>
#map1 = affine_map<(d0, d1) -> (0)>
#map2 = affine_map<(d0, d1) -> (0, 0)>
module attributes {stable_mosaic.version = 14 : i64} {
  func.func @_body(%arg0: i32, %arg1: i32, %arg2: memref<256x64x128xf32, #tpu.memory_space<hbm>>, %arg3: memref<256x65x128xf32, #tpu.memory_space<hbm>>, %arg4: memref<32768xf32, #tpu.memory_space<hbm>>, %arg5: memref<32768xf32, #tpu.memory_space<hbm>>, %arg6: memref<32768x130xf32, #tpu.memory_space<hbm>>, %arg7: memref<128x128xf32, #tpu.memory_space<vmem>>, %arg8: memref<132x128xf32, #tpu.memory_space<vmem>>, %arg9: memref<256xf32, #tpu.memory_space<vmem>>, %arg10: memref<256xf32, #tpu.memory_space<vmem>>, %arg11: memref<128x130xf32, #tpu.memory_space<vmem>>, %arg12: memref<1056xf32, #tpu.memory_space<vmem>>, %arg13: memref<1056xf32, #tpu.memory_space<vmem>>, %arg14: memref<1056xi32, #tpu.memory_space<vmem>>, %arg15: memref<!tpu.dma_semaphore, #tpu.memory_space<semaphore_mem>>, %arg16: memref<!tpu.dma_semaphore, #tpu.memory_space<semaphore_mem>>) attributes {dimension_semantics = [#tpu.dimension_semantics<core_parallel>, #tpu.dimension_semantics<subcore_parallel>], iteration_bounds = array<i64: 2, 16>, scalar_prefetch = 0 : i64, scratch_operands = 10 : i64, tpu.core_type = #tpu.core_type<sc_vector_subcore>, window_params = [{transform_indices = #map}, {transform_indices = #map}, {transform_indices = #map1}, {transform_indices = #map1}, {transform_indices = #map2}]} {
    %mul3A = arith.constant 2 : i32
    %mul3A_0 = arith.muli %arg1, %mul3A : i32
    %add3A = arith.addi %mul3A_0, %arg0 : i32
    %iota3A = tpu.iota {dimensions = array<i32: 0>} : vector<16xi32>
    %sub3A = arith.constant 16 : i32
    %sub3A_1 = vector.broadcast %sub3A : i32 to vector<16xi32>
    %sub3A_2 = arith.subi %iota3A, %sub3A_1 : vector<16xi32>
    %broadcast_in_dim3A = arith.constant 1 : i32
    %broadcast_in_dim3A_3 = vector.broadcast %broadcast_in_dim3A : i32 to vector<16xi32>
    %broadcast_in_dim3A_4 = arith.constant 0 : i32
    %broadcast_in_dim3A_5 = vector.broadcast %broadcast_in_dim3A_4 : i32 to vector<16xi32>
    %broadcast_in_dim3A_6 = arith.constant 0.000000e+00 : f32
    %broadcast_in_dim3A_7 = vector.broadcast %broadcast_in_dim3A_6 : f32 to vector<16xf32>
    %swap3A = arith.constant 0 : index
    %swap3A_8 = tpu.vector_load %arg13[%swap3A] {strides = array<i32>} : memref<1056xf32, #tpu.memory_space<vmem>>, vector<16xf32>,
    tpu.vector_store %arg13[%swap3A], %broadcast_in_dim3A_7 {strides = array<i32>} : memref<1056xf32, #tpu.memory_space<vmem>>, vector<16xf32>,
    %swap3A_9 = arith.constant 0 : index
    %swap3A_10 = tpu.vector_load %arg14[%swap3A_9] {strides = array<i32>} : memref<1056xi32, #tpu.memory_space<vmem>>, vector<16xi32>,
    tpu.vector_store %arg14[%swap3A_9], %broadcast_in_dim3A_3 {strides = array<i32>} : memref<1056xi32, #tpu.memory_space<vmem>>, vector<16xi32>,
    %scan3A = arith.constant 0 : i32
    %scan3A_11 = arith.constant 1 : i32
    %scan3A_12 = arith.constant 64 : i32
    %scan3A_13 = arith.addi %scan3A_11, %scan3A_12 : i32
    %scan3A_14 = arith.constant 1 : i32
    scf.for %scan3A_69 = %scan3A_11 to %scan3A_13 step %scan3A_14  : i32 {
      %mul3A_70 = arith.constant 16 : i32
      %mul3A_71 = arith.muli %scan3A_69, %mul3A_70 : i32
      %swap3A_72 = arith.index_cast %mul3A_71 : i32 to index
      %swap3A_73 = tpu.vector_load %arg14[%swap3A_72] {strides = array<i32>} : memref<1056xi32, #tpu.memory_space<vmem>>, vector<16xi32>,
      tpu.vector_store %arg14[%swap3A_72], %broadcast_in_dim3A_5 {strides = array<i32>} : memref<1056xi32, #tpu.memory_space<vmem>>, vector<16xi32>,
    }
    %scan3A_15 = arith.constant 64 : i32
    %mul3A_16 = arith.constant 1024 : i32
    %mul3A_17 = arith.muli %add3A, %mul3A_16 : i32
    %add3A_18 = arith.constant 0 : i32
    %add3A_19 = arith.addi %mul3A_17, %add3A_18 : i32
    %mul3A_20 = arith.constant 8 : i32
    %mul3A_21 = arith.muli %add3A, %mul3A_20 : i32
    %add3A_22 = arith.constant 0 : i32
    %add3A_23 = arith.addi %mul3A_21, %add3A_22 : i32
    %dma_start3A = arith.constant 0 : i32
    %dma_start3A_24 = arith.constant 0 : i32
    %dma_start3A_25 = tpu.memref_slice %arg7[%dma_start3A, %dma_start3A_24] : memref<128x128xf32, #tpu.memory_space<vmem>> -> memref<64x128xf32, #tpu.memory_space<vmem>>
    %dma_start3A_26 = arith.constant 0 : i32
    %dma_start3A_27 = arith.constant 0 : i32
    %dma_start3A_28 = tpu.memref_slice %arg2[%add3A_23, %dma_start3A_26, %dma_start3A_27] : memref<256x64x128xf32, #tpu.memory_space<hbm>> -> memref<1x64x128xf32, #tpu.memory_space<hbm>>
    %dma_start3A_29 = tpu.memref_squeeze %dma_start3A_28 : memref<1x64x128xf32, #tpu.memory_space<hbm>> -> memref<64x128xf32, #tpu.memory_space<hbm>>
    %dma_start3A_30 = arith.constant 0 : i32
    %dma_start3A_31 = arith.constant 0 : i32
    %dma_start3A_32 = tpu.memref_slice %arg7[%dma_start3A_30, %dma_start3A_31] : memref<128x128xf32, #tpu.memory_space<vmem>> -> memref<64x128xf32, #tpu.memory_space<vmem>>
    %dma_start3A_33 = arith.constant 0 : i32
    %dma_start3A_34 = arith.constant 0 : i32
    %dma_start3A_35 = tpu.memref_slice %arg2[%add3A_23, %dma_start3A_33, %dma_start3A_34] : memref<256x64x128xf32, #tpu.memory_space<hbm>> -> memref<1x64x128xf32, #tpu.memory_space<hbm>>
    %dma_start3A_36 = tpu.memref_squeeze %dma_start3A_35 : memref<1x64x128xf32, #tpu.memory_space<hbm>> -> memref<64x128xf32, #tpu.memory_space<hbm>>
    tpu.enqueue_dma source(%dma_start3A_36 : memref<64x128xf32, #tpu.memory_space<hbm>>) target(%dma_start3A_32 : memref<64x128xf32, #tpu.memory_space<vmem>>) target_semaphore(%arg15 : memref<!tpu.dma_semaphore, #tpu.memory_space<semaphore_mem>>)
    %dma_start3A_37 = arith.constant 0 : i32
    %dma_start3A_38 = arith.constant 0 : i32
    %dma_start3A_39 = tpu.memref_slice %arg8[%dma_start3A_37, %dma_start3A_38] : memref<132x128xf32, #tpu.memory_space<vmem>> -> memref<65x128xf32, #tpu.memory_space<vmem>>
    %dma_start3A_40 = arith.constant 0 : i32
    %dma_start3A_41 = arith.constant 0 : i32
    %dma_start3A_42 = tpu.memref_slice %arg3[%add3A_23, %dma_start3A_40, %dma_start3A_41] : memref<256x65x128xf32, #tpu.memory_space<hbm>> -> memref<1x65x128xf32, #tpu.memory_space<hbm>>
    %dma_start3A_43 = tpu.memref_squeeze %dma_start3A_42 : memref<1x65x128xf32, #tpu.memory_space<hbm>> -> memref<65x128xf32, #tpu.memory_space<hbm>>
    %dma_start3A_44 = arith.constant 0 : i32
    %dma_start3A_45 = arith.constant 0 : i32
    %dma_start3A_46 = tpu.memref_slice %arg8[%dma_start3A_44, %dma_start3A_45] : memref<132x128xf32, #tpu.memory_space<vmem>> -> memref<65x128xf32, #tpu.memory_space<vmem>>
    %dma_start3A_47 = arith.constant 0 : i32
    %dma_start3A_48 = arith.constant 0 : i32
    %dma_start3A_49 = tpu.memref_slice %arg3[%add3A_23, %dma_start3A_47, %dma_start3A_48] : memref<256x65x128xf32, #tpu.memory_space<hbm>> -> memref<1x65x128xf32, #tpu.memory_space<hbm>>
    %dma_start3A_50 = tpu.memref_squeeze %dma_start3A_49 : memref<1x65x128xf32, #tpu.memory_space<hbm>> -> memref<65x128xf32, #tpu.memory_space<hbm>>
    tpu.enqueue_dma source(%dma_start3A_50 : memref<65x128xf32, #tpu.memory_space<hbm>>) target(%dma_start3A_46 : memref<65x128xf32, #tpu.memory_space<vmem>>) target_semaphore(%arg15 : memref<!tpu.dma_semaphore, #tpu.memory_space<semaphore_mem>>)
    %dma_start3A_51 = arith.constant 0 : i32
    %dma_start3A_52 = tpu.memref_slice %arg9[%dma_start3A_51] : memref<256xf32, #tpu.memory_space<vmem>> -> memref<128xf32, #tpu.memory_space<vmem>>
    %dma_start3A_53 = tpu.memref_slice %arg4[%add3A_19] : memref<32768xf32, #tpu.memory_space<hbm>> -> memref<128xf32, #tpu.memory_space<hbm>>
    %dma_start3A_54 = arith.constant 0 : i32
    %dma_start3A_55 = tpu.memref_slice %arg9[%dma_start3A_54] : memref<256xf32, #tpu.memory_space<vmem>> -> memref<128xf32, #tpu.memory_space<vmem>>
    %dma_start3A_56 = tpu.memref_slice %arg4[%add3A_19] : memref<32768xf32, #tpu.memory_space<hbm>> -> memref<128xf32, #tpu.memory_space<hbm>>
    tpu.enqueue_dma source(%dma_start3A_56 : memref<128xf32, #tpu.memory_space<hbm>>) target(%dma_start3A_55 : memref<128xf32, #tpu.memory_space<vmem>>) target_semaphore(%arg15 : memref<!tpu.dma_semaphore, #tpu.memory_space<semaphore_mem>>)
    %dma_start3A_57 = arith.constant 0 : i32
    %dma_start3A_58 = tpu.memref_slice %arg10[%dma_start3A_57] : memref<256xf32, #tpu.memory_space<vmem>> -> memref<128xf32, #tpu.memory_space<vmem>>
    %dma_start3A_59 = tpu.memref_slice %arg5[%add3A_19] : memref<32768xf32, #tpu.memory_space<hbm>> -> memref<128xf32, #tpu.memory_space<hbm>>
    %dma_start3A_60 = arith.constant 0 : i32
    %dma_start3A_61 = tpu.memref_slice %arg10[%dma_start3A_60] : memref<256xf32, #tpu.memory_space<vmem>> -> memref<128xf32, #tpu.memory_space<vmem>>
    %dma_start3A_62 = tpu.memref_slice %arg5[%add3A_19] : memref<32768xf32, #tpu.memory_space<hbm>> -> memref<128xf32, #tpu.memory_space<hbm>>
    tpu.enqueue_dma source(%dma_start3A_62 : memref<128xf32, #tpu.memory_space<hbm>>) target(%dma_start3A_61 : memref<128xf32, #tpu.memory_space<vmem>>) target_semaphore(%arg15 : memref<!tpu.dma_semaphore, #tpu.memory_space<semaphore_mem>>)
    %scan3A_63 = arith.constant 0 : i32
    %scan3A_64 = arith.constant 0 : i32
    %scan3A_65 = arith.constant 4 : i32
    %scan3A_66 = arith.addi %scan3A_64, %scan3A_65 : i32
    %scan3A_67 = arith.constant 1 : i32
    scf.for %scan3A_69 = %scan3A_64 to %scan3A_66 step %scan3A_67  : i32 {
      %mul3A_70 = arith.constant 2 : i32
      %mul3A_71 = arith.muli %scan3A_69, %mul3A_70 : i32
      %add3A_72 = arith.constant 0 : i32
      %add3A_73 = arith.addi %mul3A_71, %add3A_72 : i32
      %lt3A = arith.constant 7 : i32
      %lt3A_74 = arith.cmpi slt, %add3A_73, %lt3A : i32
      %convert_element_type3A = arith.extui %lt3A_74 : i1 to i32
      %cond3A = arith.constant 0 : i32
      %cond3A_75 = arith.cmpi ne, %convert_element_type3A, %cond3A : i32
      scf.if %cond3A_75 {
        %add3A_329 = arith.constant 1 : i32
        %add3A_330 = arith.addi %add3A_73, %add3A_329 : i32
        %mul3A_331 = arith.constant 1024 : i32
        %mul3A_332 = arith.muli %add3A, %mul3A_331 : i32
        %mul3A_333 = arith.constant 128 : i32
        %mul3A_334 = arith.muli %add3A_330, %mul3A_333 : i32
        %add3A_335 = arith.addi %mul3A_332, %mul3A_334 : i32
        %mul3A_336 = arith.constant 8 : i32
        %mul3A_337 = arith.muli %add3A, %mul3A_336 : i32
        %add3A_338 = arith.addi %mul3A_337, %add3A_330 : i32
        %dma_start3A_339 = arith.constant 64 : i32
        %dma_start3A_340 = arith.constant 0 : i32
        %dma_start3A_341 = tpu.memref_slice %arg7[%dma_start3A_339, %dma_start3A_340] : memref<128x128xf32, #tpu.memory_space<vmem>> -> memref<64x128xf32, #tpu.memory_space<vmem>>
        %dma_start3A_342 = arith.constant 0 : i32
        %dma_start3A_343 = arith.constant 0 : i32
        %dma_start3A_344 = tpu.memref_slice %arg2[%add3A_338, %dma_start3A_342, %dma_start3A_343] : memref<256x64x128xf32, #tpu.memory_space<hbm>> -> memref<1x64x128xf32, #tpu.memory_space<hbm>>
        %dma_start3A_345 = tpu.memref_squeeze %dma_start3A_344 : memref<1x64x128xf32, #tpu.memory_space<hbm>> -> memref<64x128xf32, #tpu.memory_space<hbm>>
        %dma_start3A_346 = arith.constant 64 : i32
        %dma_start3A_347 = arith.constant 0 : i32
        %dma_start3A_348 = tpu.memref_slice %arg7[%dma_start3A_346, %dma_start3A_347] : memref<128x128xf32, #tpu.memory_space<vmem>> -> memref<64x128xf32, #tpu.memory_space<vmem>>
        %dma_start3A_349 = arith.constant 0 : i32
        %dma_start3A_350 = arith.constant 0 : i32
        %dma_start3A_351 = tpu.memref_slice %arg2[%add3A_338, %dma_start3A_349, %dma_start3A_350] : memref<256x64x128xf32, #tpu.memory_space<hbm>> -> memref<1x64x128xf32, #tpu.memory_space<hbm>>
        %dma_start3A_352 = tpu.memref_squeeze %dma_start3A_351 : memref<1x64x128xf32, #tpu.memory_space<hbm>> -> memref<64x128xf32, #tpu.memory_space<hbm>>
        tpu.enqueue_dma source(%dma_start3A_352 : memref<64x128xf32, #tpu.memory_space<hbm>>) target(%dma_start3A_348 : memref<64x128xf32, #tpu.memory_space<vmem>>) target_semaphore(%arg16 : memref<!tpu.dma_semaphore, #tpu.memory_space<semaphore_mem>>)
        %dma_start3A_353 = arith.constant 66 : i32
        %dma_start3A_354 = arith.constant 0 : i32
        %dma_start3A_355 = tpu.memref_slice %arg8[%dma_start3A_353, %dma_start3A_354] : memref<132x128xf32, #tpu.memory_space<vmem>> -> memref<65x128xf32, #tpu.memory_space<vmem>>
        %dma_start3A_356 = arith.constant 0 : i32
        %dma_start3A_357 = arith.constant 0 : i32
        %dma_start3A_358 = tpu.memref_slice %arg3[%add3A_338, %dma_start3A_356, %dma_start3A_357] : memref<256x65x128xf32, #tpu.memory_space<hbm>> -> memref<1x65x128xf32, #tpu.memory_space<hbm>>
        %dma_start3A_359 = tpu.memref_squeeze %dma_start3A_358 : memref<1x65x128xf32, #tpu.memory_space<hbm>> -> memref<65x128xf32, #tpu.memory_space<hbm>>
        %dma_start3A_360 = arith.constant 66 : i32
        %dma_start3A_361 = arith.constant 0 : i32
        %dma_start3A_362 = tpu.memref_slice %arg8[%dma_start3A_360, %dma_start3A_361] : memref<132x128xf32, #tpu.memory_space<vmem>> -> memref<65x128xf32, #tpu.memory_space<vmem>>
        %dma_start3A_363 = arith.constant 0 : i32
        %dma_start3A_364 = arith.constant 0 : i32
        %dma_start3A_365 = tpu.memref_slice %arg3[%add3A_338, %dma_start3A_363, %dma_start3A_364] : memref<256x65x128xf32, #tpu.memory_space<hbm>> -> memref<1x65x128xf32, #tpu.memory_space<hbm>>
        %dma_start3A_366 = tpu.memref_squeeze %dma_start3A_365 : memref<1x65x128xf32, #tpu.memory_space<hbm>> -> memref<65x128xf32, #tpu.memory_space<hbm>>
        tpu.enqueue_dma source(%dma_start3A_366 : memref<65x128xf32, #tpu.memory_space<hbm>>) target(%dma_start3A_362 : memref<65x128xf32, #tpu.memory_space<vmem>>) target_semaphore(%arg16 : memref<!tpu.dma_semaphore, #tpu.memory_space<semaphore_mem>>)
        %dma_start3A_367 = arith.constant 128 : i32
        %dma_start3A_368 = tpu.memref_slice %arg9[%dma_start3A_367] : memref<256xf32, #tpu.memory_space<vmem>> -> memref<128xf32, #tpu.memory_space<vmem>>
        %dma_start3A_369 = tpu.memref_slice %arg4[%add3A_335] : memref<32768xf32, #tpu.memory_space<hbm>> -> memref<128xf32, #tpu.memory_space<hbm>>
        %dma_start3A_370 = arith.constant 128 : i32
        %dma_start3A_371 = tpu.memref_slice %arg9[%dma_start3A_370] : memref<256xf32, #tpu.memory_space<vmem>> -> memref<128xf32, #tpu.memory_space<vmem>>
        %dma_start3A_372 = tpu.memref_slice %arg4[%add3A_335] : memref<32768xf32, #tpu.memory_space<hbm>> -> memref<128xf32, #tpu.memory_space<hbm>>
        tpu.enqueue_dma source(%dma_start3A_372 : memref<128xf32, #tpu.memory_space<hbm>>) target(%dma_start3A_371 : memref<128xf32, #tpu.memory_space<vmem>>) target_semaphore(%arg16 : memref<!tpu.dma_semaphore, #tpu.memory_space<semaphore_mem>>)
        %dma_start3A_373 = arith.constant 128 : i32
        %dma_start3A_374 = tpu.memref_slice %arg10[%dma_start3A_373] : memref<256xf32, #tpu.memory_space<vmem>> -> memref<128xf32, #tpu.memory_space<vmem>>
        %dma_start3A_375 = tpu.memref_slice %arg5[%add3A_335] : memref<32768xf32, #tpu.memory_space<hbm>> -> memref<128xf32, #tpu.memory_space<hbm>>
        %dma_start3A_376 = arith.constant 128 : i32
        %dma_start3A_377 = tpu.memref_slice %arg10[%dma_start3A_376] : memref<256xf32, #tpu.memory_space<vmem>> -> memref<128xf32, #tpu.memory_space<vmem>>
        %dma_start3A_378 = tpu.memref_slice %arg5[%add3A_335] : memref<32768xf32, #tpu.memory_space<hbm>> -> memref<128xf32, #tpu.memory_space<hbm>>
        tpu.enqueue_dma source(%dma_start3A_378 : memref<128xf32, #tpu.memory_space<hbm>>) target(%dma_start3A_377 : memref<128xf32, #tpu.memory_space<vmem>>) target_semaphore(%arg16 : memref<!tpu.dma_semaphore, #tpu.memory_space<semaphore_mem>>)
      } else {
      }
      %mul3A_76 = arith.constant 1024 : i32
      %mul3A_77 = arith.muli %add3A, %mul3A_76 : i32
      %mul3A_78 = arith.constant 128 : i32
      %mul3A_79 = arith.muli %add3A_73, %mul3A_78 : i32
      %add3A_80 = arith.addi %mul3A_77, %mul3A_79 : i32
      %mul3A_81 = arith.constant 8 : i32
      %mul3A_82 = arith.muli %add3A, %mul3A_81 : i32
      %add3A_83 = arith.addi %mul3A_82, %add3A_73 : i32
      %dma_wait3A = arith.constant 0 : i32
      %dma_wait3A_84 = arith.constant 0 : i32
      %dma_wait3A_85 = tpu.memref_slice %arg7[%dma_wait3A, %dma_wait3A_84] : memref<128x128xf32, #tpu.memory_space<vmem>> -> memref<64x128xf32, #tpu.memory_space<vmem>>
      %dma_wait3A_86 = arith.constant 0 : i32
      %dma_wait3A_87 = arith.constant 0 : i32
      %dma_wait3A_88 = tpu.memref_slice %arg2[%add3A_83, %dma_wait3A_86, %dma_wait3A_87] : memref<256x64x128xf32, #tpu.memory_space<hbm>> -> memref<1x64x128xf32, #tpu.memory_space<hbm>>
      %dma_wait3A_89 = tpu.memref_squeeze %dma_wait3A_88 : memref<1x64x128xf32, #tpu.memory_space<hbm>> -> memref<64x128xf32, #tpu.memory_space<hbm>>
      %dma_wait3A_90 = arith.constant 0 : i32
      %dma_wait3A_91 = arith.constant 0 : i32
      %dma_wait3A_92 = tpu.memref_slice %arg7[%dma_wait3A_90, %dma_wait3A_91] : memref<128x128xf32, #tpu.memory_space<vmem>> -> memref<64x128xf32, #tpu.memory_space<vmem>>
      %dma_wait3A_93 = arith.constant 0 : i32
      %dma_wait3A_94 = arith.constant 0 : i32
      %dma_wait3A_95 = tpu.memref_slice %arg2[%add3A_83, %dma_wait3A_93, %dma_wait3A_94] : memref<256x64x128xf32, #tpu.memory_space<hbm>> -> memref<1x64x128xf32, #tpu.memory_space<hbm>>
      %dma_wait3A_96 = tpu.memref_squeeze %dma_wait3A_95 : memref<1x64x128xf32, #tpu.memory_space<hbm>> -> memref<64x128xf32, #tpu.memory_space<hbm>>
      tpu.wait_dma2 semaphore(%arg15 : memref<!tpu.dma_semaphore, #tpu.memory_space<semaphore_mem>>) src(%dma_wait3A_96 : memref<64x128xf32, #tpu.memory_space<hbm>>) dst(%dma_wait3A_92 : memref<64x128xf32, #tpu.memory_space<vmem>>)
      %dma_wait3A_97 = arith.constant 0 : i32
      %dma_wait3A_98 = arith.constant 0 : i32
      %dma_wait3A_99 = tpu.memref_slice %arg8[%dma_wait3A_97, %dma_wait3A_98] : memref<132x128xf32, #tpu.memory_space<vmem>> -> memref<65x128xf32, #tpu.memory_space<vmem>>
      %dma_wait3A_100 = arith.constant 0 : i32
      %dma_wait3A_101 = arith.constant 0 : i32
      %dma_wait3A_102 = tpu.memref_slice %arg3[%add3A_83, %dma_wait3A_100, %dma_wait3A_101] : memref<256x65x128xf32, #tpu.memory_space<hbm>> -> memref<1x65x128xf32, #tpu.memory_space<hbm>>
      %dma_wait3A_103 = tpu.memref_squeeze %dma_wait3A_102 : memref<1x65x128xf32, #tpu.memory_space<hbm>> -> memref<65x128xf32, #tpu.memory_space<hbm>>
      %dma_wait3A_104 = arith.constant 0 : i32
      %dma_wait3A_105 = arith.constant 0 : i32
      %dma_wait3A_106 = tpu.memref_slice %arg8[%dma_wait3A_104, %dma_wait3A_105] : memref<132x128xf32, #tpu.memory_space<vmem>> -> memref<65x128xf32, #tpu.memory_space<vmem>>
      %dma_wait3A_107 = arith.constant 0 : i32
      %dma_wait3A_108 = arith.constant 0 : i32
      %dma_wait3A_109 = tpu.memref_slice %arg3[%add3A_83, %dma_wait3A_107, %dma_wait3A_108] : memref<256x65x128xf32, #tpu.memory_space<hbm>> -> memref<1x65x128xf32, #tpu.memory_space<hbm>>
      %dma_wait3A_110 = tpu.memref_squeeze %dma_wait3A_109 : memref<1x65x128xf32, #tpu.memory_space<hbm>> -> memref<65x128xf32, #tpu.memory_space<hbm>>
      tpu.wait_dma2 semaphore(%arg15 : memref<!tpu.dma_semaphore, #tpu.memory_space<semaphore_mem>>) src(%dma_wait3A_110 : memref<65x128xf32, #tpu.memory_space<hbm>>) dst(%dma_wait3A_106 : memref<65x128xf32, #tpu.memory_space<vmem>>)
      %dma_wait3A_111 = arith.constant 0 : i32
      %dma_wait3A_112 = tpu.memref_slice %arg9[%dma_wait3A_111] : memref<256xf32, #tpu.memory_space<vmem>> -> memref<128xf32, #tpu.memory_space<vmem>>
      %dma_wait3A_113 = tpu.memref_slice %arg4[%add3A_80] : memref<32768xf32, #tpu.memory_space<hbm>> -> memref<128xf32, #tpu.memory_space<hbm>>
      %dma_wait3A_114 = arith.constant 0 : i32
      %dma_wait3A_115 = tpu.memref_slice %arg9[%dma_wait3A_114] : memref<256xf32, #tpu.memory_space<vmem>> -> memref<128xf32, #tpu.memory_space<vmem>>
      %dma_wait3A_116 = tpu.memref_slice %arg4[%add3A_80] : memref<32768xf32, #tpu.memory_space<hbm>> -> memref<128xf32, #tpu.memory_space<hbm>>
      tpu.wait_dma2 semaphore(%arg15 : memref<!tpu.dma_semaphore, #tpu.memory_space<semaphore_mem>>) src(%dma_wait3A_116 : memref<128xf32, #tpu.memory_space<hbm>>) dst(%dma_wait3A_115 : memref<128xf32, #tpu.memory_space<vmem>>)
      %dma_wait3A_117 = arith.constant 0 : i32
      %dma_wait3A_118 = tpu.memref_slice %arg10[%dma_wait3A_117] : memref<256xf32, #tpu.memory_space<vmem>> -> memref<128xf32, #tpu.memory_space<vmem>>
      %dma_wait3A_119 = tpu.memref_slice %arg5[%add3A_80] : memref<32768xf32, #tpu.memory_space<hbm>> -> memref<128xf32, #tpu.memory_space<hbm>>
      %dma_wait3A_120 = arith.constant 0 : i32
      %dma_wait3A_121 = tpu.memref_slice %arg10[%dma_wait3A_120] : memref<256xf32, #tpu.memory_space<vmem>> -> memref<128xf32, #tpu.memory_space<vmem>>
      %dma_wait3A_122 = tpu.memref_slice %arg5[%add3A_80] : memref<32768xf32, #tpu.memory_space<hbm>> -> memref<128xf32, #tpu.memory_space<hbm>>
      tpu.wait_dma2 semaphore(%arg15 : memref<!tpu.dma_semaphore, #tpu.memory_space<semaphore_mem>>) src(%dma_wait3A_122 : memref<128xf32, #tpu.memory_space<hbm>>) dst(%dma_wait3A_121 : memref<128xf32, #tpu.memory_space<vmem>>)
      %mul3A_123 = arith.constant 1024 : i32
      %mul3A_124 = arith.muli %add3A, %mul3A_123 : i32
      %mul3A_125 = arith.constant 128 : i32
      %mul3A_126 = arith.muli %add3A_73, %mul3A_125 : i32
      %add3A_127 = arith.addi %mul3A_124, %mul3A_126 : i32
      %get3A = arith.constant 64 : i32
      %get3A_128 = arith.index_cast %get3A : i32 to index
      %get3A_129 = arith.constant 0 : index
      %get3A_130 = tpu.vector_load %arg8[%get3A_128, %get3A_129] {strides = array<i32>} : memref<132x128xf32, #tpu.memory_space<vmem>>, vector<16xf32>,
      %swap3A_131 = arith.constant 65 : i32
      %swap3A_132 = arith.index_cast %swap3A_131 : i32 to index
      %swap3A_133 = arith.constant 0 : index
      %swap3A_134 = tpu.vector_load %arg8[%swap3A_132, %swap3A_133] {strides = array<i32>} : memref<132x128xf32, #tpu.memory_space<vmem>>, vector<16xf32>,
      tpu.vector_store %arg8[%swap3A_132, %swap3A_133], %get3A_130 {strides = array<i32>} : memref<132x128xf32, #tpu.memory_space<vmem>>, vector<16xf32>,
      %get3A_135 = arith.constant 64 : i32
      %get3A_136 = arith.index_cast %get3A_135 : i32 to index
      %get3A_137 = arith.constant 16 : index
      %get3A_138 = tpu.vector_load %arg8[%get3A_136, %get3A_137] {strides = array<i32>} : memref<132x128xf32, #tpu.memory_space<vmem>>, vector<16xf32>,
      %swap3A_139 = arith.constant 65 : i32
      %swap3A_140 = arith.index_cast %swap3A_139 : i32 to index
      %swap3A_141 = arith.constant 16 : index
      %swap3A_142 = tpu.vector_load %arg8[%swap3A_140, %swap3A_141] {strides = array<i32>} : memref<132x128xf32, #tpu.memory_space<vmem>>, vector<16xf32>,
      tpu.vector_store %arg8[%swap3A_140, %swap3A_141], %get3A_138 {strides = array<i32>} : memref<132x128xf32, #tpu.memory_space<vmem>>, vector<16xf32>,
      %get3A_143 = arith.constant 64 : i32
      %get3A_144 = arith.index_cast %get3A_143 : i32 to index
      %get3A_145 = arith.constant 32 : index
      %get3A_146 = tpu.vector_load %arg8[%get3A_144, %get3A_145] {strides = array<i32>} : memref<132x128xf32, #tpu.memory_space<vmem>>, vector<16xf32>,
      %swap3A_147 = arith.constant 65 : i32
      %swap3A_148 = arith.index_cast %swap3A_147 : i32 to index
      %swap3A_149 = arith.constant 32 : index
      %swap3A_150 = tpu.vector_load %arg8[%swap3A_148, %swap3A_149] {strides = array<i32>} : memref<132x128xf32, #tpu.memory_space<vmem>>, vector<16xf32>,
      tpu.vector_store %arg8[%swap3A_148, %swap3A_149], %get3A_146 {strides = array<i32>} : memref<132x128xf32, #tpu.memory_space<vmem>>, vector<16xf32>,
      %get3A_151 = arith.constant 64 : i32
      %get3A_152 = arith.index_cast %get3A_151 : i32 to index
      %get3A_153 = arith.constant 48 : index
      %get3A_154 = tpu.vector_load %arg8[%get3A_152, %get3A_153] {strides = array<i32>} : memref<132x128xf32, #tpu.memory_space<vmem>>, vector<16xf32>,
      %swap3A_155 = arith.constant 65 : i32
      %swap3A_156 = arith.index_cast %swap3A_155 : i32 to index
      %swap3A_157 = arith.constant 48 : index
      %swap3A_158 = tpu.vector_load %arg8[%swap3A_156, %swap3A_157] {strides = array<i32>} : memref<132x128xf32, #tpu.memory_space<vmem>>, vector<16xf32>,
      tpu.vector_store %arg8[%swap3A_156, %swap3A_157], %get3A_154 {strides = array<i32>} : memref<132x128xf32, #tpu.memory_space<vmem>>, vector<16xf32>,
      %get3A_159 = arith.constant 64 : i32
      %get3A_160 = arith.index_cast %get3A_159 : i32 to index
      %get3A_161 = arith.constant 64 : index
      %get3A_162 = tpu.vector_load %arg8[%get3A_160, %get3A_161] {strides = array<i32>} : memref<132x128xf32, #tpu.memory_space<vmem>>, vector<16xf32>,
      %swap3A_163 = arith.constant 65 : i32
      %swap3A_164 = arith.index_cast %swap3A_163 : i32 to index
      %swap3A_165 = arith.constant 64 : index
      %swap3A_166 = tpu.vector_load %arg8[%swap3A_164, %swap3A_165] {strides = array<i32>} : memref<132x128xf32, #tpu.memory_space<vmem>>, vector<16xf32>,
      tpu.vector_store %arg8[%swap3A_164, %swap3A_165], %get3A_162 {strides = array<i32>} : memref<132x128xf32, #tpu.memory_space<vmem>>, vector<16xf32>,
      %get3A_167 = arith.constant 64 : i32
      %get3A_168 = arith.index_cast %get3A_167 : i32 to index
      %get3A_169 = arith.constant 80 : index
      %get3A_170 = tpu.vector_load %arg8[%get3A_168, %get3A_169] {strides = array<i32>} : memref<132x128xf32, #tpu.memory_space<vmem>>, vector<16xf32>,
      %swap3A_171 = arith.constant 65 : i32
      %swap3A_172 = arith.index_cast %swap3A_171 : i32 to index
      %swap3A_173 = arith.constant 80 : index
      %swap3A_174 = tpu.vector_load %arg8[%swap3A_172, %swap3A_173] {strides = array<i32>} : memref<132x128xf32, #tpu.memory_space<vmem>>, vector<16xf32>,
      tpu.vector_store %arg8[%swap3A_172, %swap3A_173], %get3A_170 {strides = array<i32>} : memref<132x128xf32, #tpu.memory_space<vmem>>, vector<16xf32>,
      %get3A_175 = arith.constant 64 : i32
      %get3A_176 = arith.index_cast %get3A_175 : i32 to index
      %get3A_177 = arith.constant 96 : index
      %get3A_178 = tpu.vector_load %arg8[%get3A_176, %get3A_177] {strides = array<i32>} : memref<132x128xf32, #tpu.memory_space<vmem>>, vector<16xf32>,
      %swap3A_179 = arith.constant 65 : i32
      %swap3A_180 = arith.index_cast %swap3A_179 : i32 to index
      %swap3A_181 = arith.constant 96 : index
      %swap3A_182 = tpu.vector_load %arg8[%swap3A_180, %swap3A_181] {strides = array<i32>} : memref<132x128xf32, #tpu.memory_space<vmem>>, vector<16xf32>,
      tpu.vector_store %arg8[%swap3A_180, %swap3A_181], %get3A_178 {strides = array<i32>} : memref<132x128xf32, #tpu.memory_space<vmem>>, vector<16xf32>,
      %get3A_183 = arith.constant 64 : i32
      %get3A_184 = arith.index_cast %get3A_183 : i32 to index
      %get3A_185 = arith.constant 112 : index
      %get3A_186 = tpu.vector_load %arg8[%get3A_184, %get3A_185] {strides = array<i32>} : memref<132x128xf32, #tpu.memory_space<vmem>>, vector<16xf32>,
      %swap3A_187 = arith.constant 65 : i32
      %swap3A_188 = arith.index_cast %swap3A_187 : i32 to index
      %swap3A_189 = arith.constant 112 : index
      %swap3A_190 = tpu.vector_load %arg8[%swap3A_188, %swap3A_189] {strides = array<i32>} : memref<132x128xf32, #tpu.memory_space<vmem>>, vector<16xf32>,
      tpu.vector_store %arg8[%swap3A_188, %swap3A_189], %get3A_186 {strides = array<i32>} : memref<132x128xf32, #tpu.memory_space<vmem>>, vector<16xf32>,
      %scan3A_191 = arith.constant 0 : i32
      %scan3A_192 = arith.constant 0 : i32
      %scan3A_193 = arith.constant 8 : i32
      %scan3A_194 = arith.addi %scan3A_192, %scan3A_193 : i32
      %scan3A_195 = arith.constant 1 : i32
      scf.for %scan3A_329 = %scan3A_192 to %scan3A_194 step %scan3A_195  : i32 {
        %mul3A_330 = arith.constant 16 : i32
        %mul3A_331 = arith.muli %scan3A_329, %mul3A_330 : i32
        %add3A_332 = arith.constant 0 : i32
        %add3A_333 = arith.addi %mul3A_331, %add3A_332 : i32
        %add3A_334 = vector.broadcast %add3A_333 : i32 to vector<16xi32>
        %add3A_335 = arith.addi %add3A_334, %iota3A : vector<16xi32>
        %add3A_336 = arith.constant 0 : i32
        %add3A_337 = arith.addi %add3A_336, %add3A_333 : i32
        %get3A_338 = arith.index_cast %add3A_337 : i32 to index
        %get3A_339 = tpu.vector_load %arg9[%get3A_338] {strides = array<i32>} : memref<256xf32, #tpu.memory_space<vmem>>, vector<16xf32>,
        %add3A_340 = arith.constant 0 : i32
        %add3A_341 = arith.addi %add3A_340, %add3A_333 : i32
        %get3A_342 = arith.index_cast %add3A_341 : i32 to index
        %get3A_343 = tpu.vector_load %arg10[%get3A_342] {strides = array<i32>} : memref<256xf32, #tpu.memory_space<vmem>>, vector<16xf32>,
        %sub3A_344 = arith.subf %get3A_343, %get3A_339 : vector<16xf32>
        %parallel_loop3A = arith.constant 0 : i32
        %parallel_loop3A_345 = arith.constant 64 : i32
        %parallel_loop3A_346 = arith.constant 1 : i32
        %parallel_loop3A_347 = scf.for %parallel_loop3A_390 = %parallel_loop3A to %parallel_loop3A_345 step %parallel_loop3A_346 iter_args(%parallel_loop3A_391 = %broadcast_in_dim3A_7) -> (vector<16xf32>)  : i32 {
          %parallel_loop3A_392 = arith.constant 0 : i32
          %parallel_loop3A_393 = arith.addi %parallel_loop3A_392, %parallel_loop3A_390 : i32
          %parallel_loop3A_394 = arith.index_cast %parallel_loop3A_393 : i32 to index
          %parallel_loop3A_395 = arith.index_cast %add3A_333 : i32 to index
          %parallel_loop3A_396 = tpu.vector_load %arg7[%parallel_loop3A_394, %parallel_loop3A_395] {strides = array<i32>} : memref<128x128xf32, #tpu.memory_space<vmem>>, vector<16xf32>,
          %parallel_loop3A_397 = arith.addf %parallel_loop3A_391, %parallel_loop3A_396 : vector<16xf32>
          %parallel_loop3A_398 = arith.constant 1 : i32
          %parallel_loop3A_399 = arith.addi %parallel_loop3A_390, %parallel_loop3A_398 : i32
          %parallel_loop3A_400 = arith.constant 16 : i32
          %parallel_loop3A_401 = arith.muli %parallel_loop3A_399, %parallel_loop3A_400 : i32
          %parallel_loop3A_402 = arith.index_cast %parallel_loop3A_401 : i32 to index
          %parallel_loop3A_403 = tpu.vector_load %arg12[%parallel_loop3A_402] {strides = array<i32>} : memref<1056xf32, #tpu.memory_space<vmem>>, vector<16xf32>,
          tpu.vector_store %arg12[%parallel_loop3A_402], %parallel_loop3A_397 {strides = array<i32>} : memref<1056xf32, #tpu.memory_space<vmem>>, vector<16xf32>,
          scf.yield %parallel_loop3A_397 : vector<16xf32>
        } {sc.loop_unroll_factor = 8 : i64, sc.parallel_access}
        %add3A_348 = arith.constant 6.400000e-01 : f32
        %add3A_349 = vector.broadcast %add3A_348 : f32 to vector<16xf32>
        %add3A_350 = arith.addf %parallel_loop3A_347, %add3A_349 : vector<16xf32>
        %sub3A_351 = arith.constant 9.99999974E-6 : f32
        %sub3A_352 = vector.broadcast %sub3A_351 : f32 to vector<16xf32>
        %sub3A_353 = arith.subf %sub3A_352, %add3A_350 : vector<16xf32>
        %max3A = arith.constant 0.000000e+00 : f32
        %max3A_354 = vector.broadcast %max3A : f32 to vector<16xf32>
        %max3A_355 = arith.maximumf %sub3A_353, %max3A_354 : vector<16xf32>
        %mul3A_356 = arith.constant 1.562500e-02 : f32
        %mul3A_357 = vector.broadcast %mul3A_356 : f32 to vector<16xf32>
        %mul3A_358 = arith.mulf %max3A_355, %mul3A_357 : vector<16xf32>
        %add3A_359 = arith.constant 0.00999999977 : f32
        %add3A_360 = vector.broadcast %add3A_359 : f32 to vector<16xf32>
        %add3A_361 = arith.addf %mul3A_358, %add3A_360 : vector<16xf32>
        %add3A_362 = arith.addf %add3A_350, %max3A_355 : vector<16xf32>
        %div3A = arith.constant 1.000000e+00 : f32
        %div3A_363 = vector.broadcast %div3A : f32 to vector<16xf32>
        %div3A_364 = arith.divf %div3A_363, %add3A_362 : vector<16xf32>
        %get3A_365 = arith.constant 0 : i32
        %get3A_366 = arith.index_cast %get3A_365 : i32 to index
        %get3A_367 = arith.index_cast %add3A_333 : i32 to index
        %get3A_368 = tpu.vector_load %arg8[%get3A_366, %get3A_367] {strides = array<i32>} : memref<132x128xf32, #tpu.memory_space<vmem>>, vector<16xf32>,
        %mul3A_369 = arith.mulf %get3A_368, %sub3A_344 : vector<16xf32>
        %add3A_370 = arith.addf %mul3A_369, %get3A_339 : vector<16xf32>
        tpu.vector_store_idx %arg11[%add3A_335, %broadcast_in_dim3A_5], %add3A_370 : memref<128x130xf32, #tpu.memory_space<vmem>>[vector<16xi32>, vector<16xi32>], vector<16xf32>,
        %parallel_loop3A_371 = arith.constant 1 : i32
        %parallel_loop3A_372 = arith.constant 65 : i32
        %parallel_loop3A_373 = arith.constant 1 : i32
        %parallel_loop3A_374 = scf.for %parallel_loop3A_390 = %parallel_loop3A_371 to %parallel_loop3A_372 step %parallel_loop3A_373 iter_args(%parallel_loop3A_391 = %broadcast_in_dim3A_7) -> (vector<16xf32>)  : i32 {
          %parallel_loop3A_392 = arith.addf %parallel_loop3A_391, %add3A_361 : vector<16xf32>
          %parallel_loop3A_393 = arith.constant 16 : i32
          %parallel_loop3A_394 = arith.muli %parallel_loop3A_390, %parallel_loop3A_393 : i32
          %parallel_loop3A_395 = arith.index_cast %parallel_loop3A_394 : i32 to index
          %parallel_loop3A_396 = tpu.vector_load %arg12[%parallel_loop3A_395] {strides = array<i32>} : memref<1056xf32, #tpu.memory_space<vmem>>, vector<16xf32>,
          %parallel_loop3A_397 = arith.addf %parallel_loop3A_396, %parallel_loop3A_392 : vector<16xf32>
          %parallel_loop3A_398 = arith.mulf %parallel_loop3A_397, %div3A_364 : vector<16xf32>
          %parallel_loop3A_399 = arith.constant 1.000000e+00 : f32
          %parallel_loop3A_400 = vector.broadcast %parallel_loop3A_399 : f32 to vector<16xf32>
          %parallel_loop3A_401 = arith.minimumf %parallel_loop3A_400, %parallel_loop3A_398 : vector<16xf32>
          %parallel_loop3A_402 = arith.constant 16 : i32
          %parallel_loop3A_403 = arith.muli %parallel_loop3A_390, %parallel_loop3A_402 : i32
          %parallel_loop3A_404 = arith.index_cast %parallel_loop3A_403 : i32 to index
          %parallel_loop3A_405 = tpu.vector_load %arg13[%parallel_loop3A_404] {strides = array<i32>} : memref<1056xf32, #tpu.memory_space<vmem>>, vector<16xf32>,
          tpu.vector_store %arg13[%parallel_loop3A_404], %parallel_loop3A_401 {strides = array<i32>} : memref<1056xf32, #tpu.memory_space<vmem>>, vector<16xf32>,
          %parallel_loop3A_406 = arith.constant 6.500000e+01 : f32
          %parallel_loop3A_407 = vector.broadcast %parallel_loop3A_406 : f32 to vector<16xf32>
          %parallel_loop3A_408 = arith.mulf %parallel_loop3A_401, %parallel_loop3A_407 : vector<16xf32>
          %parallel_loop3A_409 = arith.constant 5.000000e-01 : f32
          %parallel_loop3A_410 = vector.broadcast %parallel_loop3A_409 : f32 to vector<16xf32>
          %parallel_loop3A_411 = arith.subf %parallel_loop3A_408, %parallel_loop3A_410 : vector<16xf32>
          %parallel_loop3A_412 = arith.fptosi %parallel_loop3A_411 : vector<16xf32> to vector<16xi32>
          %parallel_loop3A_413 = arith.sitofp %parallel_loop3A_412 : vector<16xi32> to vector<16xf32>
          %parallel_loop3A_414 = arith.cmpf ogt, %parallel_loop3A_411, %parallel_loop3A_413 : vector<16xf32>
          %parallel_loop3A_415 = arith.extui %parallel_loop3A_414 : vector<16xi1> to vector<16xi32>
          %parallel_loop3A_416 = arith.addi %parallel_loop3A_412, %parallel_loop3A_415 : vector<16xi32>
          %parallel_loop3A_417 = arith.constant 16 : i32
          %parallel_loop3A_418 = vector.broadcast %parallel_loop3A_417 : i32 to vector<16xi32>
          %parallel_loop3A_419 = arith.muli %parallel_loop3A_416, %parallel_loop3A_418 : vector<16xi32>
          %parallel_loop3A_420 = arith.addi %parallel_loop3A_419, %iota3A : vector<16xi32>
          tpu.vector_store_idx %arg14[%parallel_loop3A_420], %broadcast_in_dim3A_3 {add = true} : memref<1056xi32, #tpu.memory_space<vmem>>[vector<16xi32>], vector<16xi32>,
          %parallel_loop3A_421 = arith.constant 0 : i32
          %parallel_loop3A_422 = arith.addi %parallel_loop3A_421, %parallel_loop3A_390 : i32
          %parallel_loop3A_423 = arith.index_cast %parallel_loop3A_422 : i32 to index
          %parallel_loop3A_424 = arith.index_cast %add3A_333 : i32 to index
          %parallel_loop3A_425 = tpu.vector_load %arg8[%parallel_loop3A_423, %parallel_loop3A_424] {strides = array<i32>} : memref<132x128xf32, #tpu.memory_space<vmem>>, vector<16xf32>,
          %parallel_loop3A_426 = vector.broadcast %parallel_loop3A_390 : i32 to vector<16xi32>
          %parallel_loop3A_427 = arith.addi %parallel_loop3A_416, %parallel_loop3A_426 : vector<16xi32>
          %parallel_loop3A_428 = arith.mulf %parallel_loop3A_425, %sub3A_344 : vector<16xf32>
          %parallel_loop3A_429 = arith.addf %parallel_loop3A_428, %get3A_339 : vector<16xf32>
          tpu.vector_store_idx %arg11[%add3A_335, %parallel_loop3A_427], %parallel_loop3A_429 : memref<128x130xf32, #tpu.memory_space<vmem>>[vector<16xi32>, vector<16xi32>], vector<16xf32>,
          scf.yield %parallel_loop3A_392 : vector<16xf32>
        } {sc.loop_unroll_factor = 8 : i64, sc.parallel_access}
        %get3A_375 = arith.constant 1024 : index
        %get3A_376 = tpu.vector_load %arg13[%get3A_375] {strides = array<i32>} : memref<1056xf32, #tpu.memory_space<vmem>>, vector<16xf32>,
        %swap3A_377 = arith.constant 1040 : index
        %swap3A_378 = tpu.vector_load %arg13[%swap3A_377] {strides = array<i32>} : memref<1056xf32, #tpu.memory_space<vmem>>, vector<16xf32>,
        tpu.vector_store %arg13[%swap3A_377], %get3A_376 {strides = array<i32>} : memref<1056xf32, #tpu.memory_space<vmem>>, vector<16xf32>,
        %broadcast_in_dim3A_379 = arith.constant -0.0076923077 : f32
        %broadcast_in_dim3A_380 = vector.broadcast %broadcast_in_dim3A_379 : f32 to vector<16xf32>
        %parallel_loop3A_381 = arith.constant 0 : i32
        %parallel_loop3A_382 = arith.constant 65 : i32
        %parallel_loop3A_383 = arith.constant 1 : i32
        %parallel_loop3A_384:2 = scf.for %parallel_loop3A_390 = %parallel_loop3A_381 to %parallel_loop3A_382 step %parallel_loop3A_383 iter_args(%parallel_loop3A_391 = %broadcast_in_dim3A_5, %parallel_loop3A_392 = %broadcast_in_dim3A_380) -> (vector<16xi32>, vector<16xf32>)  : i32 {
          %parallel_loop3A_393 = arith.constant 16 : i32
          %parallel_loop3A_394 = arith.muli %parallel_loop3A_390, %parallel_loop3A_393 : i32
          %parallel_loop3A_395 = arith.index_cast %parallel_loop3A_394 : i32 to index
          %parallel_loop3A_396 = tpu.vector_load %arg14[%parallel_loop3A_395] {strides = array<i32>} : memref<1056xi32, #tpu.memory_space<vmem>>, vector<16xi32>,
          %parallel_loop3A_397 = arith.addi %parallel_loop3A_391, %parallel_loop3A_396 : vector<16xi32>
          %parallel_loop3A_398 = arith.constant 0.0153846154 : f32
          %parallel_loop3A_399 = vector.broadcast %parallel_loop3A_398 : f32 to vector<16xf32>
          %parallel_loop3A_400 = arith.addf %parallel_loop3A_392, %parallel_loop3A_399 : vector<16xf32>
          %parallel_loop3A_401 = arith.constant 16 : i32
          %parallel_loop3A_402 = vector.broadcast %parallel_loop3A_401 : i32 to vector<16xi32>
          %parallel_loop3A_403 = arith.muli %parallel_loop3A_397, %parallel_loop3A_402 : vector<16xi32>
          %parallel_loop3A_404 = arith.addi %parallel_loop3A_403, %sub3A_2 : vector<16xi32>
          %parallel_loop3A_405 = tpu.vector_load_idx %arg13[%parallel_loop3A_404] : memref<1056xf32, #tpu.memory_space<vmem>>[vector<16xi32>], vector<16xf32>,
          %parallel_loop3A_406 = arith.constant 16 : i32
          %parallel_loop3A_407 = vector.broadcast %parallel_loop3A_406 : i32 to vector<16xi32>
          %parallel_loop3A_408 = arith.addi %parallel_loop3A_404, %parallel_loop3A_407 : vector<16xi32>
          %parallel_loop3A_409 = tpu.vector_load_idx %arg13[%parallel_loop3A_408] : memref<1056xf32, #tpu.memory_space<vmem>>[vector<16xi32>], vector<16xf32>,
          %parallel_loop3A_410 = arith.constant -1 : i32
          %parallel_loop3A_411 = vector.broadcast %parallel_loop3A_410 : i32 to vector<16xi32>
          %parallel_loop3A_412 = arith.addi %parallel_loop3A_397, %parallel_loop3A_411 : vector<16xi32>
          %parallel_loop3A_413 = tpu.vector_load_idx %arg8[%parallel_loop3A_412, %add3A_335] : memref<132x128xf32, #tpu.memory_space<vmem>>[vector<16xi32>, vector<16xi32>], vector<16xf32>,
          %parallel_loop3A_414 = arith.constant 1 : i32
          %parallel_loop3A_415 = vector.broadcast %parallel_loop3A_414 : i32 to vector<16xi32>
          %parallel_loop3A_416 = arith.addi %parallel_loop3A_412, %parallel_loop3A_415 : vector<16xi32>
          %parallel_loop3A_417 = tpu.vector_load_idx %arg8[%parallel_loop3A_416, %add3A_335] : memref<132x128xf32, #tpu.memory_space<vmem>>[vector<16xi32>, vector<16xi32>], vector<16xf32>,
          %parallel_loop3A_418 = arith.subf %parallel_loop3A_409, %parallel_loop3A_405 : vector<16xf32>
          %parallel_loop3A_419 = arith.constant 9.99999996E-13 : f32
          %parallel_loop3A_420 = vector.broadcast %parallel_loop3A_419 : f32 to vector<16xf32>
          %parallel_loop3A_421 = arith.cmpf ogt, %parallel_loop3A_418, %parallel_loop3A_420 : vector<16xf32>
          %parallel_loop3A_422 = arith.constant 1.000000e+00 : f32
          %parallel_loop3A_423 = vector.broadcast %parallel_loop3A_422 : f32 to vector<16xf32>
          %parallel_loop3A_424 = arith.select %parallel_loop3A_421, %parallel_loop3A_418, %parallel_loop3A_423 : vector<16xi1>, vector<16xf32>
          %parallel_loop3A_425 = arith.subf %parallel_loop3A_400, %parallel_loop3A_405 : vector<16xf32>
          %parallel_loop3A_426 = arith.divf %parallel_loop3A_425, %parallel_loop3A_424 : vector<16xf32>
          %parallel_loop3A_427 = arith.constant 0.000000e+00 : f32
          %parallel_loop3A_428 = vector.broadcast %parallel_loop3A_427 : f32 to vector<16xf32>
          %parallel_loop3A_429 = arith.select %parallel_loop3A_421, %parallel_loop3A_426, %parallel_loop3A_428 : vector<16xi1>, vector<16xf32>
          %parallel_loop3A_430 = arith.constant 0.000000e+00 : f32
          %parallel_loop3A_431 = arith.constant 1.000000e+00 : f32
          %parallel_loop3A_432 = vector.broadcast %parallel_loop3A_430 : f32 to vector<16xf32>
          %parallel_loop3A_433 = arith.maximumf %parallel_loop3A_432, %parallel_loop3A_429 : vector<16xf32>
          %parallel_loop3A_434 = vector.broadcast %parallel_loop3A_431 : f32 to vector<16xf32>
          %parallel_loop3A_435 = arith.minimumf %parallel_loop3A_434, %parallel_loop3A_433 : vector<16xf32>
          %parallel_loop3A_436 = arith.subf %parallel_loop3A_417, %parallel_loop3A_413 : vector<16xf32>
          %parallel_loop3A_437 = arith.mulf %parallel_loop3A_435, %parallel_loop3A_436 : vector<16xf32>
          %parallel_loop3A_438 = arith.addf %parallel_loop3A_413, %parallel_loop3A_437 : vector<16xf32>
          %parallel_loop3A_439 = vector.broadcast %parallel_loop3A_390 : i32 to vector<16xi32>
          %parallel_loop3A_440 = arith.addi %parallel_loop3A_397, %parallel_loop3A_439 : vector<16xi32>
          %parallel_loop3A_441 = arith.mulf %parallel_loop3A_438, %sub3A_344 : vector<16xf32>
          %parallel_loop3A_442 = arith.addf %parallel_loop3A_441, %get3A_339 : vector<16xf32>
          tpu.vector_store_idx %arg11[%add3A_335, %parallel_loop3A_440], %parallel_loop3A_442 : memref<128x130xf32, #tpu.memory_space<vmem>>[vector<16xi32>, vector<16xi32>], vector<16xf32>,
          scf.yield %parallel_loop3A_397, %parallel_loop3A_400 : vector<16xi32>, vector<16xf32>
        } {sc.loop_unroll_factor = 8 : i64, sc.parallel_access}
        %parallel_loop3A_385 = arith.constant 1 : i32
        %parallel_loop3A_386 = arith.constant 65 : i32
        %parallel_loop3A_387 = arith.constant 1 : i32
        scf.for %parallel_loop3A_390 = %parallel_loop3A_385 to %parallel_loop3A_386 step %parallel_loop3A_387  : i32 {
          %parallel_loop3A_391 = arith.constant 16 : i32
          %parallel_loop3A_392 = arith.muli %parallel_loop3A_390, %parallel_loop3A_391 : i32
          %parallel_loop3A_393 = arith.index_cast %parallel_loop3A_392 : i32 to index
          %parallel_loop3A_394 = tpu.vector_load %arg14[%parallel_loop3A_393] {strides = array<i32>} : memref<1056xi32, #tpu.memory_space<vmem>>, vector<16xi32>,
          tpu.vector_store %arg14[%parallel_loop3A_393], %broadcast_in_dim3A_5 {strides = array<i32>} : memref<1056xi32, #tpu.memory_space<vmem>>, vector<16xi32>,
        } {sc.loop_unroll_factor = 8 : i64, sc.parallel_access}
        %swap3A_388 = arith.constant 0 : index
        %swap3A_389 = tpu.vector_load %arg14[%swap3A_388] {strides = array<i32>} : memref<1056xi32, #tpu.memory_space<vmem>>, vector<16xi32>,
        tpu.vector_store %arg14[%swap3A_388], %broadcast_in_dim3A_3 {strides = array<i32>} : memref<1056xi32, #tpu.memory_space<vmem>>, vector<16xi32>,
      }
      %scan3A_196 = arith.constant 8 : i32
      "tpu.region"() ({
        %run_scoped3A = tpu.sem_alloc : memref<!tpu.dma_semaphore, #tpu.memory_space<semaphore_mem>>
        %dma_start3A_329 = arith.constant 0 : i32
        %dma_start3A_330 = tpu.memref_slice %arg6[%add3A_127, %dma_start3A_329] : memref<32768x130xf32, #tpu.memory_space<hbm>> -> memref<128x130xf32, #tpu.memory_space<hbm>>
        %dma_start3A_331 = arith.constant 0 : i32
        %dma_start3A_332 = tpu.memref_slice %arg6[%add3A_127, %dma_start3A_331] : memref<32768x130xf32, #tpu.memory_space<hbm>> -> memref<128x130xf32, #tpu.memory_space<hbm>>
        tpu.enqueue_dma source(%arg11 : memref<128x130xf32, #tpu.memory_space<vmem>>) target(%dma_start3A_332 : memref<128x130xf32, #tpu.memory_space<hbm>>) target_semaphore(%run_scoped3A : memref<!tpu.dma_semaphore, #tpu.memory_space<semaphore_mem>>)
        %dma_wait3A_333 = arith.constant 0 : i32
        %dma_wait3A_334 = tpu.memref_slice %arg6[%add3A_127, %dma_wait3A_333] : memref<32768x130xf32, #tpu.memory_space<hbm>> -> memref<128x130xf32, #tpu.memory_space<hbm>>
        %dma_wait3A_335 = arith.constant 0 : i32
        %dma_wait3A_336 = tpu.memref_slice %arg6[%add3A_127, %dma_wait3A_335] : memref<32768x130xf32, #tpu.memory_space<hbm>> -> memref<128x130xf32, #tpu.memory_space<hbm>>
        tpu.wait_dma2 semaphore(%run_scoped3A : memref<!tpu.dma_semaphore, #tpu.memory_space<semaphore_mem>>) src(%arg11 : memref<128x130xf32, #tpu.memory_space<vmem>>) dst(%dma_wait3A_336 : memref<128x130xf32, #tpu.memory_space<hbm>>)
        tpu.yield
      }) : () -> ()
      %mul3A_197 = arith.constant 2 : i32
      %mul3A_198 = arith.muli %scan3A_69, %mul3A_197 : i32
      %add3A_199 = arith.constant 1 : i32
      %add3A_200 = arith.addi %mul3A_198, %add3A_199 : i32
      %lt3A_201 = arith.constant 7 : i32
      %lt3A_202 = arith.cmpi slt, %add3A_200, %lt3A_201 : i32
      %convert_element_type3A_203 = arith.extui %lt3A_202 : i1 to i32
      %cond3A_204 = arith.constant 0 : i32
      %cond3A_205 = arith.cmpi ne, %convert_element_type3A_203, %cond3A_204 : i32
      scf.if %cond3A_205 {
        %add3A_329 = arith.constant 1 : i32
        %add3A_330 = arith.addi %add3A_200, %add3A_329 : i32
        %mul3A_331 = arith.constant 1024 : i32
        %mul3A_332 = arith.muli %add3A, %mul3A_331 : i32
        %mul3A_333 = arith.constant 128 : i32
        %mul3A_334 = arith.muli %add3A_330, %mul3A_333 : i32
        %add3A_335 = arith.addi %mul3A_332, %mul3A_334 : i32
        %mul3A_336 = arith.constant 8 : i32
        %mul3A_337 = arith.muli %add3A, %mul3A_336 : i32
        %add3A_338 = arith.addi %mul3A_337, %add3A_330 : i32
        %dma_start3A_339 = arith.constant 0 : i32
        %dma_start3A_340 = arith.constant 0 : i32
        %dma_start3A_341 = tpu.memref_slice %arg7[%dma_start3A_339, %dma_start3A_340] : memref<128x128xf32, #tpu.memory_space<vmem>> -> memref<64x128xf32, #tpu.memory_space<vmem>>
        %dma_start3A_342 = arith.constant 0 : i32
        %dma_start3A_343 = arith.constant 0 : i32
        %dma_start3A_344 = tpu.memref_slice %arg2[%add3A_338, %dma_start3A_342, %dma_start3A_343] : memref<256x64x128xf32, #tpu.memory_space<hbm>> -> memref<1x64x128xf32, #tpu.memory_space<hbm>>
        %dma_start3A_345 = tpu.memref_squeeze %dma_start3A_344 : memref<1x64x128xf32, #tpu.memory_space<hbm>> -> memref<64x128xf32, #tpu.memory_space<hbm>>
        %dma_start3A_346 = arith.constant 0 : i32
        %dma_start3A_347 = arith.constant 0 : i32
        %dma_start3A_348 = tpu.memref_slice %arg7[%dma_start3A_346, %dma_start3A_347] : memref<128x128xf32, #tpu.memory_space<vmem>> -> memref<64x128xf32, #tpu.memory_space<vmem>>
        %dma_start3A_349 = arith.constant 0 : i32
        %dma_start3A_350 = arith.constant 0 : i32
        %dma_start3A_351 = tpu.memref_slice %arg2[%add3A_338, %dma_start3A_349, %dma_start3A_350] : memref<256x64x128xf32, #tpu.memory_space<hbm>> -> memref<1x64x128xf32, #tpu.memory_space<hbm>>
        %dma_start3A_352 = tpu.memref_squeeze %dma_start3A_351 : memref<1x64x128xf32, #tpu.memory_space<hbm>> -> memref<64x128xf32, #tpu.memory_space<hbm>>
        tpu.enqueue_dma source(%dma_start3A_352 : memref<64x128xf32, #tpu.memory_space<hbm>>) target(%dma_start3A_348 : memref<64x128xf32, #tpu.memory_space<vmem>>) target_semaphore(%arg15 : memref<!tpu.dma_semaphore, #tpu.memory_space<semaphore_mem>>)
        %dma_start3A_353 = arith.constant 0 : i32
        %dma_start3A_354 = arith.constant 0 : i32
        %dma_start3A_355 = tpu.memref_slice %arg8[%dma_start3A_353, %dma_start3A_354] : memref<132x128xf32, #tpu.memory_space<vmem>> -> memref<65x128xf32, #tpu.memory_space<vmem>>
        %dma_start3A_356 = arith.constant 0 : i32
        %dma_start3A_357 = arith.constant 0 : i32
        %dma_start3A_358 = tpu.memref_slice %arg3[%add3A_338, %dma_start3A_356, %dma_start3A_357] : memref<256x65x128xf32, #tpu.memory_space<hbm>> -> memref<1x65x128xf32, #tpu.memory_space<hbm>>
        %dma_start3A_359 = tpu.memref_squeeze %dma_start3A_358 : memref<1x65x128xf32, #tpu.memory_space<hbm>> -> memref<65x128xf32, #tpu.memory_space<hbm>>
        %dma_start3A_360 = arith.constant 0 : i32
        %dma_start3A_361 = arith.constant 0 : i32
        %dma_start3A_362 = tpu.memref_slice %arg8[%dma_start3A_360, %dma_start3A_361] : memref<132x128xf32, #tpu.memory_space<vmem>> -> memref<65x128xf32, #tpu.memory_space<vmem>>
        %dma_start3A_363 = arith.constant 0 : i32
        %dma_start3A_364 = arith.constant 0 : i32
        %dma_start3A_365 = tpu.memref_slice %arg3[%add3A_338, %dma_start3A_363, %dma_start3A_364] : memref<256x65x128xf32, #tpu.memory_space<hbm>> -> memref<1x65x128xf32, #tpu.memory_space<hbm>>
        %dma_start3A_366 = tpu.memref_squeeze %dma_start3A_365 : memref<1x65x128xf32, #tpu.memory_space<hbm>> -> memref<65x128xf32, #tpu.memory_space<hbm>>
        tpu.enqueue_dma source(%dma_start3A_366 : memref<65x128xf32, #tpu.memory_space<hbm>>) target(%dma_start3A_362 : memref<65x128xf32, #tpu.memory_space<vmem>>) target_semaphore(%arg15 : memref<!tpu.dma_semaphore, #tpu.memory_space<semaphore_mem>>)
        %dma_start3A_367 = arith.constant 0 : i32
        %dma_start3A_368 = tpu.memref_slice %arg9[%dma_start3A_367] : memref<256xf32, #tpu.memory_space<vmem>> -> memref<128xf32, #tpu.memory_space<vmem>>
        %dma_start3A_369 = tpu.memref_slice %arg4[%add3A_335] : memref<32768xf32, #tpu.memory_space<hbm>> -> memref<128xf32, #tpu.memory_space<hbm>>
        %dma_start3A_370 = arith.constant 0 : i32
        %dma_start3A_371 = tpu.memref_slice %arg9[%dma_start3A_370] : memref<256xf32, #tpu.memory_space<vmem>> -> memref<128xf32, #tpu.memory_space<vmem>>
        %dma_start3A_372 = tpu.memref_slice %arg4[%add3A_335] : memref<32768xf32, #tpu.memory_space<hbm>> -> memref<128xf32, #tpu.memory_space<hbm>>
        tpu.enqueue_dma source(%dma_start3A_372 : memref<128xf32, #tpu.memory_space<hbm>>) target(%dma_start3A_371 : memref<128xf32, #tpu.memory_space<vmem>>) target_semaphore(%arg15 : memref<!tpu.dma_semaphore, #tpu.memory_space<semaphore_mem>>)
        %dma_start3A_373 = arith.constant 0 : i32
        %dma_start3A_374 = tpu.memref_slice %arg10[%dma_start3A_373] : memref<256xf32, #tpu.memory_space<vmem>> -> memref<128xf32, #tpu.memory_space<vmem>>
        %dma_start3A_375 = tpu.memref_slice %arg5[%add3A_335] : memref<32768xf32, #tpu.memory_space<hbm>> -> memref<128xf32, #tpu.memory_space<hbm>>
        %dma_start3A_376 = arith.constant 0 : i32
        %dma_start3A_377 = tpu.memref_slice %arg10[%dma_start3A_376] : memref<256xf32, #tpu.memory_space<vmem>> -> memref<128xf32, #tpu.memory_space<vmem>>
        %dma_start3A_378 = tpu.memref_slice %arg5[%add3A_335] : memref<32768xf32, #tpu.memory_space<hbm>> -> memref<128xf32, #tpu.memory_space<hbm>>
        tpu.enqueue_dma source(%dma_start3A_378 : memref<128xf32, #tpu.memory_space<hbm>>) target(%dma_start3A_377 : memref<128xf32, #tpu.memory_space<vmem>>) target_semaphore(%arg15 : memref<!tpu.dma_semaphore, #tpu.memory_space<semaphore_mem>>)
      } else {
      }
      %mul3A_206 = arith.constant 1024 : i32
      %mul3A_207 = arith.muli %add3A, %mul3A_206 : i32
      %mul3A_208 = arith.constant 128 : i32
      %mul3A_209 = arith.muli %add3A_200, %mul3A_208 : i32
      %add3A_210 = arith.addi %mul3A_207, %mul3A_209 : i32
      %mul3A_211 = arith.constant 8 : i32
      %mul3A_212 = arith.muli %add3A, %mul3A_211 : i32
      %add3A_213 = arith.addi %mul3A_212, %add3A_200 : i32
      %dma_wait3A_214 = arith.constant 64 : i32
      %dma_wait3A_215 = arith.constant 0 : i32
      %dma_wait3A_216 = tpu.memref_slice %arg7[%dma_wait3A_214, %dma_wait3A_215] : memref<128x128xf32, #tpu.memory_space<vmem>> -> memref<64x128xf32, #tpu.memory_space<vmem>>
      %dma_wait3A_217 = arith.constant 0 : i32
      %dma_wait3A_218 = arith.constant 0 : i32
      %dma_wait3A_219 = tpu.memref_slice %arg2[%add3A_213, %dma_wait3A_217, %dma_wait3A_218] : memref<256x64x128xf32, #tpu.memory_space<hbm>> -> memref<1x64x128xf32, #tpu.memory_space<hbm>>
      %dma_wait3A_220 = tpu.memref_squeeze %dma_wait3A_219 : memref<1x64x128xf32, #tpu.memory_space<hbm>> -> memref<64x128xf32, #tpu.memory_space<hbm>>
      %dma_wait3A_221 = arith.constant 64 : i32
      %dma_wait3A_222 = arith.constant 0 : i32
      %dma_wait3A_223 = tpu.memref_slice %arg7[%dma_wait3A_221, %dma_wait3A_222] : memref<128x128xf32, #tpu.memory_space<vmem>> -> memref<64x128xf32, #tpu.memory_space<vmem>>
      %dma_wait3A_224 = arith.constant 0 : i32
      %dma_wait3A_225 = arith.constant 0 : i32
      %dma_wait3A_226 = tpu.memref_slice %arg2[%add3A_213, %dma_wait3A_224, %dma_wait3A_225] : memref<256x64x128xf32, #tpu.memory_space<hbm>> -> memref<1x64x128xf32, #tpu.memory_space<hbm>>
      %dma_wait3A_227 = tpu.memref_squeeze %dma_wait3A_226 : memref<1x64x128xf32, #tpu.memory_space<hbm>> -> memref<64x128xf32, #tpu.memory_space<hbm>>
      tpu.wait_dma2 semaphore(%arg16 : memref<!tpu.dma_semaphore, #tpu.memory_space<semaphore_mem>>) src(%dma_wait3A_227 : memref<64x128xf32, #tpu.memory_space<hbm>>) dst(%dma_wait3A_223 : memref<64x128xf32, #tpu.memory_space<vmem>>)
      %dma_wait3A_228 = arith.constant 66 : i32
      %dma_wait3A_229 = arith.constant 0 : i32
      %dma_wait3A_230 = tpu.memref_slice %arg8[%dma_wait3A_228, %dma_wait3A_229] : memref<132x128xf32, #tpu.memory_space<vmem>> -> memref<65x128xf32, #tpu.memory_space<vmem>>
      %dma_wait3A_231 = arith.constant 0 : i32
      %dma_wait3A_232 = arith.constant 0 : i32
      %dma_wait3A_233 = tpu.memref_slice %arg3[%add3A_213, %dma_wait3A_231, %dma_wait3A_232] : memref<256x65x128xf32, #tpu.memory_space<hbm>> -> memref<1x65x128xf32, #tpu.memory_space<hbm>>
      %dma_wait3A_234 = tpu.memref_squeeze %dma_wait3A_233 : memref<1x65x128xf32, #tpu.memory_space<hbm>> -> memref<65x128xf32, #tpu.memory_space<hbm>>
      %dma_wait3A_235 = arith.constant 66 : i32
      %dma_wait3A_236 = arith.constant 0 : i32
      %dma_wait3A_237 = tpu.memref_slice %arg8[%dma_wait3A_235, %dma_wait3A_236] : memref<132x128xf32, #tpu.memory_space<vmem>> -> memref<65x128xf32, #tpu.memory_space<vmem>>
      %dma_wait3A_238 = arith.constant 0 : i32
      %dma_wait3A_239 = arith.constant 0 : i32
      %dma_wait3A_240 = tpu.memref_slice %arg3[%add3A_213, %dma_wait3A_238, %dma_wait3A_239] : memref<256x65x128xf32, #tpu.memory_space<hbm>> -> memref<1x65x128xf32, #tpu.memory_space<hbm>>
      %dma_wait3A_241 = tpu.memref_squeeze %dma_wait3A_240 : memref<1x65x128xf32, #tpu.memory_space<hbm>> -> memref<65x128xf32, #tpu.memory_space<hbm>>
      tpu.wait_dma2 semaphore(%arg16 : memref<!tpu.dma_semaphore, #tpu.memory_space<semaphore_mem>>) src(%dma_wait3A_241 : memref<65x128xf32, #tpu.memory_space<hbm>>) dst(%dma_wait3A_237 : memref<65x128xf32, #tpu.memory_space<vmem>>)
      %dma_wait3A_242 = arith.constant 128 : i32
      %dma_wait3A_243 = tpu.memref_slice %arg9[%dma_wait3A_242] : memref<256xf32, #tpu.memory_space<vmem>> -> memref<128xf32, #tpu.memory_space<vmem>>
      %dma_wait3A_244 = tpu.memref_slice %arg4[%add3A_210] : memref<32768xf32, #tpu.memory_space<hbm>> -> memref<128xf32, #tpu.memory_space<hbm>>
      %dma_wait3A_245 = arith.constant 128 : i32
      %dma_wait3A_246 = tpu.memref_slice %arg9[%dma_wait3A_245] : memref<256xf32, #tpu.memory_space<vmem>> -> memref<128xf32, #tpu.memory_space<vmem>>
      %dma_wait3A_247 = tpu.memref_slice %arg4[%add3A_210] : memref<32768xf32, #tpu.memory_space<hbm>> -> memref<128xf32, #tpu.memory_space<hbm>>
      tpu.wait_dma2 semaphore(%arg16 : memref<!tpu.dma_semaphore, #tpu.memory_space<semaphore_mem>>) src(%dma_wait3A_247 : memref<128xf32, #tpu.memory_space<hbm>>) dst(%dma_wait3A_246 : memref<128xf32, #tpu.memory_space<vmem>>)
      %dma_wait3A_248 = arith.constant 128 : i32
      %dma_wait3A_249 = tpu.memref_slice %arg10[%dma_wait3A_248] : memref<256xf32, #tpu.memory_space<vmem>> -> memref<128xf32, #tpu.memory_space<vmem>>
      %dma_wait3A_250 = tpu.memref_slice %arg5[%add3A_210] : memref<32768xf32, #tpu.memory_space<hbm>> -> memref<128xf32, #tpu.memory_space<hbm>>
      %dma_wait3A_251 = arith.constant 128 : i32
      %dma_wait3A_252 = tpu.memref_slice %arg10[%dma_wait3A_251] : memref<256xf32, #tpu.memory_space<vmem>> -> memref<128xf32, #tpu.memory_space<vmem>>
      %dma_wait3A_253 = tpu.memref_slice %arg5[%add3A_210] : memref<32768xf32, #tpu.memory_space<hbm>> -> memref<128xf32, #tpu.memory_space<hbm>>
      tpu.wait_dma2 semaphore(%arg16 : memref<!tpu.dma_semaphore, #tpu.memory_space<semaphore_mem>>) src(%dma_wait3A_253 : memref<128xf32, #tpu.memory_space<hbm>>) dst(%dma_wait3A_252 : memref<128xf32, #tpu.memory_space<vmem>>)
      %mul3A_254 = arith.constant 1024 : i32
      %mul3A_255 = arith.muli %add3A, %mul3A_254 : i32
      %mul3A_256 = arith.constant 128 : i32
      %mul3A_257 = arith.muli %add3A_200, %mul3A_256 : i32
      %add3A_258 = arith.addi %mul3A_255, %mul3A_257 : i32
      %get3A_259 = arith.constant 130 : i32
      %get3A_260 = arith.index_cast %get3A_259 : i32 to index
      %get3A_261 = arith.constant 0 : index
      %get3A_262 = tpu.vector_load %arg8[%get3A_260, %get3A_261] {strides = array<i32>} : memref<132x128xf32, #tpu.memory_space<vmem>>, vector<16xf32>,
      %swap3A_263 = arith.constant 131 : i32
      %swap3A_264 = arith.index_cast %swap3A_263 : i32 to index
      %swap3A_265 = arith.constant 0 : index
      %swap3A_266 = tpu.vector_load %arg8[%swap3A_264, %swap3A_265] {strides = array<i32>} : memref<132x128xf32, #tpu.memory_space<vmem>>, vector<16xf32>,
      tpu.vector_store %arg8[%swap3A_264, %swap3A_265], %get3A_262 {strides = array<i32>} : memref<132x128xf32, #tpu.memory_space<vmem>>, vector<16xf32>,
      %get3A_267 = arith.constant 130 : i32
      %get3A_268 = arith.index_cast %get3A_267 : i32 to index
      %get3A_269 = arith.constant 16 : index
      %get3A_270 = tpu.vector_load %arg8[%get3A_268, %get3A_269] {strides = array<i32>} : memref<132x128xf32, #tpu.memory_space<vmem>>, vector<16xf32>,
      %swap3A_271 = arith.constant 131 : i32
      %swap3A_272 = arith.index_cast %swap3A_271 : i32 to index
      %swap3A_273 = arith.constant 16 : index
      %swap3A_274 = tpu.vector_load %arg8[%swap3A_272, %swap3A_273] {strides = array<i32>} : memref<132x128xf32, #tpu.memory_space<vmem>>, vector<16xf32>,
      tpu.vector_store %arg8[%swap3A_272, %swap3A_273], %get3A_270 {strides = array<i32>} : memref<132x128xf32, #tpu.memory_space<vmem>>, vector<16xf32>,
      %get3A_275 = arith.constant 130 : i32
      %get3A_276 = arith.index_cast %get3A_275 : i32 to index
      %get3A_277 = arith.constant 32 : index
      %get3A_278 = tpu.vector_load %arg8[%get3A_276, %get3A_277] {strides = array<i32>} : memref<132x128xf32, #tpu.memory_space<vmem>>, vector<16xf32>,
      %swap3A_279 = arith.constant 131 : i32
      %swap3A_280 = arith.index_cast %swap3A_279 : i32 to index
      %swap3A_281 = arith.constant 32 : index
      %swap3A_282 = tpu.vector_load %arg8[%swap3A_280, %swap3A_281] {strides = array<i32>} : memref<132x128xf32, #tpu.memory_space<vmem>>, vector<16xf32>,
      tpu.vector_store %arg8[%swap3A_280, %swap3A_281], %get3A_278 {strides = array<i32>} : memref<132x128xf32, #tpu.memory_space<vmem>>, vector<16xf32>,
      %get3A_283 = arith.constant 130 : i32
      %get3A_284 = arith.index_cast %get3A_283 : i32 to index
      %get3A_285 = arith.constant 48 : index
      %get3A_286 = tpu.vector_load %arg8[%get3A_284, %get3A_285] {strides = array<i32>} : memref<132x128xf32, #tpu.memory_space<vmem>>, vector<16xf32>,
      %swap3A_287 = arith.constant 131 : i32
      %swap3A_288 = arith.index_cast %swap3A_287 : i32 to index
      %swap3A_289 = arith.constant 48 : index
      %swap3A_290 = tpu.vector_load %arg8[%swap3A_288, %swap3A_289] {strides = array<i32>} : memref<132x128xf32, #tpu.memory_space<vmem>>, vector<16xf32>,
      tpu.vector_store %arg8[%swap3A_288, %swap3A_289], %get3A_286 {strides = array<i32>} : memref<132x128xf32, #tpu.memory_space<vmem>>, vector<16xf32>,
      %get3A_291 = arith.constant 130 : i32
      %get3A_292 = arith.index_cast %get3A_291 : i32 to index
      %get3A_293 = arith.constant 64 : index
      %get3A_294 = tpu.vector_load %arg8[%get3A_292, %get3A_293] {strides = array<i32>} : memref<132x128xf32, #tpu.memory_space<vmem>>, vector<16xf32>,
      %swap3A_295 = arith.constant 131 : i32
      %swap3A_296 = arith.index_cast %swap3A_295 : i32 to index
      %swap3A_297 = arith.constant 64 : index
      %swap3A_298 = tpu.vector_load %arg8[%swap3A_296, %swap3A_297] {strides = array<i32>} : memref<132x128xf32, #tpu.memory_space<vmem>>, vector<16xf32>,
      tpu.vector_store %arg8[%swap3A_296, %swap3A_297], %get3A_294 {strides = array<i32>} : memref<132x128xf32, #tpu.memory_space<vmem>>, vector<16xf32>,
      %get3A_299 = arith.constant 130 : i32
      %get3A_300 = arith.index_cast %get3A_299 : i32 to index
      %get3A_301 = arith.constant 80 : index
      %get3A_302 = tpu.vector_load %arg8[%get3A_300, %get3A_301] {strides = array<i32>} : memref<132x128xf32, #tpu.memory_space<vmem>>, vector<16xf32>,
      %swap3A_303 = arith.constant 131 : i32
      %swap3A_304 = arith.index_cast %swap3A_303 : i32 to index
      %swap3A_305 = arith.constant 80 : index
      %swap3A_306 = tpu.vector_load %arg8[%swap3A_304, %swap3A_305] {strides = array<i32>} : memref<132x128xf32, #tpu.memory_space<vmem>>, vector<16xf32>,
      tpu.vector_store %arg8[%swap3A_304, %swap3A_305], %get3A_302 {strides = array<i32>} : memref<132x128xf32, #tpu.memory_space<vmem>>, vector<16xf32>,
      %get3A_307 = arith.constant 130 : i32
      %get3A_308 = arith.index_cast %get3A_307 : i32 to index
      %get3A_309 = arith.constant 96 : index
      %get3A_310 = tpu.vector_load %arg8[%get3A_308, %get3A_309] {strides = array<i32>} : memref<132x128xf32, #tpu.memory_space<vmem>>, vector<16xf32>,
      %swap3A_311 = arith.constant 131 : i32
      %swap3A_312 = arith.index_cast %swap3A_311 : i32 to index
      %swap3A_313 = arith.constant 96 : index
      %swap3A_314 = tpu.vector_load %arg8[%swap3A_312, %swap3A_313] {strides = array<i32>} : memref<132x128xf32, #tpu.memory_space<vmem>>, vector<16xf32>,
      tpu.vector_store %arg8[%swap3A_312, %swap3A_313], %get3A_310 {strides = array<i32>} : memref<132x128xf32, #tpu.memory_space<vmem>>, vector<16xf32>,
      %get3A_315 = arith.constant 130 : i32
      %get3A_316 = arith.index_cast %get3A_315 : i32 to index
      %get3A_317 = arith.constant 112 : index
      %get3A_318 = tpu.vector_load %arg8[%get3A_316, %get3A_317] {strides = array<i32>} : memref<132x128xf32, #tpu.memory_space<vmem>>, vector<16xf32>,
      %swap3A_319 = arith.constant 131 : i32
      %swap3A_320 = arith.index_cast %swap3A_319 : i32 to index
      %swap3A_321 = arith.constant 112 : index
      %swap3A_322 = tpu.vector_load %arg8[%swap3A_320, %swap3A_321] {strides = array<i32>} : memref<132x128xf32, #tpu.memory_space<vmem>>, vector<16xf32>,
      tpu.vector_store %arg8[%swap3A_320, %swap3A_321], %get3A_318 {strides = array<i32>} : memref<132x128xf32, #tpu.memory_space<vmem>>, vector<16xf32>,
      %scan3A_323 = arith.constant 0 : i32
      %scan3A_324 = arith.constant 0 : i32
      %scan3A_325 = arith.constant 8 : i32
      %scan3A_326 = arith.addi %scan3A_324, %scan3A_325 : i32
      %scan3A_327 = arith.constant 1 : i32
      scf.for %scan3A_329 = %scan3A_324 to %scan3A_326 step %scan3A_327  : i32 {
        %mul3A_330 = arith.constant 16 : i32
        %mul3A_331 = arith.muli %scan3A_329, %mul3A_330 : i32
        %add3A_332 = arith.constant 0 : i32
        %add3A_333 = arith.addi %mul3A_331, %add3A_332 : i32
        %add3A_334 = vector.broadcast %add3A_333 : i32 to vector<16xi32>
        %add3A_335 = arith.addi %add3A_334, %iota3A : vector<16xi32>
        %add3A_336 = arith.constant 128 : i32
        %add3A_337 = arith.addi %add3A_336, %add3A_333 : i32
        %get3A_338 = arith.index_cast %add3A_337 : i32 to index
        %get3A_339 = tpu.vector_load %arg9[%get3A_338] {strides = array<i32>} : memref<256xf32, #tpu.memory_space<vmem>>, vector<16xf32>,
        %add3A_340 = arith.constant 128 : i32
        %add3A_341 = arith.addi %add3A_340, %add3A_333 : i32
        %get3A_342 = arith.index_cast %add3A_341 : i32 to index
        %get3A_343 = tpu.vector_load %arg10[%get3A_342] {strides = array<i32>} : memref<256xf32, #tpu.memory_space<vmem>>, vector<16xf32>,
        %sub3A_344 = arith.subf %get3A_343, %get3A_339 : vector<16xf32>
        %parallel_loop3A = arith.constant 0 : i32
        %parallel_loop3A_345 = arith.constant 64 : i32
        %parallel_loop3A_346 = arith.constant 1 : i32
        %parallel_loop3A_347 = scf.for %parallel_loop3A_390 = %parallel_loop3A to %parallel_loop3A_345 step %parallel_loop3A_346 iter_args(%parallel_loop3A_391 = %broadcast_in_dim3A_7) -> (vector<16xf32>)  : i32 {
          %parallel_loop3A_392 = arith.constant 64 : i32
          %parallel_loop3A_393 = arith.addi %parallel_loop3A_392, %parallel_loop3A_390 : i32
          %parallel_loop3A_394 = arith.index_cast %parallel_loop3A_393 : i32 to index
          %parallel_loop3A_395 = arith.index_cast %add3A_333 : i32 to index
          %parallel_loop3A_396 = tpu.vector_load %arg7[%parallel_loop3A_394, %parallel_loop3A_395] {strides = array<i32>} : memref<128x128xf32, #tpu.memory_space<vmem>>, vector<16xf32>,
          %parallel_loop3A_397 = arith.addf %parallel_loop3A_391, %parallel_loop3A_396 : vector<16xf32>
          %parallel_loop3A_398 = arith.constant 1 : i32
          %parallel_loop3A_399 = arith.addi %parallel_loop3A_390, %parallel_loop3A_398 : i32
          %parallel_loop3A_400 = arith.constant 16 : i32
          %parallel_loop3A_401 = arith.muli %parallel_loop3A_399, %parallel_loop3A_400 : i32
          %parallel_loop3A_402 = arith.index_cast %parallel_loop3A_401 : i32 to index
          %parallel_loop3A_403 = tpu.vector_load %arg12[%parallel_loop3A_402] {strides = array<i32>} : memref<1056xf32, #tpu.memory_space<vmem>>, vector<16xf32>,
          tpu.vector_store %arg12[%parallel_loop3A_402], %parallel_loop3A_397 {strides = array<i32>} : memref<1056xf32, #tpu.memory_space<vmem>>, vector<16xf32>,
          scf.yield %parallel_loop3A_397 : vector<16xf32>
        } {sc.loop_unroll_factor = 8 : i64, sc.parallel_access}
        %add3A_348 = arith.constant 6.400000e-01 : f32
        %add3A_349 = vector.broadcast %add3A_348 : f32 to vector<16xf32>
        %add3A_350 = arith.addf %parallel_loop3A_347, %add3A_349 : vector<16xf32>
        %sub3A_351 = arith.constant 9.99999974E-6 : f32
        %sub3A_352 = vector.broadcast %sub3A_351 : f32 to vector<16xf32>
        %sub3A_353 = arith.subf %sub3A_352, %add3A_350 : vector<16xf32>
        %max3A = arith.constant 0.000000e+00 : f32
        %max3A_354 = vector.broadcast %max3A : f32 to vector<16xf32>
        %max3A_355 = arith.maximumf %sub3A_353, %max3A_354 : vector<16xf32>
        %mul3A_356 = arith.constant 1.562500e-02 : f32
        %mul3A_357 = vector.broadcast %mul3A_356 : f32 to vector<16xf32>
        %mul3A_358 = arith.mulf %max3A_355, %mul3A_357 : vector<16xf32>
        %add3A_359 = arith.constant 0.00999999977 : f32
        %add3A_360 = vector.broadcast %add3A_359 : f32 to vector<16xf32>
        %add3A_361 = arith.addf %mul3A_358, %add3A_360 : vector<16xf32>
        %add3A_362 = arith.addf %add3A_350, %max3A_355 : vector<16xf32>
        %div3A = arith.constant 1.000000e+00 : f32
        %div3A_363 = vector.broadcast %div3A : f32 to vector<16xf32>
        %div3A_364 = arith.divf %div3A_363, %add3A_362 : vector<16xf32>
        %get3A_365 = arith.constant 66 : i32
        %get3A_366 = arith.index_cast %get3A_365 : i32 to index
        %get3A_367 = arith.index_cast %add3A_333 : i32 to index
        %get3A_368 = tpu.vector_load %arg8[%get3A_366, %get3A_367] {strides = array<i32>} : memref<132x128xf32, #tpu.memory_space<vmem>>, vector<16xf32>,
        %mul3A_369 = arith.mulf %get3A_368, %sub3A_344 : vector<16xf32>
        %add3A_370 = arith.addf %mul3A_369, %get3A_339 : vector<16xf32>
        tpu.vector_store_idx %arg11[%add3A_335, %broadcast_in_dim3A_5], %add3A_370 : memref<128x130xf32, #tpu.memory_space<vmem>>[vector<16xi32>, vector<16xi32>], vector<16xf32>,
        %parallel_loop3A_371 = arith.constant 1 : i32
        %parallel_loop3A_372 = arith.constant 65 : i32
        %parallel_loop3A_373 = arith.constant 1 : i32
        %parallel_loop3A_374 = scf.for %parallel_loop3A_390 = %parallel_loop3A_371 to %parallel_loop3A_372 step %parallel_loop3A_373 iter_args(%parallel_loop3A_391 = %broadcast_in_dim3A_7) -> (vector<16xf32>)  : i32 {
          %parallel_loop3A_392 = arith.addf %parallel_loop3A_391, %add3A_361 : vector<16xf32>
          %parallel_loop3A_393 = arith.constant 16 : i32
          %parallel_loop3A_394 = arith.muli %parallel_loop3A_390, %parallel_loop3A_393 : i32
          %parallel_loop3A_395 = arith.index_cast %parallel_loop3A_394 : i32 to index
          %parallel_loop3A_396 = tpu.vector_load %arg12[%parallel_loop3A_395] {strides = array<i32>} : memref<1056xf32, #tpu.memory_space<vmem>>, vector<16xf32>,
          %parallel_loop3A_397 = arith.addf %parallel_loop3A_396, %parallel_loop3A_392 : vector<16xf32>
          %parallel_loop3A_398 = arith.mulf %parallel_loop3A_397, %div3A_364 : vector<16xf32>
          %parallel_loop3A_399 = arith.constant 1.000000e+00 : f32
          %parallel_loop3A_400 = vector.broadcast %parallel_loop3A_399 : f32 to vector<16xf32>
          %parallel_loop3A_401 = arith.minimumf %parallel_loop3A_400, %parallel_loop3A_398 : vector<16xf32>
          %parallel_loop3A_402 = arith.constant 16 : i32
          %parallel_loop3A_403 = arith.muli %parallel_loop3A_390, %parallel_loop3A_402 : i32
          %parallel_loop3A_404 = arith.index_cast %parallel_loop3A_403 : i32 to index
          %parallel_loop3A_405 = tpu.vector_load %arg13[%parallel_loop3A_404] {strides = array<i32>} : memref<1056xf32, #tpu.memory_space<vmem>>, vector<16xf32>,
          tpu.vector_store %arg13[%parallel_loop3A_404], %parallel_loop3A_401 {strides = array<i32>} : memref<1056xf32, #tpu.memory_space<vmem>>, vector<16xf32>,
          %parallel_loop3A_406 = arith.constant 6.500000e+01 : f32
          %parallel_loop3A_407 = vector.broadcast %parallel_loop3A_406 : f32 to vector<16xf32>
          %parallel_loop3A_408 = arith.mulf %parallel_loop3A_401, %parallel_loop3A_407 : vector<16xf32>
          %parallel_loop3A_409 = arith.constant 5.000000e-01 : f32
          %parallel_loop3A_410 = vector.broadcast %parallel_loop3A_409 : f32 to vector<16xf32>
          %parallel_loop3A_411 = arith.subf %parallel_loop3A_408, %parallel_loop3A_410 : vector<16xf32>
          %parallel_loop3A_412 = arith.fptosi %parallel_loop3A_411 : vector<16xf32> to vector<16xi32>
          %parallel_loop3A_413 = arith.sitofp %parallel_loop3A_412 : vector<16xi32> to vector<16xf32>
          %parallel_loop3A_414 = arith.cmpf ogt, %parallel_loop3A_411, %parallel_loop3A_413 : vector<16xf32>
          %parallel_loop3A_415 = arith.extui %parallel_loop3A_414 : vector<16xi1> to vector<16xi32>
          %parallel_loop3A_416 = arith.addi %parallel_loop3A_412, %parallel_loop3A_415 : vector<16xi32>
          %parallel_loop3A_417 = arith.constant 16 : i32
          %parallel_loop3A_418 = vector.broadcast %parallel_loop3A_417 : i32 to vector<16xi32>
          %parallel_loop3A_419 = arith.muli %parallel_loop3A_416, %parallel_loop3A_418 : vector<16xi32>
          %parallel_loop3A_420 = arith.addi %parallel_loop3A_419, %iota3A : vector<16xi32>
          tpu.vector_store_idx %arg14[%parallel_loop3A_420], %broadcast_in_dim3A_3 {add = true} : memref<1056xi32, #tpu.memory_space<vmem>>[vector<16xi32>], vector<16xi32>,
          %parallel_loop3A_421 = arith.constant 66 : i32
          %parallel_loop3A_422 = arith.addi %parallel_loop3A_421, %parallel_loop3A_390 : i32
          %parallel_loop3A_423 = arith.index_cast %parallel_loop3A_422 : i32 to index
          %parallel_loop3A_424 = arith.index_cast %add3A_333 : i32 to index
          %parallel_loop3A_425 = tpu.vector_load %arg8[%parallel_loop3A_423, %parallel_loop3A_424] {strides = array<i32>} : memref<132x128xf32, #tpu.memory_space<vmem>>, vector<16xf32>,
          %parallel_loop3A_426 = vector.broadcast %parallel_loop3A_390 : i32 to vector<16xi32>
          %parallel_loop3A_427 = arith.addi %parallel_loop3A_416, %parallel_loop3A_426 : vector<16xi32>
          %parallel_loop3A_428 = arith.mulf %parallel_loop3A_425, %sub3A_344 : vector<16xf32>
          %parallel_loop3A_429 = arith.addf %parallel_loop3A_428, %get3A_339 : vector<16xf32>
          tpu.vector_store_idx %arg11[%add3A_335, %parallel_loop3A_427], %parallel_loop3A_429 : memref<128x130xf32, #tpu.memory_space<vmem>>[vector<16xi32>, vector<16xi32>], vector<16xf32>,
          scf.yield %parallel_loop3A_392 : vector<16xf32>
        } {sc.loop_unroll_factor = 8 : i64, sc.parallel_access}
        %get3A_375 = arith.constant 1024 : index
        %get3A_376 = tpu.vector_load %arg13[%get3A_375] {strides = array<i32>} : memref<1056xf32, #tpu.memory_space<vmem>>, vector<16xf32>,
        %swap3A_377 = arith.constant 1040 : index
        %swap3A_378 = tpu.vector_load %arg13[%swap3A_377] {strides = array<i32>} : memref<1056xf32, #tpu.memory_space<vmem>>, vector<16xf32>,
        tpu.vector_store %arg13[%swap3A_377], %get3A_376 {strides = array<i32>} : memref<1056xf32, #tpu.memory_space<vmem>>, vector<16xf32>,
        %broadcast_in_dim3A_379 = arith.constant -0.0076923077 : f32
        %broadcast_in_dim3A_380 = vector.broadcast %broadcast_in_dim3A_379 : f32 to vector<16xf32>
        %parallel_loop3A_381 = arith.constant 0 : i32
        %parallel_loop3A_382 = arith.constant 65 : i32
        %parallel_loop3A_383 = arith.constant 1 : i32
        %parallel_loop3A_384:2 = scf.for %parallel_loop3A_390 = %parallel_loop3A_381 to %parallel_loop3A_382 step %parallel_loop3A_383 iter_args(%parallel_loop3A_391 = %broadcast_in_dim3A_5, %parallel_loop3A_392 = %broadcast_in_dim3A_380) -> (vector<16xi32>, vector<16xf32>)  : i32 {
          %parallel_loop3A_393 = arith.constant 16 : i32
          %parallel_loop3A_394 = arith.muli %parallel_loop3A_390, %parallel_loop3A_393 : i32
          %parallel_loop3A_395 = arith.index_cast %parallel_loop3A_394 : i32 to index
          %parallel_loop3A_396 = tpu.vector_load %arg14[%parallel_loop3A_395] {strides = array<i32>} : memref<1056xi32, #tpu.memory_space<vmem>>, vector<16xi32>,
          %parallel_loop3A_397 = arith.addi %parallel_loop3A_391, %parallel_loop3A_396 : vector<16xi32>
          %parallel_loop3A_398 = arith.constant 0.0153846154 : f32
          %parallel_loop3A_399 = vector.broadcast %parallel_loop3A_398 : f32 to vector<16xf32>
          %parallel_loop3A_400 = arith.addf %parallel_loop3A_392, %parallel_loop3A_399 : vector<16xf32>
          %parallel_loop3A_401 = arith.constant 16 : i32
          %parallel_loop3A_402 = vector.broadcast %parallel_loop3A_401 : i32 to vector<16xi32>
          %parallel_loop3A_403 = arith.muli %parallel_loop3A_397, %parallel_loop3A_402 : vector<16xi32>
          %parallel_loop3A_404 = arith.addi %parallel_loop3A_403, %sub3A_2 : vector<16xi32>
          %parallel_loop3A_405 = tpu.vector_load_idx %arg13[%parallel_loop3A_404] : memref<1056xf32, #tpu.memory_space<vmem>>[vector<16xi32>], vector<16xf32>,
          %parallel_loop3A_406 = arith.constant 16 : i32
          %parallel_loop3A_407 = vector.broadcast %parallel_loop3A_406 : i32 to vector<16xi32>
          %parallel_loop3A_408 = arith.addi %parallel_loop3A_404, %parallel_loop3A_407 : vector<16xi32>
          %parallel_loop3A_409 = tpu.vector_load_idx %arg13[%parallel_loop3A_408] : memref<1056xf32, #tpu.memory_space<vmem>>[vector<16xi32>], vector<16xf32>,
          %parallel_loop3A_410 = arith.constant 65 : i32
          %parallel_loop3A_411 = vector.broadcast %parallel_loop3A_410 : i32 to vector<16xi32>
          %parallel_loop3A_412 = arith.addi %parallel_loop3A_397, %parallel_loop3A_411 : vector<16xi32>
          %parallel_loop3A_413 = tpu.vector_load_idx %arg8[%parallel_loop3A_412, %add3A_335] : memref<132x128xf32, #tpu.memory_space<vmem>>[vector<16xi32>, vector<16xi32>], vector<16xf32>,
          %parallel_loop3A_414 = arith.constant 1 : i32
          %parallel_loop3A_415 = vector.broadcast %parallel_loop3A_414 : i32 to vector<16xi32>
          %parallel_loop3A_416 = arith.addi %parallel_loop3A_412, %parallel_loop3A_415 : vector<16xi32>
          %parallel_loop3A_417 = tpu.vector_load_idx %arg8[%parallel_loop3A_416, %add3A_335] : memref<132x128xf32, #tpu.memory_space<vmem>>[vector<16xi32>, vector<16xi32>], vector<16xf32>,
          %parallel_loop3A_418 = arith.subf %parallel_loop3A_409, %parallel_loop3A_405 : vector<16xf32>
          %parallel_loop3A_419 = arith.constant 9.99999996E-13 : f32
          %parallel_loop3A_420 = vector.broadcast %parallel_loop3A_419 : f32 to vector<16xf32>
          %parallel_loop3A_421 = arith.cmpf ogt, %parallel_loop3A_418, %parallel_loop3A_420 : vector<16xf32>
          %parallel_loop3A_422 = arith.constant 1.000000e+00 : f32
          %parallel_loop3A_423 = vector.broadcast %parallel_loop3A_422 : f32 to vector<16xf32>
          %parallel_loop3A_424 = arith.select %parallel_loop3A_421, %parallel_loop3A_418, %parallel_loop3A_423 : vector<16xi1>, vector<16xf32>
          %parallel_loop3A_425 = arith.subf %parallel_loop3A_400, %parallel_loop3A_405 : vector<16xf32>
          %parallel_loop3A_426 = arith.divf %parallel_loop3A_425, %parallel_loop3A_424 : vector<16xf32>
          %parallel_loop3A_427 = arith.constant 0.000000e+00 : f32
          %parallel_loop3A_428 = vector.broadcast %parallel_loop3A_427 : f32 to vector<16xf32>
          %parallel_loop3A_429 = arith.select %parallel_loop3A_421, %parallel_loop3A_426, %parallel_loop3A_428 : vector<16xi1>, vector<16xf32>
          %parallel_loop3A_430 = arith.constant 0.000000e+00 : f32
          %parallel_loop3A_431 = arith.constant 1.000000e+00 : f32
          %parallel_loop3A_432 = vector.broadcast %parallel_loop3A_430 : f32 to vector<16xf32>
          %parallel_loop3A_433 = arith.maximumf %parallel_loop3A_432, %parallel_loop3A_429 : vector<16xf32>
          %parallel_loop3A_434 = vector.broadcast %parallel_loop3A_431 : f32 to vector<16xf32>
          %parallel_loop3A_435 = arith.minimumf %parallel_loop3A_434, %parallel_loop3A_433 : vector<16xf32>
          %parallel_loop3A_436 = arith.subf %parallel_loop3A_417, %parallel_loop3A_413 : vector<16xf32>
          %parallel_loop3A_437 = arith.mulf %parallel_loop3A_435, %parallel_loop3A_436 : vector<16xf32>
          %parallel_loop3A_438 = arith.addf %parallel_loop3A_413, %parallel_loop3A_437 : vector<16xf32>
          %parallel_loop3A_439 = vector.broadcast %parallel_loop3A_390 : i32 to vector<16xi32>
          %parallel_loop3A_440 = arith.addi %parallel_loop3A_397, %parallel_loop3A_439 : vector<16xi32>
          %parallel_loop3A_441 = arith.mulf %parallel_loop3A_438, %sub3A_344 : vector<16xf32>
          %parallel_loop3A_442 = arith.addf %parallel_loop3A_441, %get3A_339 : vector<16xf32>
          tpu.vector_store_idx %arg11[%add3A_335, %parallel_loop3A_440], %parallel_loop3A_442 : memref<128x130xf32, #tpu.memory_space<vmem>>[vector<16xi32>, vector<16xi32>], vector<16xf32>,
          scf.yield %parallel_loop3A_397, %parallel_loop3A_400 : vector<16xi32>, vector<16xf32>
        } {sc.loop_unroll_factor = 8 : i64, sc.parallel_access}
        %parallel_loop3A_385 = arith.constant 1 : i32
        %parallel_loop3A_386 = arith.constant 65 : i32
        %parallel_loop3A_387 = arith.constant 1 : i32
        scf.for %parallel_loop3A_390 = %parallel_loop3A_385 to %parallel_loop3A_386 step %parallel_loop3A_387  : i32 {
          %parallel_loop3A_391 = arith.constant 16 : i32
          %parallel_loop3A_392 = arith.muli %parallel_loop3A_390, %parallel_loop3A_391 : i32
          %parallel_loop3A_393 = arith.index_cast %parallel_loop3A_392 : i32 to index
          %parallel_loop3A_394 = tpu.vector_load %arg14[%parallel_loop3A_393] {strides = array<i32>} : memref<1056xi32, #tpu.memory_space<vmem>>, vector<16xi32>,
          tpu.vector_store %arg14[%parallel_loop3A_393], %broadcast_in_dim3A_5 {strides = array<i32>} : memref<1056xi32, #tpu.memory_space<vmem>>, vector<16xi32>,
        } {sc.loop_unroll_factor = 8 : i64, sc.parallel_access}
        %swap3A_388 = arith.constant 0 : index
        %swap3A_389 = tpu.vector_load %arg14[%swap3A_388] {strides = array<i32>} : memref<1056xi32, #tpu.memory_space<vmem>>, vector<16xi32>,
        tpu.vector_store %arg14[%swap3A_388], %broadcast_in_dim3A_3 {strides = array<i32>} : memref<1056xi32, #tpu.memory_space<vmem>>, vector<16xi32>,
      }
      %scan3A_328 = arith.constant 8 : i32
      "tpu.region"() ({
        %run_scoped3A = tpu.sem_alloc : memref<!tpu.dma_semaphore, #tpu.memory_space<semaphore_mem>>
        %dma_start3A_329 = arith.constant 0 : i32
        %dma_start3A_330 = tpu.memref_slice %arg6[%add3A_258, %dma_start3A_329] : memref<32768x130xf32, #tpu.memory_space<hbm>> -> memref<128x130xf32, #tpu.memory_space<hbm>>
        %dma_start3A_331 = arith.constant 0 : i32
        %dma_start3A_332 = tpu.memref_slice %arg6[%add3A_258, %dma_start3A_331] : memref<32768x130xf32, #tpu.memory_space<hbm>> -> memref<128x130xf32, #tpu.memory_space<hbm>>
        tpu.enqueue_dma source(%arg11 : memref<128x130xf32, #tpu.memory_space<vmem>>) target(%dma_start3A_332 : memref<128x130xf32, #tpu.memory_space<hbm>>) target_semaphore(%run_scoped3A : memref<!tpu.dma_semaphore, #tpu.memory_space<semaphore_mem>>)
        %dma_wait3A_333 = arith.constant 0 : i32
        %dma_wait3A_334 = tpu.memref_slice %arg6[%add3A_258, %dma_wait3A_333] : memref<32768x130xf32, #tpu.memory_space<hbm>> -> memref<128x130xf32, #tpu.memory_space<hbm>>
        %dma_wait3A_335 = arith.constant 0 : i32
        %dma_wait3A_336 = tpu.memref_slice %arg6[%add3A_258, %dma_wait3A_335] : memref<32768x130xf32, #tpu.memory_space<hbm>> -> memref<128x130xf32, #tpu.memory_space<hbm>>
        tpu.wait_dma2 semaphore(%run_scoped3A : memref<!tpu.dma_semaphore, #tpu.memory_space<semaphore_mem>>) src(%arg11 : memref<128x130xf32, #tpu.memory_space<vmem>>) dst(%dma_wait3A_336 : memref<128x130xf32, #tpu.memory_space<hbm>>)
        tpu.yield
      }) : () -> ()
    }
    %scan3A_68 = arith.constant 4 : i32
    return
  }
}

</mosaic_0001>

<sc_bundles>
// kernel: _run.3.cloned.1.call-start
scs
__scs_entry_jumppad:
0x0: {  	(pc) =	sbr.rel $0x88, $3  }
0x1: {  	(tag) =	ssettag $0x0;
	lr =	simm.s32 $0x1  }
0x2: {  	[smem:$0x3F9D] =	sst lr;
	_ =	strace $0xD0000000  }
0x3: {  	_ = 	snop  }
0x4: {  	_ = 	snop  }
0x5: {  	_ = 	snop  }
0x6: {  	_ = 	snop  }
0x7: {  	_ = 	snop  }
__scs_overlays_trampoline_lowered:
0x8: {  	[smem:$0x3FAC] =	sst s0  }
0x9: {  	[smem:$0x3FAD] =	sst s1  }
0xa: {  	[smem:$0x3FAE] =	sst s2  }
0xb: {  	[smem:$0x3FAF] =	sst s3  }
0xc: {  	[smem:$0x3FB0] =	sst s4  }
0xd: {  	[smem:$0x3FB1] =	sst s5  }
0xe: {  	[smem:$0x3FB2] =	sst s6  }
0xf: {  	[smem:$0x3FB3] =	sst s7  }
0x10: {  	[smem:$0x3FB4] =	sst s8  }
0x11: {  	[smem:$0x3FB5] =	sst s9;
	s0 =	simm.s32 @!p0 $0x0  }
0x12: {  	s1 =	sld [smem:$0x3F9B];
	s0 =	simm.s32 @p0 $0x1  }
0x13: {  	[smem:$0x3FB6] =	sst s0;
	s0 =	simm.s32 @!p1 $0x0  }
0x14: {  	s2 =	sld [smem:$0x3F9A];
	s0 =	simm.s32 @p1 $0x1  }
0x15: {  	[smem:$0x3FB7] =	sst s0;
	s0 =	simm.s32 @!p2 $0x0  }
0x16: {  	s3 =	sld [smem:$0x3FDB];
	s0 =	simm.s32 @p2 $0x1  }
0x17: {  	s4 =	simm.s32 $0x1BF5;
	[smem:$0x3FB9] =	sst s0  }
0x18: {  	s0 =	sld [smem:$0x3F9C];
	_ =	swait.ge [sflag:s4], $0x0  }
0x19: {  	s7 =	sld [smem:$0x3F9D]  }
0x1a: {  	s8 =	sadd.s32 $0xFFFFE003, lr  }
0x1b: {  	s9 =	sadd.s32 $0xFFFFFEF7, lr;
	s5 =	simm.s32 $0xFFFFFFFF;
	p2 =	slt.u32 s8, $0xFFFFF086  }
0x1c: {  	p1 =	slt.u32 s9, $0xF7A;
	s5 =	simm.s32 @!p2 $0x0  }
0x1d: {  	s5 =	simm.s32 @p1 $0x1;
	p0 =	seq.s32 s7, s2  }
0x1e: {  	s7 =	smul.u32 @!p0 $0xF7A, s2;
	p2 =	seq.s32 @!p0 s5, $0x0  }
0x1f: {  	s9 =	smul.u32 $0xF7A, s1;
	s8 =	simm.s32 @!p0 $0x1BF5;
	p2 =	por !p2, p0  }
0x20: {  	[sflag:s8] =	ssyncset.s32 @!p0 $0xFFFFF086;
	s6 =	sadd.s32 @!p0 s3, s7;
	s7 =	simm.s32 @!p0 $0x108  }
0x21: {  	s3 =	sadd.s32 s3, s9;
	s6 =	sadd.s32 @!p0 $0x88, s6;
	s7 =	simm.s32 @p2 $0x1082  }
0x22: {  	[simem:s7], [sflag:s8] =	dma.local @!p0 [hbm:s6], $0xF7A  }
0x23: {  	s9 =	sor.u32 $0xD0000000, s2;
	s6 =	simm.s32 $0x108;
	_ =	swait.ge @!p0 [sflag:s8], $0x0  }
0x24: {  	s3 =	sadd.s32 $0x88, s3;
	s6 =	simm.s32 @!p1 $0x1082;
	[sflag:s4] =	ssyncset.s32 $0xFFFFF086  }
0x25: {  	[simem:s6], [sflag:s4] =	dma.local [hbm:s3], $0xF7A  }
0x26: {  	[smem:$0x3F9D] =	sst s1;
	(tag) =	ssettag s2;
	_ =	strace s9  }
0x27: {  	s1 =	sld [smem:$0x3FAD]  }
0x28: {  	s2 =	sld [smem:$0x3FAE]  }
0x29: {  	s4 =	sld [smem:$0x3FB0]  }
0x2a: {  	p0 =	seq.s32 s5, $0x0;
	s5 =	sld [smem:$0x3FB1]  }
0x2b: {  	s6 =	sld [smem:$0x3FB2]  }
0x2c: {  	s7 =	sld [smem:$0x3FB3]  }
0x2d: {  	s3 =	simm.s32 $0x108;
	s8 =	sld [smem:$0x3FB4]  }
0x2e: {  	s3 =	simm.s32 @!p0 $0x1082;
	s9 =	sld [smem:$0x3FB5]  }
0x2f: {  	lr =	sadd.s32 s0, s3;
	s0 =	sld [smem:$0x3FAC]  }
0x30: {  	s3 =	sld [smem:$0x3FAF]  }
0x31: {  	[smem:$0x3FB8] =	sst s10  }
0x32: {  	s10 =	sld [smem:$0x3FB6];
	_ =	sdelay $0x3  }
0x33: {  	p0 =	seq.s32 s10, $0x1;
	s10 =	sld [smem:$0x3FB8];
	_ =	sdelay $0x3  }
0x34: {  	[smem:$0x3FB8] =	sst s10  }
0x35: {  	s10 =	sld [smem:$0x3FB7];
	_ =	sdelay $0x3  }
0x36: {  	p1 =	seq.s32 s10, $0x1;
	s10 =	sld [smem:$0x3FB8];
	_ =	sdelay $0x3  }
0x37: {  	[smem:$0x3FB8] =	sst s10  }
0x38: {  	s10 =	sld [smem:$0x3FB9]  }
0x39: {  	_ = 	snop;
	(pc) =	sbr.ind lr, $3  }
0x3a: {  	_ = 	snop  }
0x3b: {  	_ = 	snop  }
0x3c: {  	p2 =	seq.s32 s10, $0x1;
	s10 =	sld [smem:$0x3FB8]  }
0x3d: {  	_ =	shalt  }
0x3e: {  	_ =	shalt  }
0x3f: {  	_ =	shalt  }
0x40: {  	_ =	shalt  }
0x41: {  	_ =	shalt  }
0x42: {  	_ =	shalt  }
0x43: {  	_ =	shalt  }
0x44: {  	_ =	shalt  }
0x45: {  	_ =	shalt  }
0x46: {  	_ =	shalt  }
0x47: {  	_ =	shalt  }
0x48: {  	_ =	shalt  }
0x49: {  	_ =	shalt  }
0x4a: {  	_ =	shalt  }
0x4b: {  	_ =	shalt  }
0x4c: {  	_ =	shalt  }
0x4d: {  	_ =	shalt  }
0x4e: {  	_ =	shalt  }
0x4f: {  	_ =	shalt  }
0x50: {  	_ =	shalt  }
0x51: {  	_ =	shalt  }
0x52: {  	_ =	shalt  }
0x53: {  	_ =	shalt  }
0x54: {  	_ =	shalt  }
0x55: {  	_ =	shalt  }
0x56: {  	_ =	shalt  }
0x57: {  	_ =	shalt  }
0x58: {  	_ =	shalt  }
0x59: {  	_ =	shalt  }
0x5a: {  	_ =	shalt  }
0x5b: {  	_ =	shalt  }
0x5c: {  	_ =	shalt  }
0x5d: {  	_ =	shalt  }
0x5e: {  	_ =	shalt  }
0x5f: {  	_ =	shalt  }
0x60: {  	_ =	shalt  }
0x61: {  	_ =	shalt  }
0x62: {  	_ =	shalt  }
0x63: {  	_ =	shalt  }
0x64: {  	_ =	shalt  }
0x65: {  	_ =	shalt  }
0x66: {  	_ =	shalt  }
0x67: {  	_ =	shalt  }
0x68: {  	_ =	shalt  }
0x69: {  	_ =	shalt  }
0x6a: {  	_ =	shalt  }
0x6b: {  	_ =	shalt  }
0x6c: {  	_ =	shalt  }
0x6d: {  	_ =	shalt  }
0x6e: {  	_ =	shalt  }
0x6f: {  	_ =	shalt  }
0x70: {  	_ =	shalt  }
0x71: {  	_ =	shalt  }
0x72: {  	_ =	shalt  }
0x73: {  	_ =	shalt  }
0x74: {  	_ =	shalt  }
0x75: {  	_ =	shalt  }
0x76: {  	_ =	shalt  }
0x77: {  	_ =	shalt  }
0x78: {  	_ =	shalt  }
0x79: {  	_ =	shalt  }
0x7a: {  	_ =	shalt  }
0x7b: {  	_ =	shalt  }
0x7c: {  	_ =	shalt  }
0x7d: {  	_ =	shalt  }
0x7e: {  	_ =	shalt  }
0x7f: {  	_ =	shalt  }
0x80: {  	_ =	shalt  }
0x81: {  	_ =	shalt  }
0x82: {  	_ =	shalt  }
0x83: {  	_ =	shalt  }
0x84: {  	_ =	shalt  }
0x85: {  	_ =	shalt  }
0x86: {  	_ =	shalt  }
0x87: {  	_ =	shalt  }
.Lfunc_end0:
.L_simem_size_0:
called_computation_lowered:
.L_overlay_start_0:
0x88: {  	s2 =	sld [smem:$0x3FD9]  }
0x89: {  	s3 =	sld [smem:$0x3FFE];
	_ =	sdelay $0x1  }
0x8a: {  	s1 =	srdreg.scid  }
0x8b: {  	s0 =	sand.u32 $0x1, s1  }
0x8c: {  	s17 =	sshll.u32 s0, $0xA;
	s2 =	sadd.s32 s3, s2  }
0x8d: {  	s2 =	sadd.s32 s2, s17  }
0x8e: {  	[smem:$0x3FC4] =	sst s2  }
0x8f: {  	_ = 	snop  }
0x90: {  	s2 =	sld [smem:$0x3FC9]  }
0x91: {  	s18 =	sld [smem:$0x3FC7]  }
0x92: {  	s4 =	sld [smem:$0x3FC6]  }
0x93: {  	s5 =	sld [smem:$0x3FD0];
	(tm) =	ssettm $0x1  }
0x94: {  	s6 =	sld [smem:$0x3FFB];
	_ =	sdelay $0x3  }
0x95: {  	_ =	strace s6  }
0x96: {  	s6 =	sld [smem:$0x3FFC];
	_ =	sdelay $0x3  }
0x97: {  	_ =	strace s6  }
0x98: {  	s6 =	sld [smem:$0x3FFD];
	_ =	sdelay $0x3  }
0x99: {  	_ =	strace s6  }
0x9a: {  	_ =	strace $0x8FFFFFFF  }
0x9b: {  	s19 =	sld [smem:$0x3FDB];
	_ =	sdelay $0x1  }
0x9c: {  	s7 =	simm.s32 $_scs_section_size  }
0x9d: {  	s8 =	simm.s32 $_size__tile_overlayer_lowered;
	s9 =	simm.s32 $_tile_overlayer_lowered  }
0x9e: {  	s22 =	simm.s32 $0x1BFF;
	s21 =	sshll.u32 s9, $0x1;
	s6 =	sadd.s32 s7, s19  }
0x9f: {  	s10 =	simm.s32 $0x0;
	s20 =	sshll.u32 s8, $0x1;
	s8 =	sadd.s32 s21, s6  }
0xa0: {  	[timem:s10], [sflag:s22] =	dma.local [hbm:s8], s20  }
0xa1: {  	_ =	swait.ge [sflag:s22], s20  }
0xa2: {  	s7 =	ssub.s32 $0x0, s20;
	[sflag:s22] =	ssyncset.done $0x0  }
0xa3: {  	[sflag:s22] =	ssyncadd.s32 s7;
	_ =	sdelay $0x1  }
0xa4: {  	s23 =	simm.s32 $0x1B8B  }
0xa5: {  	_ =	swait.ge [sflag:s23], $0x1  }
0xa6: {  	[sflag:s23] =	ssyncset.done $0x0  }
0xa7: {  	s25 =	simm.s32 $0x1B8E;
	s24 =	sld [smem:$0x3FFE];
	[sflag:s23] =	ssyncadd.s32 $0xFFFFFFFF  }
0xa8: {  	s26 =	simm.s32 $execute0_lowered;
	[smem:$0x3FD2] =	sst s25  }
0xa9: {  	s8 =	sshll.u32 s26, $0x1;
	_ =	strace $0x80000046;
	[dreg:$0x1] =	wrdreg $0xFFFFFFFF  }
0xaa: {  	s28 =	simm.s32 $_size_execute0_lowered;
	s6 =	sadd.s32 s6, s8;
	[dreg:$0x0] =	wrdreg $0x0  }
0xab: {  	s8 =	sshll.u32 s28, $0x1;
	[dreg:$0x2] =	wrdreg s6  }
0xac: {  	[dreg:$0x3] =	wrdreg s8  }
0xad: {  	[dreg:$0x4] =	wrdreg $0xC0  }
0xae: {  	_ =	task [dreg:s10], $0x5FFFF  }
0xaf: {  	[dreg:$0x1] =	wrdreg $0xFFFFFFFF  }
0xb0: {  	[dreg:$0x0] =	wrdreg $0x60  }
0xb1: {  	[dreg:$0x2] =	wrdreg s2  }
0xb2: {  	[dreg:$0x3] =	wrdreg s5  }
0xb3: {  	[dreg:$0x4] =	wrdreg s18  }
0xb4: {  	[dreg:$0x5] =	wrdreg s4  }
0xb5: {  	[dreg:$0x6] =	wrdreg s24  }
0xb6: {  	[dreg:$0x7] =	wrdreg $0x9  }
0xb7: {  	_ =	task.clear_ibuf [dreg:s10], $0x8FFFF;
	_ =	strace $0x90000046  }
0xb8: {  	s29 =	simm.s32 $0x9;
	_ =	strace $0x80000048  }
0xb9: {  	_ =	swait.ge [sflag:s29], $0x1  }
0xba: {  	[sflag:s29] =	ssyncadd.s32 $0xFFFFFFFF  }
0xbb: {  	_ =	strace $0x90000048  }
0xbc: {  	_ =	sfence  }
0xbd: {  	s30 =	sld [smem:$0x0];
	_ =	sdelay $0x2  }
0xbe: {  	s31 =	sshll.u32 s1, $0xD;
	s1 =	sshrl.u32 s1, $0x2  }
0xbf: {  	s3 =	sand.u32 $0x4000, s31;
	s1 =	sadd.s32 s1, s30  }
0xc0: {  	s0 =	sor.u32 s3, s0;
	s1 =	sshll.u32 s1, $0x11  }
0xc1: {  	s0 =	sor.u32 s1, s0  }
0xc2: {  	s0 =	sadd.s32 $0x8F2B, s0  }
0xc3: {  	[sflag:s0] =	ssyncadd.remote.s32 $0x1  }
0xc4: {  	_ =	sfence.sel $0xFFFF  }
0xc5: {  	[dreg:$0x0] =	wrdreg $0xFFFFFFFF;
	(pc) =	sbr.abs _section_cstart, $3  }
0xc6: {  	[dreg:$0x1] =	wrdreg $0xFFFFFFFF  }
0xc7: {  	_ =	task.clear_ibuf [dreg:s10], $0x2FFFF;
	_ =	strace $0x9FFFFFFF  }
0xc8: {  	(tm) =	ssettm $0x7FFFFFFF  }
0xc9: {  	_ =	shalt  }
tec
execute0_lowered:
.L_overlay_start_1:
0x0: {  	(tag) =	ssettag $0x1  }
0x1: {  	s2 =	rddreg [dreg:$0x0]  }
0x2: {  	s11 =	rddreg [dreg:$0x1]  }
0x3: {  	s12 =	rddreg [dreg:$0x2]  }
0x4: {  	s13 =	rddreg [dreg:$0x3]  }
0x5: {  	s0 =	rddreg [dreg:$0x4]  }
0x6: {  	s1 =	srdreg.scid;
	s3 =	stileid.u32  }
0x7: {  	s5 =	simm.s32 $0x0;
	s15 =	simm.s32 $0x4000;
	s22 =	simm.s32 $0x1  }
0x8: {  	s23 =	simm.s32 $0x8600;
	s24 =	simm.s32 $0x10F00;
	s28 =	simm.s32 $0x2  }
0x9: {  	s30 =	simm.s32 $0x0;
	s1 =	sand.u32 $0x1, s1;
	s4 =	sshll.u32 s3, $0x1  }
0xa: {  	[smem:$0x7FF] =	sst s5;
	s5 =	smov.u32 s11;
	s6 =	smov.u32 s12  }
0xb: {  	s4 =	sor.u32 s1, s4;
	s1 =	ssub.s32 $0x2, s1;
	_ =	strace $0x80000047  }
0xc: {  	s7 =	sshll.u32 s4, $0xF;
	s8 =	sshrl.u32 s1, $0x1;
	s9 =	smul.u32 $0x2400, s4  }
0xd: {  	s10 =	sshll.u32 s4, $0xD;
	s0 =	sadd.s32 s7, s0;
	s1 =	ssub.s32 s1, s8  }
0xe: {  	s7 =	sshll.u32 s4, $0xA;
	s8 =	sshll.u32 s4, $0x3;
	s2 =	sadd.s32 s2, s10  }
0xf: {  	s4 =	sshll.u32 s4, $0x7;
	[dreg:$0x6] =	wrdreg s2;
	s25 =	sadd.s32 s11, s9  }
0x10: {  	s3 =	smov.u32 s13;
	s26 =	sadd.s32 s12, s4;
	[dreg:$0x7] =	wrdreg s25  }
0x11: {  	v0 =	vimm.f32 $0.0e+00;
	v1 =	vlaneseq.u32;
	s29 =	sadd.s32 s13, s4;
	s13 =	sadd.s32 $0x400, s0;
	[dreg:$0x8] =	wrdreg s26  }
0x12: {  	v2 =	vimm.s32 $0x1;
	v3 =	vimm.s32 $0x0;
	v4 =	vand.u32 $0x7, v1;
	s31 =	smax.u32 s1, $0x1;
	s1 =	simm.s32 $0x0;
	[dreg:$0x9] =	wrdreg s29  }
0x13: {  	v5 =	vor.u32 $0xFFFFFF80, v1;
	v6 =	vor.u32 $0xFFFFFFF0, v1;
	v4 =	vmul.u32 $0x80, v4;
	[dreg:$0xa] =	wrdreg s31;
	s25 =	simm.s32 $0x10A80;
	s26 =	simm.s32 $0x3  }
.LBB2_1:
0x14: {  	[tilespmem:$0x10A80] =	vst v0  }
0x15: {  	[dreg:$0xb] =	wrdreg s1;
	[tilespmem:$0x10F00] =	vst v2;
	s0 =	simm.s32 $0x40;
	s1 =	simm.s32 $0x0  }
.LBB2_2:
0x16: {  	p0 =	sne.s32 s0, $0xFC0;
	[tilespmem:s1+$0x10F10] =	vst v3;
	s1 =	smov.u32 s0;
	s0 =	sadd.s32 $0x40, s0  }
.Ltmp0:
0x17: {  	(pc) =	sbr.rel @p0 .LBB2_2-.Ltmp0, $2  }
0x18: {  	_ =	sdelay $0x2  }
0x19: {  	s1 =	sshra.s32 s1, $0x2  }
0x1a: {  	[tilespmem:s1+$0x10F10] =	vst v3;
	s0 =	rddreg [dreg:$0x6]  }
0x1b: {  	[tilespmem:s30], [sflag:$0x1] =	stream.linear.gather [hbm4b:s0+s30], $0x2000, $0x38;
	[tilespmem:$0x11380] =	vst v63  }
0x1c: {  	s18 =	rddreg [dreg:$0x7]  }
0x1d: {  	[tilespmem:s15], [sflag:$0x1] =	stream.linear.gather [hbm4b:s18+s30], $0x2080, $0x38;
	[tilespmem:$0x11380] =	vst v63  }
0x1e: {  	s19 =	rddreg [dreg:$0x8];
	s20 =	simm.s32 $0x8400  }
0x1f: {  	[tilespmem:s20], [sflag:$0x1] =	stream.linear.gather [hbm4b:s19+s30], $0x80, $0x38;
	[tilespmem:$0x11380] =	vst v63  }
0x20: {  	s21 =	rddreg [dreg:$0x9];
	s29 =	simm.s32 $0x8500;
	s31 =	simm.s32 $0x0  }
0x21: {  	[tilespmem:s29], [sflag:$0x1] =	stream.linear.gather [hbm4b:s21+s30], $0x80, $0x38;
	[tilespmem:$0x11380] =	vst v63  }
.LBB2_4:
0x22: {  	s0 =	sshllo.u32 s31, $0x1  }
0x23: {  	s1 =	sor.u32 s8, s0  }
0x24: {  	s4 =	sshll.u32 s1, $0xA  }
0x25: {  	s2 =	rddreg [dreg:$0x0];
	s4 =	sand.u32 $0x1FFFFC00, s4  }
0x26: {  	s17 =	simm.s32 $0x2000;
	s1 =	smul.u32 $0x480, s1;
	s4 =	sadd.s32 s2, s4  }
0x27: {  	[tilespmem:s17], [sflag:$0x2] =	stream.linear.gather [hbm4b:s4+s30], $0x2000, $0x38;
	[tilespmem:$0x11380] =	vst v63  }
0x28: {  	s18 =	simm.s32 $0x6100;
	s19 =	sshll.u32 s0, $0x7;
	s1 =	sadd.s32 s5, s1  }
0x29: {  	[tilespmem:s18], [sflag:$0x2] =	stream.linear.gather [hbm4b:s1+s30], $0x2080, $0x38;
	[tilespmem:$0x11380] =	vst v63  }
0x2a: {  	s1 =	sadd.s32 s7, s19  }
0x2b: {  	s1 =	sshrl.u32 s1, $0x3  }
0x2c: {  	s21 =	simm.s32 $0x8480;
	s20 =	sadd.s32 s6, s1  }
0x2d: {  	[tilespmem:s21], [sflag:$0x2] =	stream.linear.gather [hbm4b:s20+s30], $0x80, $0x38;
	[tilespmem:$0x11380] =	vst v63  }
0x2e: {  	s29 =	simm.s32 $0x8580;
	s1 =	sadd.s32 s3, s1  }
0x2f: {  	[tilespmem:s29], [sflag:$0x2] =	stream.linear.gather [hbm4b:s1+s30], $0x80, $0x38;
	[tilespmem:$0x11380] =	vst v63  }
0x30: {  	_ =	swait.ge [sflag:s22], $0x2000  }
0x31: {  	[sflag:s22] =	ssyncset.done $0x0  }
0x32: {  	[sflag:s22] =	ssyncadd.s32 $0xFFFFE000  }
0x33: {  	_ =	swait.ge [sflag:s22], $0x2080  }
0x34: {  	[sflag:s22] =	ssyncset.done $0x0  }
0x35: {  	[sflag:s22] =	ssyncadd.s32 $0xFFFFDF80  }
0x36: {  	_ =	swait.ge [sflag:s22], $0x80  }
0x37: {  	[sflag:s22] =	ssyncset.done $0x0  }
0x38: {  	[sflag:s22] =	ssyncadd.s32 $0xFFFFFF80  }
0x39: {  	_ =	swait.ge [sflag:s22], $0x80  }
0x3a: {  	[sflag:s22] =	ssyncset.done $0x0  }
0x3b: {  	[sflag:s22] =	ssyncadd.s32 $0xFFFFFF80  }
0x3c: {  	v7 =	vld [tilespmem:$0x6000]  }
0x3d: {  	v8 =	vld [tilespmem:$0x6010]  }
0x3e: {  	v9 =	vld [tilespmem:$0x6020]  }
0x3f: {  	v10 =	vld [tilespmem:$0x6030]  }
0x40: {  	v11 =	vld [tilespmem:$0x6040]  }
0x41: {  	v63 =	vld [tilespmem:$0x6070];
	[tilespmem:$0x6080] =	vst v7  }
0x42: {  	v7 =	vld [tilespmem:$0x6050];
	[tilespmem:$0x6090] =	vst v8  }
0x43: {  	v8 =	vld [tilespmem:$0x6060];
	[tilespmem:$0x60A0] =	vst v9  }
0x44: {  	[tilespmem:$0x60B0] =	vst v10  }
0x45: {  	[tilespmem:$0x60C0] =	vst v11  }
0x46: {  	[tilespmem:$0x60F0] =	vst v63  }
0x47: {  	s16 =	simm.s32 $0x200;
	[tilespmem:$0x60D0] =	vst v7  }
0x48: {  	s14 =	simm.s32 $0x4200;
	s9 =	simm.s32 $0x0;
	s4 =	sshll.u32 s31, $0x1;
	[tilespmem:$0x60E0] =	vst v8  }
.LBB2_5:
0x49: {  	v7 =	vld [tilespmem:s16+$0xFFFFFE00];
	_ =	sdelay $0x1  }
0x4a: {  	v8 =	vld [tilespmem:s16+$0xFFFFFE80];
	_ =	sdelay $0x1  }
0x4b: {  	v9 =	vimm.f32 $0.0e+00;
	v10 =	vld [tilespmem:s16+$0xFFFFFF00]  }
0x4c: {  	v9 =	vadd.f32 v7, v9  }
0x4d: {  	v11 =	vld [tilespmem:s16+$0xFFFFFF80]  }
0x4e: {  	v12 =	vadd.f32 v8, v9  }
0x4f: {  	v13 =	vld [tilespmem:s16+$0x0]  }
0x50: {  	s11 =	sshll.u32 s9, $0x4;
	v14 =	vld [tilespmem:s16+$0x80];
	v10 =	vadd.f32 v10, v12  }
0x51: {  	s10 =	simm.s32 $0x10640;
	v7 =	vld [tilespmem:s11+$0x8400]  }
0x52: {  	v8 =	vld [tilespmem:s11+$0x8500];
	[tilespmem:s10+$0xFFFFFFD0] =	vst v9;
	v11 =	vadd.f32 v11, v10  }
0x53: {  	v9 =	vld [tilespmem:s16+$0x100];
	[tilespmem:s10+$0xFFFFFFE0] =	vst v12  }
0x54: {  	[tilespmem:s10+$0xFFFFFFF0] =	vst v10;
	v63 =	vadd.f32 v13, v11  }
0x55: {  	v10 =	vld [tilespmem:s16+$0x180];
	[tilespmem:s10+$0x0] =	vst v11  }
0x56: {  	s12 =	simm.s32 $0x0;
	s17 =	sadd.s32 $0x400, s16;
	[tilespmem:s10+$0x10] =	vst v63;
	v11 =	vadd.f32 v14, v63  }
.LBB2_6:
0x57: {  	v12 =	vld [tilespmem:s17+$0xFFFFFE00];
	s12 =	sadd.s32 $0x8, s12  }
0x58: {  	p0 =	slt.u32 s12, $0x38;
	[tilespmem:s10+$0x20] =	vst v11;
	v9 =	vadd.f32 v9, v11  }
0x59: {  	v11 =	vld [tilespmem:s17+$0xFFFFFE80]  }
0x5a: {  	[tilespmem:s10+$0x30] =	vst v9;
	v9 =	vadd.f32 v10, v9  }
0x5b: {  	v10 =	vld [tilespmem:s17+$0xFFFFFF00]  }
0x5c: {  	v12 =	vadd.f32 v12, v9;
	[tilespmem:s10+$0x40] =	vst v9  }
0x5d: {  	s10 =	sadd.s32 $0x80, s10;
	v9 =	vld [tilespmem:s17+$0xFFFFFF80]  }
0x5e: {  	[tilespmem:s10+$0xFFFFFFD0] =	vst v12;
	v11 =	vadd.f32 v11, v12  }
0x5f: {  	v12 =	vld [tilespmem:s17+$0x0]  }
0x60: {  	[tilespmem:s10+$0xFFFFFFE0] =	vst v11;
	v10 =	vadd.f32 v10, v11  }
0x61: {  	v11 =	vld [tilespmem:s17+$0x80]  }
.Ltmp1:
0x62: {  	[tilespmem:s10+$0xFFFFFFF0] =	vst v10;
	v10 =	vadd.f32 v9, v10;
	(pc) =	sbr.rel @p0 .LBB2_6-.Ltmp1, $4  }
0x63: {  	v9 =	vld [tilespmem:s17+$0x100]  }
0x64: {  	[tilespmem:s10+$0x0] =	vst v10;
	v12 =	vadd.f32 v12, v10  }
0x65: {  	v10 =	vld [tilespmem:s17+$0x180]  }
0x66: {  	s17 =	sadd.s32 $0x400, s17;
	[tilespmem:s10+$0x10] =	vst v12;
	v11 =	vadd.f32 v11, v12  }
0x67: {  	_ = 	snop  }
0x68: {  	v9 =	vadd.f32 v9, v11;
	_ =	sdelay $0x1  }
0x69: {  	v10 =	vadd.f32 v10, v9;
	_ =	sdelay $0x1  }
0x6a: {  	v12 =	vadd.f32 $6.399999860e-01, v10;
	_ =	sdelay $0x1  }
0x6b: {  	[tilespmem:s10+$0x20] =	vst v11;
	v11 =	vsub.f32 $9.999999740e-06, v12  }
0x6c: {  	[tilespmem:s10+$0x30] =	vst v9  }
0x6d: {  	[tilespmem:s10+$0x40] =	vst v10;
	v13 =	vmax.f32 v11, $0.0e+00  }
0x6e: {  	v15 =	vld [tilespmem:s11+$0x4000];
	v9 =	vmul.f32 $1.562500000e-02, v13  }
0x6f: {  	v10 =	vor.u32 s11, v1  }
0x70: {  	v14 =	vadd.f32 $9.999999770e-03, v9;
	v9 =	vshll.u32 v10, $0x8  }
0x71: {  	v8 =	vsub.f32 v8, v7;
	v16 =	vimm.f32 $0.0e+00;
	v9 =	vand.u32 $0x7800, v9  }
0x72: {  	v11 =	vor.u32 v4, v9;
	v16 =	vadd.f32 v16, v14  }
0x73: {  	v12 =	vadd.f32 v13, v12;
	v13 =	vmul.f32 v15, v8  }
0x74: {  	v15 =	vadd.f32 v16, v14  }
0x75: {  	(erf) = vrcp.f32 v12;
	v12 =	vadd.f32 v13, v7  }
0x76: {  	v19 =	vadd.f32 v15, v14  }
0x77: {  	s10 =	simm.s32 $0x10640;
	[tilespmem:v11+s23+$0x0] =	vst.idx.msk $0xffff, v12  }
0x78: {  	v12 =	vld [tilespmem:s10+$0xFFFFFFD0];
	v20 =	vadd.f32 v19, v14  }
0x79: {  	v13 =	vld [tilespmem:s10+$0xFFFFFFE0]  }
0x7a: {  	v21 =	vadd.f32 v20, v14  }
0x7b: {  	v22 =	vld [tilespmem:s10+$0xFFFFFFF0]  }
0x7c: {  	v23 =	vld [tilespmem:s10+$0x30];
	v24 =	vadd.f32 v21, v14  }
0x7d: {  	v25 =	vld [tilespmem:s10+$0x40];
	v12 =	vadd.f32 v12, v16  }
0x7e: {  	v17 =	vpop (erf);
	v16 =	vld [tilespmem:s10+$0x0];
	v15 =	vadd.f32 v13, v15;
	v26 =	vadd.f32 v24, v14  }
0x7f: {  	v28 =	vld [tilespmem:s10+$0x20];
	v27 =	vmul.f32 v12, v17  }
0x80: {  	v15 =	vmul.f32 v15, v17;
	v18 =	vadd.f32 v26, v14  }
0x81: {  	v19 =	vadd.f32 v22, v19;
	v13 =	vmin.f32 v27, $1.000000000e+00  }
0x82: {  	v15 =	vmin.f32 v15, $1.000000000e+00;
	v27 =	vmul.f32 $6.500000000e+01, v13;
	v22 =	vadd.f32 v25, v18  }
0x83: {  	v25 =	vadd.f32 v16, v20;
	v16 =	vadd.f32 v23, v26;
	v26 =	vmul.f32 $6.500000000e+01, v15  }
0x84: {  	v24 =	vadd.f32 v28, v24;
	v19 =	vmul.f32 v19, v17;
	v23 =	vld [tilespmem:s10+$0x10];
	v20 =	vadd.f32 $-5.000000000e-01, v27  }
0x85: {  	v22 =	vmul.f32 v22, v17;
	v27 =	vmul.f32 v16, v17;
	v29 =	vadd.f32 $-5.000000000e-01, v26  }
0x86: {  	v12 =	vmov s11;
	v16 =	vmin.f32 v19, $1.000000000e+00;
	v28 =	vtrunc.f32 v20  }
0x87: {  	v31 =	vmin.f32 v22, $1.000000000e+00;
	v22 =	vmin.f32 v27, $1.000000000e+00;
	v30 =	vtrunc.f32 v29  }
0x88: {  	vm0 =	vgt.f32 v20, v28;
	v19 =	vmul.f32 $6.500000000e+01, v31;
	v20 =	vmul.f32 $6.500000000e+01, v16  }
0x89: {  	v26 =	vmul.f32 $6.500000000e+01, v22;
	v21 =	vadd.f32 v23, v21;
	v23 =	vmul.f32 v24, v17  }
0x8a: {  	v35 =	vcvt.f32.s32 v30;
	vm13 =	vgt.f32 v29, v30;
	v27 =	vsel vm0, $0x1, v3  }
0x8b: {  	v29 =	vsel vm13, $0x1, v3;
	v19 =	vadd.f32 $-5.000000000e-01, v19;
	v24 =	vadd.f32 $-5.000000000e-01, v26  }
0x8c: {  	v26 =	vcvt.f32.s32 v28;
	v32 =	vadd.f32 $-5.000000000e-01, v20;
	v21 =	vmul.f32 v21, v17  }
0x8d: {  	v29 =	vadd.s32 v35, v29;
	v20 =	vtrunc.f32 v19;
	v28 =	vtrunc.f32 v24  }
0x8e: {  	v34 =	vtrunc.f32 v32;
	v33 =	vcvt.f32.s32 v20;
	vm12 =	vgt.f32 v19, v20  }
0x8f: {  	vm1 =	vgt.f32 v24, v28;
	v24 =	vcvt.f32.s32 v28;
	v19 =	vsel vm12, $0x1, v3  }
0x90: {  	s1 =	simm.s32 $0x8;
	v20 =	vadd.s32 v26, v27;
	v26 =	vsel vm1, $0x1, v3;
	v19 =	vadd.s32 v33, v19  }
0x91: {  	v61 =	vadd.s32 v24, v26;
	v27 =	vshll.u32 v19, $0x4;
	v28 =	vadd.s32 s1, v19  }
0x92: {  	s12 =	simm.s32 $0x10AC0;
	s17 =	simm.s32 $0x2;
	v19 =	vmul.f32 v25, v17;
	v25 =	vmin.f32 v23, $1.000000000e+00;
	v23 =	vshll.u32 v61, $0x4  }
0x93: {  	s11 =	simm.s32 $0x1;
	[tilespmem:s12+$0x30] =	vst v22;
	v22 =	vadd.s32 s17, v29;
	vm14 =	vgt.f32 v32, v34;
	v23 =	vor.u32 v1, v23  }
0x94: {  	s21 =	simm.s32 $0x7;
	[tilespmem:s12+$0x40] =	vst v31;
	v31 =	vsel vm14, $0x1, v3;
	v26 =	vmin.f32 v21, $1.000000000e+00;
	v24 =	vadd.s32 s11, v20  }
0x95: {  	v30 =	vmul.f32 $6.500000000e+01, v26;
	v38 =	vadd.s32 s21, v61;
	v37 =	vor.u32 v1, v27  }
0x96: {  	v21 =	vmul.f32 $6.500000000e+01, v25;
	v62 =	vshll.u32 v28, $0x3;
	v32 =	vand.u32 $0x7F, v38  }
0x97: {  	v27 =	vmin.f32 v19, $1.000000000e+00;
	v19 =	vand.u32 $0x7F, v24;
	v39 =	vadd.f32 $-5.000000000e-01, v30  }
0x98: {  	v30 =	vshll.u32 v38, $0x3;
	v21 =	vadd.f32 $-5.000000000e-01, v21;
	v63 =	vmul.f32 $6.500000000e+01, v27;
	[tilespmem:v23+s24+$0x0] =	vst.idx.add.s32.msk $0xffff, v2  }
0x99: {  	v33 =	vand.u32 $0xFFFFFC00, v30;
	v30 =	vand.u32 $0xFFFFFC00, v62;
	v41 =	vtrunc.f32 v39;
	v40 =	vld [tilespmem:s14+$0x180]  }
0x9a: {  	v30 =	vadd.s32 v11, v30;
	v36 =	vtrunc.f32 v21;
	v35 =	vadd.f32 $-5.000000000e-01, v63  }
0x9b: {  	vm2 =	vgt.f32 v39, v41;
	v38 =	vcvt.f32.s32 v41;
	v23 =	vshll.u32 v22, $0x3  }
0x9c: {  	vm15 =	vgt.f32 v21, v36;
	v36 =	vcvt.f32.s32 v36;
	v21 =	vcvt.f32.s32 v34  }
0x9d: {  	s29 =	simm.s32 $0x6;
	s20 =	simm.s32 $0x9;
	[tilespmem:v37+s24+$0x0] =	vst.idx.add.s32.msk $0xffff, v2;
	v37 =	vsel vm2, $0x1, v3;
	v23 =	vand.u32 $0xFFFFFC00, v23;
	v39 =	vsel vm15, $0x1, v3  }
0x9e: {  	s18 =	simm.s32 $0x10B40;
	s19 =	sadd.s32 $0x400, s14;
	s17 =	smov.u32 s14;
	v34 =	vld [tilespmem:s14+$0x200];
	v23 =	vadd.s32 v11, v23;
	v21 =	vadd.s32 v21, v31;
	v31 =	vmul.f32 v40, v8  }
.LBB2_8:
0x9f: {  	s2 =	sadd.s32 $0x5, s20  }
0xa0: {  	v40 =	vtrunc.f32 v35;
	v36 =	vadd.s32 v36, v39;
	v33 =	vadd.s32 v11, v33;
	s10 =	sadd.s32 $0x80, s10;
	s21 =	smov.u32 s20;
	s1 =	sadd.s32 $0x8, s20  }
0xa1: {  	p0 =	slt.u32 s20, $0x39;
	v28 =	vand.u32 $0x7F, v28;
	v39 =	vld [tilespmem:s10+$0xFFFFFFD0];
	v41 =	vcvt.f32.s32 v40;
	v42 =	vadd.s32 s29, v36;
	s29 =	smov.u32 s2  }
0xa2: {  	vm0 =	vgt.f32 v35, v40;
	v35 =	vadd.s32 v38, v37;
	v28 =	vor.u32 v28, v30  }
0xa3: {  	v32 =	vor.u32 v32, v33;
	v30 =	vsel vm0, $0x1, v3;
	v37 =	vshll.u32 v42, $0x3  }
0xa4: {  	v33 =	vshll.u32 v36, $0x4;
	v34 =	vmul.f32 v34, v8;
	v36 =	vand.u32 $0xFFFFFC00, v37  }
0xa5: {  	v38 =	vshll.u32 v35, $0x4;
	v33 =	vor.u32 v1, v33;
	v30 =	vadd.s32 v41, v30;
	v37 =	vld [tilespmem:s10+$0xFFFFFFF0]  }
0xa6: {  	s2 =	sadd.s32 $0x3, s11;
	v31 =	vadd.f32 v31, v7;
	v34 =	vadd.f32 v34, v7;
	v40 =	vld [tilespmem:s10+$0xFFFFFFE0];
	[tilespmem:s12+$0x10] =	vst v26;
	v26 =	vor.u32 v1, v38  }
0xa7: {  	v29 =	vshll.u32 v29, $0x4;
	[tilespmem:s12+$0x0] =	vst v27;
	v27 =	vshll.u32 v30, $0x4;
	v30 =	vadd.s32 s2, v30;
	s2 =	sadd.s32 $0x4, s11  }
0xa8: {  	v20 =	vshll.u32 v20, $0x4;
	v38 =	vld [tilespmem:s10+$0x30];
	v27 =	vor.u32 v1, v27;
	v35 =	vadd.s32 s2, v35;
	[tilespmem:v32+s23+$0x0] =	vst.idx.msk $0xffff, v31  }
0xa9: {  	v24 =	vshll.u32 v24, $0x3;
	v29 =	vor.u32 v1, v29;
	v31 =	vld [tilespmem:s10+$0x0];
	v32 =	vshll.u32 v35, $0x3;
	[tilespmem:v28+s23+$0x0] =	vst.idx.msk $0xffff, v34  }
0xaa: {  	v20 =	vor.u32 v1, v20;
	v34 =	vand.u32 $0x7F, v35;
	v28 =	vld [tilespmem:s10+$0x40];
	v32 =	vand.u32 $0xFFFFFC00, v32;
	[tilespmem:s12+$0x20] =	vst v25  }
0xab: {  	v18 =	vadd.f32 v18, v14;
	v25 =	vshll.u32 v30, $0x3;
	v32 =	vadd.s32 v11, v32;
	[tilespmem:v33+s24+$0x0] =	vst.idx.add.s32.msk $0xffff, v2  }
0xac: {  	v25 =	vand.u32 $0xFFFFFC00, v25;
	v33 =	vadd.s32 v11, v36;
	[tilespmem:v26+s24+$0x0] =	vst.idx.add.s32.msk $0xffff, v2;
	v26 =	vand.u32 $0x7F, v42  }
0xad: {  	v35 =	vadd.f32 v18, v14;
	[tilespmem:v27+s24+$0x0] =	vst.idx.add.s32.msk $0xffff, v2;
	v27 =	vand.u32 $0x7F, v30;
	v26 =	vor.u32 v26, v33  }
0xae: {  	v18 =	vadd.f32 v39, v18;
	v25 =	vadd.s32 v11, v25;
	v32 =	vor.u32 v34, v32;
	v30 =	vld [tilespmem:s17+$0x0]  }
0xaf: {  	v22 =	vand.u32 $0x7F, v22;
	v33 =	vadd.f32 v35, v14;
	v25 =	vor.u32 v27, v25;
	v27 =	vld [tilespmem:s17+$0x100]  }
0xb0: {  	v18 =	vmul.f32 v18, v17;
	v34 =	vadd.f32 v40, v35;
	[tilespmem:s12+$0xFFFFFFE0] =	vst v15;
	v15 =	vshll.u32 v21, $0x4;
	v35 =	vld [tilespmem:s17+$0x80]  }
0xb1: {  	v24 =	vand.u32 $0xFFFFFC00, v24;
	v36 =	vadd.f32 v33, v14;
	[tilespmem:v29+s24+$0x0] =	vst.idx.add.s32.msk $0xffff, v2;
	v29 =	vor.u32 v1, v15  }
0xb2: {  	v22 =	vor.u32 v22, v23;
	v18 =	vmin.f32 v18, $1.000000000e+00;
	v15 =	vmul.f32 v34, v17;
	v34 =	vld [tilespmem:s17+$0xFFFFFF00]  }
0xb3: {  	v23 =	vadd.f32 v31, v36;
	v31 =	vadd.f32 v36, v14;
	v36 =	vld [tilespmem:s10+$0x20];
	[tilespmem:s12+$0xFFFFFFD0] =	vst v13;
	v30 =	vmul.f32 v30, v8  }
0xb4: {  	v39 =	vmul.f32 $6.500000000e+01, v18;
	v15 =	vmin.f32 v15, $1.000000000e+00;
	v13 =	vmovc v18;
	[tilespmem:v20+s24+$0x0] =	vst.idx.add.s32.msk $0xffff, v2;
	v20 =	vmul.f32 v27, v8  }
0xb5: {  	v24 =	vadd.s32 v11, v24;
	v18 =	vadd.f32 v37, v33;
	v27 =	vadd.f32 v31, v14;
	v33 =	vld [tilespmem:s17+$0xFFFFFE80];
	[tilespmem:s12+$0xFFFFFFF0] =	vst v16;
	s12 =	smov.u32 s18  }
0xb6: {  	v37 =	vmul.f32 $6.500000000e+01, v15;
	v16 =	vadd.f32 v30, v7;
	[tilespmem:v29+s24+$0x0] =	vst.idx.add.s32.msk $0xffff, v2;
	v29 =	vmul.f32 v35, v8  }
0xb7: {  	v19 =	vor.u32 v19, v24;
	v30 =	vadd.f32 v27, v14;
	v20 =	vadd.f32 v20, v7  }
0xb8: {  	s2 =	sadd.s32 $0x2, s11;
	s11 =	smov.u32 s21;
	v24 =	vadd.f32 $-5.000000000e-01, v39;
	v35 =	vmul.f32 v18, v17;
	v39 =	vld [tilespmem:s17+$0xFFFFFF80];
	[tilespmem:v25+s23+$0x0] =	vst.idx.msk $0xffff, v16;
	v16 =	vadd.f32 v29, v7;
	s17 =	smov.u32 s19  }
0xb9: {  	v21 =	vadd.s32 s2, v21;
	v18 =	vadd.f32 v30, v14;
	v25 =	vmul.f32 v34, v8;
	[tilespmem:v26+s23+$0x0] =	vst.idx.msk $0xffff, v20  }
0xba: {  	v20 =	vadd.f32 v36, v27;
	v26 =	vadd.f32 v38, v30;
	v27 =	vand.u32 $0x7F, v21;
	[tilespmem:v32+s23+$0x0] =	vst.idx.msk $0xffff, v16  }
0xbb: {  	v29 =	vtrunc.f32 v24;
	v21 =	vshll.u32 v21, $0x3;
	v28 =	vadd.f32 v28, v18;
	v30 =	vld [tilespmem:s10+$0x10]  }
0xbc: {  	v16 =	vmin.f32 v35, $1.000000000e+00;
	v32 =	vmul.f32 v33, v8;
	v26 =	vmul.f32 v26, v17  }
0xbd: {  	vm0 =	vgt.f32 v24, v29;
	v21 =	vand.u32 $0xFFFFFC00, v21;
	v24 =	vmul.f32 v28, v17  }
0xbe: {  	v33 =	vadd.f32 $-5.000000000e-01, v37;
	v28 =	vmul.f32 $6.500000000e+01, v16;
	v34 =	vmin.f32 v26, $1.000000000e+00  }
0xbf: {  	v21 =	vadd.s32 v11, v21;
	v26 =	vmul.f32 $6.500000000e+01, v34;
	v35 =	vmin.f32 v24, $1.000000000e+00  }
0xc0: {  	v24 =	vsel vm0, $0x1, v3;
	v30 =	vadd.f32 v30, v31;
	v31 =	vmul.f32 $6.500000000e+01, v35  }
0xc1: {  	v36 =	vmul.f32 v20, v17;
	v21 =	vor.u32 v27, v21;
	v20 =	vadd.f32 $-5.000000000e-01, v26  }
0xc2: {  	v37 =	vtrunc.f32 v33;
	v27 =	vmul.f32 v39, v8;
	v26 =	vadd.f32 $-5.000000000e-01, v31  }
0xc3: {  	v29 =	vcvt.f32.s32 v29;
	v31 =	vadd.f32 $-5.000000000e-01, v28;
	v28 =	vtrunc.f32 v20  }
0xc4: {  	v25 =	vadd.f32 v25, v7;
	vm0 =	vgt.f32 v20, v28;
	v20 =	vtrunc.f32 v26  }
0xc5: {  	v38 =	vcvt.f32.s32 v20;
	vm1 =	vgt.f32 v26, v20;
	v26 =	vadd.f32 v32, v7  }
0xc6: {  	v20 =	vadd.s32 v29, v24;
	v24 =	vcvt.f32.s32 v28;
	v28 =	vsel vm1, $0x1, v3;
	[tilespmem:v22+s23+$0x0] =	vst.idx.msk $0xffff, v25  }
0xc7: {  	v39 =	vtrunc.f32 v31;
	v22 =	vsel vm0, $0x1, v3;
	v25 =	vadd.s32 v38, v28;
	[tilespmem:v19+s23+$0x0] =	vst.idx.msk $0xffff, v26  }
0xc8: {  	s2 =	sadd.s32 $0x7, s11;
	v19 =	vmul.f32 v30, v17;
	v22 =	vadd.s32 v24, v22;
	v24 =	vshll.u32 v25, $0x4  }
0xc9: {  	v28 =	vadd.s32 s2, v25;
	v30 =	vor.u32 v1, v24;
	v24 =	vadd.f32 v27, v7  }
0xca: {  	v23 =	vmul.f32 v23, v17;
	v25 =	vmin.f32 v36, $1.000000000e+00;
	v27 =	vshll.u32 v22, $0x4  }
0xcb: {  	v26 =	vmin.f32 v19, $1.000000000e+00;
	v32 =	vmul.f32 $6.500000000e+01, v25;
	v36 =	vor.u32 v1, v27;
	[tilespmem:v21+s23+$0x0] =	vst.idx.msk $0xffff, v24  }
0xcc: {  	v27 =	vmin.f32 v23, $1.000000000e+00;
	v24 =	vadd.s32 s11, v20;
	v21 =	vcvt.f32.s32 v37  }
0xcd: {  	vm1 =	vgt.f32 v33, v37;
	vm0 =	vgt.f32 v31, v39;
	v19 =	vand.u32 $0x7F, v24  }
0xce: {  	s2 =	sadd.s32 $0x6, s11;
	v23 =	vsel vm1, $0x1, v3;
	v31 =	vmul.f32 $6.500000000e+01, v26;
	[tilespmem:s18+$0x30] =	vst v34;
	v34 =	vshll.u32 v28, $0x3  }
0xcf: {  	s20 =	sadd.s32 $0x1, s11;
	v29 =	vadd.s32 v21, v23;
	v21 =	vadd.f32 $-5.000000000e-01, v32;
	v32 =	vadd.s32 s2, v22  }
0xd0: {  	v31 =	vadd.f32 $-5.000000000e-01, v31;
	v23 =	vmul.f32 $6.500000000e+01, v27;
	v22 =	vadd.s32 s20, v29;
	[tilespmem:v36+s24+$0x0] =	vst.idx.add.s32.msk $0xffff, v2  }
0xd1: {  	v33 =	vshll.u32 v22, $0x3;
	v37 =	vtrunc.f32 v21;
	v36 =	vshll.u32 v32, $0x3  }
0xd2: {  	v34 =	vand.u32 $0xFFFFFC00, v34;
	v38 =	vand.u32 $0xFFFFFC00, v33;
	v33 =	vand.u32 $0xFFFFFC00, v36;
	v40 =	vld [tilespmem:s19+$0x180];
	[tilespmem:s18+$0x40] =	vst v35  }
.Ltmp2:
0xd3: {  	v41 =	vtrunc.f32 v31;
	v35 =	vadd.f32 $-5.000000000e-01, v23;
	[tilespmem:v30+s24+$0x0] =	vst.idx.add.s32.msk $0xffff, v2;
	v30 =	vadd.s32 v11, v34;
	(pc) =	sbr.rel @p0 .LBB2_8-.Ltmp2, $4  }
0xd4: {  	v32 =	vand.u32 $0x7F, v32;
	v36 =	vcvt.f32.s32 v37;
	v23 =	vadd.s32 v11, v38  }
0xd5: {  	vm1 =	vgt.f32 v31, v41;
	vm2 =	vgt.f32 v21, v37;
	v38 =	vcvt.f32.s32 v39;
	v34 =	vld [tilespmem:s19+$0x200]  }
0xd6: {  	v21 =	vsel vm0, $0x1, v3;
	v37 =	vsel vm1, $0x1, v3;
	v39 =	vsel vm2, $0x1, v3  }
0xd7: {  	s20 =	smov.u32 s1;
	s18 =	sadd.s32 $0x80, s18;
	v21 =	vadd.s32 v38, v21;
	v38 =	vcvt.f32.s32 v41;
	s19 =	sadd.s32 $0x400, s19;
	v31 =	vmul.f32 v40, v8  }
0xd8: {  	v14 =	vtrunc.f32 v35;
	v17 =	vadd.s32 v36, v39;
	v28 =	vand.u32 $0x7F, v28  }
0xd9: {  	[tilespmem:s12+$0x10] =	vst v26;
	v20 =	vshll.u32 v20, $0x4;
	v18 =	vcvt.f32.s32 v14;
	vm0 =	vgt.f32 v35, v14  }
0xda: {  	[tilespmem:s12+$0x20] =	vst v25;
	v36 =	vshll.u32 v17, $0x4;
	v25 =	vor.u32 v28, v30;
	v20 =	vor.u32 v1, v20  }
0xdb: {  	[tilespmem:s12+$0x0] =	vst v27;
	v28 =	vshll.u32 v29, $0x4;
	v35 =	vsel vm0, $0x1, v3;
	v36 =	vor.u32 v1, v36  }
0xdc: {  	v57 =	vshll.u32 v21, $0x4;
	[tilespmem:s12+$0xFFFFFFE0] =	vst v15;
	v28 =	vor.u32 v1, v28;
	v18 =	vadd.s32 v18, v35  }
0xdd: {  	[tilespmem:s12+$0xFFFFFFD0] =	vst v13;
	v30 =	vmul.f32 v34, v8;
	v34 =	vor.u32 v1, v57;
	v54 =	vshll.u32 v18, $0x4  }
0xde: {  	[tilespmem:s12+$0xFFFFFFF0] =	vst v16;
	v26 =	vor.u32 v1, v54  }
0xdf: {  	v14 =	vadd.s32 v38, v37;
	[tilespmem:v20+s24+$0x0] =	vst.idx.add.s32.msk $0xffff, v2  }
0xe0: {  	v27 =	vadd.s32 v11, v33;
	v53 =	vshll.u32 v14, $0x4;
	[tilespmem:v36+s24+$0x0] =	vst.idx.add.s32.msk $0xffff, v2  }
0xe1: {  	s1 =	sadd.s32 $0x4, s11;
	s10 =	sadd.s32 $0x3, s11;
	v24 =	vshll.u32 v24, $0x3;
	s11 =	sadd.s32 $0x2, s11;
	v17 =	vadd.s32 s29, v17;
	v35 =	vor.u32 v1, v53;
	[tilespmem:v28+s24+$0x0] =	vst.idx.add.s32.msk $0xffff, v2  }
0xe2: {  	v27 =	vor.u32 v32, v27;
	v16 =	vand.u32 $0xFFFFFC00, v24;
	v21 =	vadd.s32 s11, v21;
	[tilespmem:v34+s24+$0x0] =	vst.idx.add.s32.msk $0xffff, v2  }
0xe3: {  	v29 =	vshll.u32 v17, $0x3;
	v14 =	vadd.s32 s1, v14;
	v17 =	vand.u32 $0x7F, v17;
	[tilespmem:v26+s24+$0x0] =	vst.idx.add.s32.msk $0xffff, v2  }
0xe4: {  	v16 =	vadd.s32 v11, v16;
	v18 =	vadd.s32 s10, v18;
	v26 =	vadd.f32 v31, v7;
	v31 =	vld [tilespmem:s17+$0x0]  }
0xe5: {  	v29 =	vand.u32 $0xFFFFFC00, v29;
	v55 =	vshll.u32 v14, $0x3;
	v58 =	vshll.u32 v18, $0x3;
	v56 =	vld [tilespmem:s17+$0x100]  }
0xe6: {  	v14 =	vand.u32 $0x7F, v14;
	v16 =	vor.u32 v19, v16;
	v28 =	vand.u32 $0xFFFFFC00, v58;
	[tilespmem:v35+s24+$0x0] =	vst.idx.add.s32.msk $0xffff, v2  }
0xe7: {  	v30 =	vadd.f32 v30, v7;
	v13 =	vand.u32 $0x7F, v18;
	v18 =	vadd.s32 v11, v28;
	v15 =	vld [tilespmem:s17+$0x80]  }
0xe8: {  	v32 =	vand.u32 $0xFFFFFC00, v55;
	v29 =	vadd.s32 v11, v29;
	v59 =	vld [tilespmem:s17+$0xFFFFFF00];
	v13 =	vor.u32 v13, v18  }
0xe9: {  	v32 =	vadd.s32 v11, v32;
	v20 =	vand.u32 $0x7F, v22;
	v18 =	vld [tilespmem:s17+$0xFFFFFE80];
	v22 =	vmul.f32 v31, v8  }
0xea: {  	v17 =	vor.u32 v17, v29;
	v20 =	vor.u32 v20, v23;
	v24 =	vld [tilespmem:s17+$0xFFFFFF80];
	v23 =	vmul.f32 v56, v8  }
0xeb: {  	v14 =	vor.u32 v14, v32;
	[tilespmem:v27+s23+$0x0] =	vst.idx.msk $0xffff, v26;
	v26 =	vshll.u32 v21, $0x3;
	v22 =	vadd.f32 v22, v7  }
0xec: {  	[tilespmem:v25+s23+$0x0] =	vst.idx.msk $0xffff, v30;
	v15 =	vmul.f32 v15, v8;
	v19 =	vadd.f32 v23, v7;
	v23 =	vand.u32 $0xFFFFFC00, v26  }
0xed: {  	v21 =	vand.u32 $0x7F, v21;
	[tilespmem:v13+s23+$0x0] =	vst.idx.msk $0xffff, v22;
	v13 =	vmul.f32 v59, v8;
	v22 =	vadd.s32 v11, v23  }
0xee: {  	v18 =	vmul.f32 v18, v8;
	v15 =	vadd.f32 v15, v7;
	v21 =	vor.u32 v21, v22  }
0xef: {  	[tilespmem:v17+s23+$0x0] =	vst.idx.msk $0xffff, v19;
	v17 =	vmul.f32 v24, v8;
	v13 =	vadd.f32 v13, v7  }
0xf0: {  	[tilespmem:v14+s23+$0x0] =	vst.idx.msk $0xffff, v15;
	v14 =	vadd.f32 v18, v7  }
0xf1: {  	[tilespmem:v20+s23+$0x0] =	vst.idx.msk $0xffff, v13;
	v13 =	vadd.f32 v17, v7  }
0xf2: {  	[tilespmem:v16+s23+$0x0] =	vst.idx.msk $0xffff, v14  }
0xf3: {  	[tilespmem:v21+s23+$0x0] =	vst.idx.msk $0xffff, v13  }
0xf4: {  	v13 =	vld [tilespmem:$0x10E80];
	_ =	sdelay $0x4  }
0xf5: {  	s12 =	simm.s32 $0x10F40;
	[tilespmem:$0x10E90] =	vst v13  }
0xf6: {  	v14 =	vld [tilespmem:s12+$0xFFFFFFC0]  }
0xf7: {  	v13 =	vimm.f32 $-7.692307700e-03  }
0xf8: {  	v16 =	vadd.f32 $1.538461540e-02, v13;
	v13 =	vld [tilespmem:s12+$0xFFFFFFD0];
	_ =	sdelay $0x1  }
0xf9: {  	v15 =	vimm.s32 $0x0;
	v18 =	vld [tilespmem:s12+$0xFFFFFFE0]  }
0xfa: {  	v19 =	vld [tilespmem:s12+$0xFFFFFFF0];
	v15 =	vadd.s32 v15, v14  }
0xfb: {  	v24 =	vshll.u32 v15, $0x4  }
0xfc: {  	v20 =	vld [tilespmem:s12+$0x0];
	v22 =	vadd.f32 $1.538461540e-02, v16;
	v17 =	vadd.s32 v15, v13;
	v26 =	vadd.s32 v6, v24  }
0xfd: {  	v27 =	vshll.u32 v17, $0x4;
	v24 =	vor.u32 v1, v24  }
0xfe: {  	v23 =	vadd.f32 $1.538461540e-02, v22;
	v14 =	vld [tilespmem:s12+$0x10];
	v18 =	vadd.s32 v17, v18;
	v45 =	vadd.s32 v6, v27  }
0xff: {  	v13 =	vld [tilespmem:s12+$0x20];
	v29 =	vshll.u32 v18, $0x4;
	v21 =	vadd.s32 v18, v19;
	v27 =	vor.u32 v1, v27  }
0x100: {  	v12 =	vadd.s32 v5, v12;
	v28 =	vld [tilespmem:s12+$0x30];
	v19 =	vadd.s32 v6, v29;
	v31 =	vshll.u32 v21, $0x4  }
0x101: {  	v25 =	vadd.f32 $1.538461540e-02, v23;
	v32 =	vadd.s32 v21, v20;
	v43 =	vadd.s32 v6, v31;
	v26 =	vld.idx.msk [tilespmem:v26+s25+$0x0], $0xffff  }
0x102: {  	s29 =	simm.s32 $0x0;
	v51 =	vshll.u32 v15, $0x7;
	v20 =	vshll.u32 v32, $0x4;
	v31 =	vor.u32 v1, v31;
	v24 =	vld.idx.msk [tilespmem:v24+s25+$0x0], $0xffff  }
0x103: {  	v15 =	vadd.s32 s29, v15;
	v33 =	vadd.s32 v32, v14;
	v60 =	vadd.s32 v6, v20;
	v63 =	vld.idx.msk [tilespmem:v45+s25+$0x0], $0xffff  }
0x104: {  	v61 =	vshll.u32 v33, $0x4;
	v37 =	vadd.s32 v33, v13;
	v20 =	vor.u32 v1, v20;
	v27 =	vld.idx.msk [tilespmem:v27+s25+$0x0], $0xffff  }
0x105: {  	v14 =	vshll.u32 v37, $0x4;
	v13 =	vadd.s32 v37, v28;
	v42 =	vadd.s32 v6, v61;
	v44 =	vld.idx.msk [tilespmem:v19+s25+$0x0], $0xffff  }
0x106: {  	s21 =	simm.s32 $0x1;
	v52 =	vshll.u32 v17, $0x7;
	v28 =	vadd.s32 v6, v14;
	v40 =	vshll.u32 v13, $0x4;
	v43 =	vld.idx.msk [tilespmem:v43+s25+$0x0], $0xffff  }
0x107: {  	v17 =	vadd.s32 s21, v17;
	v30 =	vadd.f32 $1.538461540e-02, v25;
	v41 =	vadd.s32 v6, v40;
	v31 =	vld.idx.msk [tilespmem:v31+s25+$0x0], $0xffff  }
0x108: {  	v48 =	vshll.u32 v18, $0x7;
	v59 =	vadd.s32 v12, v52;
	v40 =	vor.u32 v1, v40;
	v35 =	vld.idx.msk [tilespmem:v60+s25+$0x0], $0xffff  }
0x109: {  	v34 =	vadd.f32 $1.538461540e-02, v30;
	v36 =	vor.u32 v1, v61;
	v62 =	vor.u32 v1, v14;
	v61 =	vld.idx.msk [tilespmem:v20+s25+$0x0], $0xffff  }
0x10a: {  	v52 =	vor.u32 v10, v52;
	v29 =	vor.u32 v1, v29;
	v50 =	vshll.u32 v32, $0x7;
	v42 =	vld.idx.msk [tilespmem:v42+s25+$0x0], $0xffff  }
0x10b: {  	v55 =	vadd.s32 v12, v50;
	v38 =	vadd.f32 $1.538461540e-02, v34;
	v46 =	vshll.u32 v37, $0x7;
	v28 =	vld.idx.msk [tilespmem:v28+s25+$0x0], $0xffff  }
0x10c: {  	v50 =	vor.u32 v10, v50;
	v47 =	vshll.u32 v13, $0x7;
	v54 =	vadd.s32 v12, v46;
	v41 =	vld.idx.msk [tilespmem:v41+s25+$0x0], $0xffff  }
0x10d: {  	v46 =	vor.u32 v10, v46;
	v14 =	vadd.f32 $1.538461540e-02, v38;
	v19 =	vshll.u32 v33, $0x7;
	v40 =	vld.idx.msk [tilespmem:v40+s25+$0x0], $0xffff  }
0x10e: {  	v53 =	vadd.s32 v12, v47;
	v47 =	vor.u32 v10, v47;
	v56 =	vadd.s32 v12, v19;
	v39 =	vld.idx.msk [tilespmem:v62+s25+$0x0], $0xffff  }
0x10f: {  	v57 =	vor.u32 v10, v19;
	v60 =	vadd.s32 v12, v48;
	v36 =	vld.idx.msk [tilespmem:v36+s25+$0x0], $0xffff;
	v24 =	vsub.f32 v24, v26  }
0x110: {  	v48 =	vor.u32 v10, v48;
	v26 =	vsub.f32 v16, v26;
	v27 =	vsub.f32 v27, v63  }
0x111: {  	v62 =	vadd.s32 v12, v51;
	v51 =	vor.u32 v10, v51;
	v31 =	vsub.f32 v31, v43  }
0x112: {  	v59 =	vld.idx.msk [tilespmem:v59+s15+$0x0], $0xffff;
	vm6 =	vgt.f32 v27, $9.999999960e-13;
	v30 =	vsub.f32 v30, v35;
	v40 =	vsub.f32 v40, v41  }
0x113: {  	v29 =	vld.idx.msk [tilespmem:v29+s25+$0x0], $0xffff;
	v35 =	vsub.f32 v61, v35;
	v16 =	vnsel vm6, $0x3F800000, v27;
	v39 =	vsub.f32 v39, v28  }
0x114: {  	v45 =	vld.idx.msk [tilespmem:v47+s15+$0x0], $0xffff;
	v34 =	vsub.f32 v34, v42;
	v36 =	vsub.f32 v36, v42;
	vm3 =	vgt.f32 v40, $9.999999960e-13  }
0x115: {  	v47 =	vld.idx.msk [tilespmem:v46+s15+$0x0], $0xffff;
	v28 =	vsub.f32 v38, v28;
	vm5 =	vgt.f32 v39, $9.999999960e-13;
	v42 =	vnsel vm3, $0x3F800000, v40  }
0x116: {  	v27 =	vld.idx.msk [tilespmem:v50+s15+$0x0], $0xffff;
	vm2 =	vgt.f32 v36, $9.999999960e-13;
	v39 =	vnsel vm5, $0x3F800000, v39;
	(erf) = vrcp.f32 v42  }
0x117: {  	v38 =	vld.idx.msk [tilespmem:v53+s15+$0x0], $0xffff;
	vm15 =	vgt.f32 v35, $9.999999960e-13;
	v36 =	vnsel vm2, $0x3F800000, v36;
	(erf) = vrcp.f32 v39  }
0x118: {  	vm4 =	vgt.f32 v31, $9.999999960e-13;
	v62 =	vld.idx.msk [tilespmem:v62+s15+$0x0], $0xffff;
	v35 =	vnsel vm15, $0x3F800000, v35;
	(erf) = vrcp.f32 v36  }
0x119: {  	s20 =	simm.s32 $0x2;
	v29 =	vsub.f32 v29, v44;
	v31 =	vnsel vm4, $0x3F800000, v31;
	v36 =	vld.idx.msk [tilespmem:v54+s15+$0x0], $0xffff;
	(erf) = vrcp.f32 v35  }
0x11a: {  	v18 =	vadd.s32 s20, v18;
	v49 =	vshll.u32 v21, $0x7;
	(erf) = vrcp.f32 v31;
	v31 =	vld.idx.msk [tilespmem:v57+s15+$0x0], $0xffff  }
0x11b: {  	s2 =	simm.s32 $0x6;
	s17 =	simm.s32 $0x7;
	v58 =	vadd.s32 v12, v49;
	v49 =	vor.u32 v10, v49;
	vm1 =	vgt.f32 v29, $9.999999960e-13;
	v57 =	vld.idx.msk [tilespmem:v48+s15+$0x0], $0xffff  }
0x11c: {  	v19 =	vadd.s32 s17, v13;
	v20 =	vadd.s32 s2, v37;
	v29 =	vnsel vm1, $0x3F800000, v29;
	v48 =	vld.idx.msk [tilespmem:v51+s15+$0x0], $0xffff  }
0x11d: {  	v37 =	vand.u32 $0x7F, v19;
	v22 =	vsub.f32 v22, v63;
	(erf) = vrcp.f32 v29;
	v29 =	vld.idx.msk [tilespmem:v55+s15+$0x0], $0xffff  }
0x11e: {  	s19 =	simm.s32 $0x5;
	v23 =	vsub.f32 v23, v44;
	vm7 =	vgt.f32 v24, $9.999999960e-13;
	v25 =	vsub.f32 v25, v43;
	v40 =	vld.idx.msk [tilespmem:v56+s15+$0x0], $0xffff  }
0x11f: {  	s18 =	simm.s32 $0x4;
	v24 =	vnsel vm7, $0x3F800000, v24;
	v43 =	vadd.s32 s19, v33;
	v41 =	vsub.f32 v14, v41;
	v55 =	vld.idx.msk [tilespmem:v60+s15+$0x0], $0xffff  }
0x120: {  	v53 =	vsub.f32 v45, v38;
	v42 =	vadd.s32 s18, v32;
	v60 =	vld.idx.msk [tilespmem:v52+s15+$0x0], $0xffff;
	(erf) = vrcp.f32 v16  }
0x121: {  	v39 =	vand.u32 $0x7F, v20;
	v35 =	vsub.f32 v47, v36;
	v16 =	vpop (erf);
	(erf) = vrcp.f32 v24  }
0x122: {  	s10 =	simm.s32 $0x3;
	v54 =	vld.idx.msk [tilespmem:v58+s15+$0x0], $0xffff;
	v51 =	vsub.f32 v48, v62;
	v41 =	vmul.f32 v16, v41;
	v16 =	vpop (erf);
	v27 =	vsub.f32 v27, v29  }
0x123: {  	v24 =	vld.idx.msk [tilespmem:v49+s15+$0x0], $0xffff;
	v28 =	vmul.f32 v16, v28;
	v16 =	vadd.s32 s10, v21;
	v21 =	vsub.f32 v31, v40;
	v56 =	vpop (erf)  }
0x124: {  	v31 =	vmax.f32 v41, $0.0e+00;
	v33 =	vmul.f32 v56, v34;
	v41 =	vsub.f32 v57, v55  }
0x125: {  	v58 =	vpop (erf);
	v34 =	vsub.f32 v60, v59;
	v56 =	vshll.u32 v18, $0x3;
	v28 =	vmax.f32 v28, $0.0e+00  }
0x126: {  	v31 =	vmin.f32 v31, $1.000000000e+00;
	v30 =	vmul.f32 v58, v30;
	v60 =	vand.u32 $0xFFFFFC00, v56  }
0x127: {  	v61 =	vpop (erf);
	v28 =	vmin.f32 v28, $1.000000000e+00;
	v33 =	vmax.f32 v33, $0.0e+00;
	v31 =	vnsel vm3, $0x0, v31  }
0x128: {  	v25 =	vmul.f32 v61, v25;
	v63 =	vpop (erf);
	v24 =	vsub.f32 v24, v54;
	v28 =	vnsel vm5, $0x0, v28  }
0x129: {  	v30 =	vmax.f32 v30, $0.0e+00;
	v33 =	vmin.f32 v33, $1.000000000e+00;
	v23 =	vmul.f32 v63, v23  }
0x12a: {  	v49 =	vpop (erf);
	v31 =	vmul.f32 v31, v53;
	v30 =	vmin.f32 v30, $1.000000000e+00;
	v25 =	vmax.f32 v25, $0.0e+00  }
0x12b: {  	v33 =	vnsel vm2, $0x0, v33;
	v22 =	vmul.f32 v49, v22;
	v28 =	vmul.f32 v28, v35  }
0x12c: {  	v23 =	vmax.f32 v23, $0.0e+00;
	v25 =	vmin.f32 v25, $1.000000000e+00;
	v30 =	vnsel vm15, $0x0, v30  }
0x12d: {  	v21 =	vmul.f32 v33, v21;
	v23 =	vmin.f32 v23, $1.000000000e+00;
	v22 =	vmax.f32 v22, $0.0e+00  }
0x12e: {  	v50 =	vpop (erf);
	v25 =	vnsel vm4, $0x0, v25;
	v27 =	vmul.f32 v30, v27;
	v28 =	vadd.f32 v28, v36  }
0x12f: {  	v26 =	vmul.f32 v50, v26;
	v22 =	vmin.f32 v22, $1.000000000e+00;
	v23 =	vnsel vm1, $0x0, v23  }
0x130: {  	v24 =	vmul.f32 v25, v24;
	v25 =	vadd.f32 v31, v38;
	v21 =	vadd.f32 v21, v40  }
0x131: {  	v31 =	vshll.u32 v42, $0x3;
	v38 =	vand.u32 $0x7F, v42;
	v22 =	vnsel vm6, $0x0, v22  }
0x132: {  	v23 =	vmul.f32 v23, v41;
	v27 =	vadd.f32 v27, v29;
	v28 =	vmul.f32 v28, v8  }
0x133: {  	v26 =	vmax.f32 v26, $0.0e+00;
	v22 =	vmul.f32 v22, v34;
	v24 =	vadd.f32 v24, v54  }
0x134: {  	v29 =	vmul.f32 v25, v8;
	v21 =	vmul.f32 v21, v8;
	v25 =	vshll.u32 v19, $0x3  }
0x135: {  	v54 =	vshll.u32 v15, $0x3;
	v26 =	vmin.f32 v26, $1.000000000e+00;
	v23 =	vadd.f32 v23, v55  }
0x136: {  	v52 =	vmul.f32 v27, v8;
	v27 =	vshll.u32 v16, $0x3;
	v55 =	vshll.u32 v17, $0x3  }
0x137: {  	v26 =	vnsel vm7, $0x0, v26;
	v22 =	vadd.f32 v22, v59;
	v30 =	vmul.f32 v24, v8  }
0x138: {  	v24 =	vshll.u32 v20, $0x3;
	v59 =	vand.u32 $0xFFFFFC00, v25;
	v61 =	vand.u32 $0xFFFFFC00, v27  }
0x139: {  	v25 =	vand.u32 $0xFFFFFC00, v54;
	v63 =	vand.u32 $0xFFFFFC00, v55;
	v20 =	vadd.s32 v11, v60  }
0x13a: {  	v26 =	vmul.f32 v26, v51;
	v23 =	vmul.f32 v23, v8;
	v58 =	vand.u32 $0xFFFFFC00, v24  }
0x13b: {  	v24 =	vadd.f32 v21, v7;
	v32 =	vadd.s32 v11, v59;
	v36 =	vadd.s32 v11, v61  }
0x13c: {  	v19 =	vadd.s32 v11, v63;
	v53 =	vmul.f32 v22, v8;
	v27 =	vadd.f32 v30, v7  }
0x13d: {  	v22 =	vshll.u32 v43, $0x3;
	v30 =	vadd.f32 v52, v7;
	v26 =	vadd.f32 v26, v62  }
0x13e: {  	v33 =	vadd.s32 v11, v58;
	v57 =	vand.u32 $0xFFFFFC00, v22;
	v62 =	vand.u32 $0xFFFFFC00, v31  }
0x13f: {  	v22 =	vadd.f32 v29, v7;
	v31 =	vadd.f32 v28, v7;
	v26 =	vmul.f32 v26, v8  }
0x140: {  	v29 =	vadd.f32 v23, v7;
	v23 =	vand.u32 $0x7F, v43;
	v28 =	vadd.f32 v53, v7  }
0x141: {  	s11 =	simm.s32 $0x8;
	s10 =	simm.s32 $0x10FC0;
	v34 =	vadd.s32 v11, v57;
	v35 =	vadd.s32 v11, v62;
	v26 =	vadd.f32 v26, v7  }
.LBB2_10:
0x142: {  	v40 =	vld [tilespmem:s10+$0xFFFFFFC0];
	v21 =	vadd.f32 $1.538461540e-02, v14;
	p0 =	slt.u32 s11, $0x38;
	v14 =	vadd.s32 v11, v25;
	v25 =	vand.u32 $0x7F, v16  }
0x143: {  	v42 =	vand.u32 $0x7F, v15;
	v15 =	vand.u32 $0x7F, v17;
	v17 =	vand.u32 $0x7F, v18;
	v41 =	vld [tilespmem:s10+$0xFFFFFFD0]  }
0x144: {  	v33 =	vor.u32 v39, v33;
	v32 =	vor.u32 v37, v32;
	v16 =	vadd.f32 $1.538461540e-02, v21;
	v18 =	vld [tilespmem:s10+$0xFFFFFFE0]  }
0x145: {  	v35 =	vor.u32 v38, v35;
	v34 =	vor.u32 v23, v34;
	v36 =	vor.u32 v25, v36;
	v37 =	vld [tilespmem:s10+$0xFFFFFFF0]  }
0x146: {  	v19 =	vor.u32 v15, v19;
	v20 =	vor.u32 v17, v20;
	v25 =	vadd.f32 $1.538461540e-02, v16;
	v23 =	vld [tilespmem:s10+$0x0]  }
0x147: {  	v38 =	vor.u32 v42, v14;
	v15 =	vadd.s32 v13, v40;
	v13 =	vld [tilespmem:s10+$0x10]  }
0x148: {  	v39 =	vshll.u32 v15, $0x4;
	v17 =	vadd.s32 v15, v41;
	v40 =	vadd.f32 $1.538461540e-02, v25;
	v14 =	vld [tilespmem:s10+$0x20]  }
0x149: {  	v41 =	vadd.s32 v6, v39;
	v42 =	vshll.u32 v17, $0x4;
	v18 =	vadd.s32 v17, v18;
	v43 =	vld [tilespmem:s10+$0x30];
	[tilespmem:v32+s23+$0x0] =	vst.idx.msk $0xffff, v22  }
0x14a: {  	v32 =	vshll.u32 v18, $0x4;
	v22 =	vadd.s32 v18, v37;
	v37 =	vadd.f32 $1.538461540e-02, v40;
	[tilespmem:v33+s23+$0x0] =	vst.idx.msk $0xffff, v31  }
0x14b: {  	v31 =	vadd.s32 v6, v32;
	v33 =	vshll.u32 v22, $0x4;
	v23 =	vadd.s32 v22, v23;
	[tilespmem:v34+s23+$0x0] =	vst.idx.msk $0xffff, v24  }
0x14c: {  	v34 =	vshll.u32 v23, $0x4;
	v24 =	vadd.s32 v23, v13;
	v44 =	vadd.f32 $1.538461540e-02, v37;
	[tilespmem:v35+s23+$0x0] =	vst.idx.msk $0xffff, v30  }
0x14d: {  	v30 =	vadd.s32 v6, v34;
	v35 =	vshll.u32 v24, $0x4;
	v45 =	vadd.s32 v24, v14;
	[tilespmem:v36+s23+$0x0] =	vst.idx.msk $0xffff, v27  }
0x14e: {  	v27 =	vld.idx.msk [tilespmem:v41+s25+$0x0], $0xffff;
	v36 =	vadd.f32 $1.538461540e-02, v44;
	v14 =	vshll.u32 v45, $0x4;
	v13 =	vadd.s32 v45, v43;
	[tilespmem:v20+s23+$0x0] =	vst.idx.msk $0xffff, v29  }
0x14f: {  	v20 =	vadd.s32 v6, v14;
	v29 =	vor.u32 v1, v14;
	v41 =	vshll.u32 v13, $0x4;
	[tilespmem:v19+s23+$0x0] =	vst.idx.msk $0xffff, v28  }
0x150: {  	v28 =	vld.idx.msk [tilespmem:v31+s25+$0x0], $0xffff;
	v14 =	vadd.f32 $1.538461540e-02, v36;
	v19 =	vadd.s32 v6, v41;
	v31 =	vor.u32 v1, v41  }
0x151: {  	v34 =	vor.u32 v1, v34;
	v41 =	vadd.s32 v6, v35;
	v35 =	vor.u32 v1, v35  }
0x152: {  	v32 =	vor.u32 v1, v32;
	v43 =	vadd.s32 v6, v33;
	v33 =	vor.u32 v1, v33;
	v30 =	vld.idx.msk [tilespmem:v30+s25+$0x0], $0xffff  }
0x153: {  	v39 =	vor.u32 v1, v39;
	v46 =	vadd.s32 v6, v42;
	v42 =	vor.u32 v1, v42  }
0x154: {  	v47 =	vshll.u32 v24, $0x7;
	v48 =	vshll.u32 v45, $0x7;
	v49 =	vshll.u32 v13, $0x7;
	v20 =	vld.idx.msk [tilespmem:v20+s25+$0x0], $0xffff;
	[tilespmem:v38+s23+$0x0] =	vst.idx.msk $0xffff, v26  }
0x155: {  	v50 =	vshll.u32 v23, $0x7;
	v26 =	vshll.u32 v18, $0x7;
	v38 =	vshll.u32 v22, $0x7;
	v19 =	vld.idx.msk [tilespmem:v19+s25+$0x0], $0xffff  }
0x156: {  	v51 =	vshll.u32 v15, $0x7;
	v52 =	vshll.u32 v17, $0x7;
	v53 =	vadd.s32 v12, v49;
	v31 =	vld.idx.msk [tilespmem:v31+s25+$0x0], $0xffff  }
0x157: {  	v54 =	vadd.s32 v12, v48;
	v48 =	vor.u32 v10, v48;
	v49 =	vor.u32 v10, v49;
	v29 =	vld.idx.msk [tilespmem:v29+s25+$0x0], $0xffff  }
0x158: {  	v55 =	vadd.s32 v12, v50;
	v56 =	vadd.s32 v12, v47;
	v47 =	vor.u32 v10, v47;
	v41 =	vld.idx.msk [tilespmem:v41+s25+$0x0], $0xffff  }
0x159: {  	v50 =	vor.u32 v10, v50;
	v57 =	vadd.s32 v12, v38;
	v38 =	vor.u32 v10, v38;
	v35 =	vld.idx.msk [tilespmem:v35+s25+$0x0], $0xffff  }
0x15a: {  	v58 =	vadd.s32 v12, v52;
	v59 =	vadd.s32 v12, v26;
	v26 =	vor.u32 v10, v26;
	v34 =	vld.idx.msk [tilespmem:v34+s25+$0x0], $0xffff  }
0x15b: {  	s1 =	sadd.s32 $0x7, s11;
	v60 =	vadd.s32 v12, v51;
	v51 =	vor.u32 v10, v51;
	v52 =	vor.u32 v10, v52;
	v43 =	vld.idx.msk [tilespmem:v43+s25+$0x0], $0xffff  }
0x15c: {  	s2 =	sadd.s32 $0x6, s11;
	v61 =	vsub.f32 v14, v19;
	v31 =	vsub.f32 v31, v19;
	v19 =	vadd.s32 s1, v13;
	v33 =	vld.idx.msk [tilespmem:v33+s25+$0x0], $0xffff  }
0x15d: {  	v36 =	vsub.f32 v36, v20;
	v29 =	vsub.f32 v29, v20;
	v20 =	vadd.s32 s2, v45;
	v32 =	vld.idx.msk [tilespmem:v32+s25+$0x0], $0xffff  }
0x15e: {  	v37 =	vsub.f32 v37, v30;
	v44 =	vsub.f32 v44, v41;
	vm4 =	vgt.f32 v31, $9.999999960e-13;
	v45 =	vld.idx.msk [tilespmem:v46+s25+$0x0], $0xffff  }
0x15f: {  	v35 =	vsub.f32 v35, v41;
	vm5 =	vgt.f32 v29, $9.999999960e-13;
	v31 =	vnsel vm4, $0x3F800000, v31;
	v42 =	vld.idx.msk [tilespmem:v42+s25+$0x0], $0xffff  }
0x160: {  	v30 =	vsub.f32 v34, v30;
	v29 =	vnsel vm5, $0x3F800000, v29;
	v39 =	vld.idx.msk [tilespmem:v39+s25+$0x0], $0xffff;
	(erf) = vrcp.f32 v31  }
0x161: {  	v31 =	vsub.f32 v40, v43;
	vm2 =	vgt.f32 v35, $9.999999960e-13;
	v34 =	vld.idx.msk [tilespmem:v53+s15+$0x0], $0xffff;
	(erf) = vrcp.f32 v29  }
0x162: {  	v29 =	vsub.f32 v33, v43;
	vm0 =	vgt.f32 v30, $9.999999960e-13;
	v33 =	vnsel vm2, $0x3F800000, v35;
	v35 =	vld.idx.msk [tilespmem:v49+s15+$0x0], $0xffff  }
0x163: {  	v32 =	vsub.f32 v32, v28;
	v30 =	vnsel vm0, $0x3F800000, v30;
	v40 =	vld.idx.msk [tilespmem:v54+s15+$0x0], $0xffff;
	(erf) = vrcp.f32 v33  }
0x164: {  	v25 =	vsub.f32 v25, v28;
	vm3 =	vgt.f32 v29, $9.999999960e-13;
	v28 =	vld.idx.msk [tilespmem:v48+s15+$0x0], $0xffff;
	(erf) = vrcp.f32 v30  }
0x165: {  	v30 =	vsub.f32 v42, v45;
	vm1 =	vgt.f32 v32, $9.999999960e-13;
	v29 =	vnsel vm3, $0x3F800000, v29;
	v33 =	vld.idx.msk [tilespmem:v56+s15+$0x0], $0xffff  }
0x166: {  	v39 =	vsub.f32 v39, v27;
	v32 =	vnsel vm1, $0x3F800000, v32;
	v41 =	vld.idx.msk [tilespmem:v47+s15+$0x0], $0xffff;
	(erf) = vrcp.f32 v29  }
0x167: {  	vm6 =	vgt.f32 v30, $9.999999960e-13;
	v29 =	vsub.f32 v16, v45;
	v42 =	vld.idx.msk [tilespmem:v55+s15+$0x0], $0xffff;
	(erf) = vrcp.f32 v32  }
0x168: {  	v27 =	vsub.f32 v21, v27;
	vm7 =	vgt.f32 v39, $9.999999960e-13;
	v43 =	vnsel vm6, $0x3F800000, v30;
	v30 =	vld.idx.msk [tilespmem:v50+s15+$0x0], $0xffff  }
0x169: {  	v35 =	vsub.f32 v35, v34;
	v21 =	vnsel vm7, $0x3F800000, v39;
	v32 =	vld.idx.msk [tilespmem:v57+s15+$0x0], $0xffff;
	(erf) = vrcp.f32 v43;
	v16 =	vpop (erf)  }
0x16a: {  	s1 =	sadd.s32 $0x4, s11;
	s2 =	sadd.s32 $0x5, s11;
	v28 =	vsub.f32 v28, v40;
	v38 =	vld.idx.msk [tilespmem:v38+s15+$0x0], $0xffff;
	v45 =	vmul.f32 v16, v61;
	(erf) = vrcp.f32 v21;
	v16 =	vpop (erf)  }
0x16b: {  	s12 =	sadd.s32 $0x3, s11;
	v21 =	vadd.s32 s1, v23;
	v23 =	vadd.s32 s2, v24;
	v43 =	vld.idx.msk [tilespmem:v59+s15+$0x0], $0xffff;
	v24 =	vmul.f32 v16, v36  }
0x16c: {  	v16 =	vadd.s32 s12, v22;
	v22 =	vsub.f32 v41, v33;
	v26 =	vld.idx.msk [tilespmem:v26+s15+$0x0], $0xffff;
	v36 =	vmax.f32 v45, $0.0e+00;
	v39 =	vpop (erf)  }
0x16d: {  	v41 =	vld.idx.msk [tilespmem:v58+s15+$0x0], $0xffff;
	v39 =	vmul.f32 v39, v44;
	v24 =	vmax.f32 v24, $0.0e+00;
	v36 =	vmin.f32 v36, $1.000000000e+00;
	v44 =	vpop (erf)  }
0x16e: {  	v30 =	vsub.f32 v30, v42;
	v45 =	vld.idx.msk [tilespmem:v52+s15+$0x0], $0xffff;
	v37 =	vmul.f32 v44, v37;
	v24 =	vmin.f32 v24, $1.000000000e+00  }
0x16f: {  	v36 =	vnsel vm4, $0x0, v36;
	v44 =	vld.idx.msk [tilespmem:v60+s15+$0x0], $0xffff;
	v39 =	vmax.f32 v39, $0.0e+00;
	v24 =	vnsel vm5, $0x0, v24;
	v46 =	vpop (erf)  }
0x170: {  	v47 =	vld.idx.msk [tilespmem:v51+s15+$0x0], $0xffff;
	v31 =	vmul.f32 v46, v31;
	v37 =	vmax.f32 v37, $0.0e+00;
	v39 =	vmin.f32 v39, $1.000000000e+00;
	v46 =	vpop (erf)  }
0x171: {  	v38 =	vsub.f32 v38, v32;
	v25 =	vmul.f32 v46, v25;
	v37 =	vmin.f32 v37, $1.000000000e+00  }
0x172: {  	v26 =	vsub.f32 v26, v43;
	v39 =	vnsel vm2, $0x0, v39;
	v31 =	vmax.f32 v31, $0.0e+00;
	v46 =	vpop (erf)  }
0x173: {  	v29 =	vmul.f32 v46, v29;
	v25 =	vmax.f32 v25, $0.0e+00;
	v31 =	vmin.f32 v31, $1.000000000e+00;
	v46 =	vpop (erf)  }
0x174: {  	v45 =	vsub.f32 v45, v41;
	v27 =	vmul.f32 v46, v27;
	v25 =	vmin.f32 v25, $1.000000000e+00  }
0x175: {  	v37 =	vnsel vm0, $0x0, v37;
	v31 =	vnsel vm3, $0x0, v31;
	v29 =	vmax.f32 v29, $0.0e+00  }
0x176: {  	v46 =	vsub.f32 v47, v44;
	v27 =	vmax.f32 v27, $0.0e+00;
	v29 =	vmin.f32 v29, $1.000000000e+00  }
0x177: {  	v25 =	vnsel vm1, $0x0, v25;
	v27 =	vmin.f32 v27, $1.000000000e+00;
	v29 =	vnsel vm6, $0x0, v29  }
0x178: {  	s1 =	sadd.s32 $0x2, s11;
	v24 =	vmul.f32 v24, v28;
	v28 =	vmul.f32 v36, v35;
	v27 =	vnsel vm7, $0x0, v27  }
0x179: {  	v18 =	vadd.s32 s1, v18;
	v22 =	vmul.f32 v39, v22;
	v30 =	vmul.f32 v37, v30  }
0x17a: {  	v28 =	vadd.f32 v28, v34;
	v25 =	vmul.f32 v25, v26;
	v26 =	vmul.f32 v31, v38  }
0x17b: {  	s1 =	sadd.s32 $0x1, s11;
	v24 =	vadd.f32 v24, v40;
	v29 =	vmul.f32 v29, v45;
	v27 =	vmul.f32 v27, v46  }
0x17c: {  	v17 =	vadd.s32 s1, v17;
	v22 =	vadd.f32 v22, v33;
	v30 =	vadd.f32 v30, v42  }
0x17d: {  	v15 =	vadd.s32 s11, v15;
	v25 =	vadd.f32 v25, v43;
	v26 =	vadd.f32 v26, v32  }
0x17e: {  	v28 =	vmul.f32 v28, v8;
	v29 =	vadd.f32 v29, v41;
	v27 =	vadd.f32 v27, v44  }
0x17f: {  	v31 =	vmul.f32 v22, v8;
	v22 =	vshll.u32 v19, $0x3;
	v32 =	vmul.f32 v24, v8  }
0x180: {  	v30 =	vmul.f32 v30, v8;
	v24 =	vshll.u32 v20, $0x3;
	v26 =	vmul.f32 v26, v8  }
0x181: {  	v34 =	vmul.f32 v25, v8;
	v25 =	vshll.u32 v23, $0x3;
	v29 =	vmul.f32 v29, v8  }
0x182: {  	v33 =	vshll.u32 v21, $0x3;
	v35 =	vmul.f32 v27, v8;
	v27 =	vshll.u32 v16, $0x3  }
0x183: {  	v36 =	vshll.u32 v15, $0x3;
	v37 =	vshll.u32 v17, $0x3;
	v38 =	vshll.u32 v18, $0x3  }
0x184: {  	v40 =	vand.u32 $0xFFFFFC00, v24;
	v41 =	vand.u32 $0xFFFFFC00, v22;
	v39 =	vand.u32 $0xFFFFFC00, v25  }
0x185: {  	v38 =	vand.u32 $0xFFFFFC00, v38;
	v43 =	vand.u32 $0xFFFFFC00, v33;
	v42 =	vand.u32 $0xFFFFFC00, v27  }
0x186: {  	v22 =	vadd.f32 v28, v7;
	v25 =	vand.u32 $0xFFFFFC00, v36;
	v44 =	vand.u32 $0xFFFFFC00, v37  }
0x187: {  	v24 =	vadd.f32 v31, v7;
	v31 =	vadd.f32 v32, v7;
	v32 =	vadd.s32 v11, v41  }
.Ltmp3:
0x188: {  	v30 =	vadd.f32 v30, v7;
	v33 =	vadd.s32 v11, v40;
	v27 =	vadd.f32 v26, v7;
	(pc) =	sbr.rel @p0 .LBB2_10-.Ltmp3, $4  }
0x189: {  	v28 =	vadd.f32 v29, v7;
	v29 =	vadd.f32 v34, v7;
	v34 =	vadd.s32 v11, v39  }
0x18a: {  	v37 =	vand.u32 $0x7F, v19;
	v26 =	vadd.f32 v35, v7;
	v35 =	vadd.s32 v11, v43  }
0x18b: {  	v23 =	vand.u32 $0x7F, v23;
	v39 =	vand.u32 $0x7F, v20;
	v36 =	vadd.s32 v11, v42  }
0x18c: {  	s10 =	sadd.s32 $0x80, s10;
	s11 =	sadd.s32 $0x8, s11;
	v19 =	vadd.s32 v11, v44;
	v20 =	vadd.s32 v11, v38;
	v38 =	vand.u32 $0x7F, v21  }
0x18d: {  	v12 =	vor.u32 v37, v32  }
0x18e: {  	v21 =	vor.u32 v39, v33  }
0x18f: {  	v23 =	vor.u32 v23, v34  }
0x190: {  	v16 =	vand.u32 $0x7F, v16;
	v53 =	vor.u32 v38, v35  }
0x191: {  	v18 =	vand.u32 $0x7F, v18;
	v16 =	vor.u32 v16, v36  }
0x192: {  	v17 =	vand.u32 $0x7F, v17;
	v18 =	vor.u32 v18, v20;
	[tilespmem:v12+s23+$0x0] =	vst.idx.msk $0xffff, v22  }
0x193: {  	v11 =	vadd.s32 v11, v25;
	v54 =	vand.u32 $0x7F, v15;
	v55 =	vor.u32 v17, v19;
	[tilespmem:v21+s23+$0x0] =	vst.idx.msk $0xffff, v31  }
0x194: {  	v11 =	vor.u32 v54, v11;
	[tilespmem:v23+s23+$0x0] =	vst.idx.msk $0xffff, v24  }
0x195: {  	[tilespmem:v53+s23+$0x0] =	vst.idx.msk $0xffff, v30  }
0x196: {  	[tilespmem:v16+s23+$0x0] =	vst.idx.msk $0xffff, v27  }
0x197: {  	[tilespmem:v18+s23+$0x0] =	vst.idx.msk $0xffff, v29  }
0x198: {  	[tilespmem:v55+s23+$0x0] =	vst.idx.msk $0xffff, v28  }
0x199: {  	[tilespmem:v11+s23+$0x0] =	vst.idx.msk $0xffff, v26  }
0x19a: {  	v11 =	vld [tilespmem:$0x11300];
	_ =	sdelay $0x4  }
0x19b: {  	v11 =	vadd.s32 v13, v11  }
0x19c: {  	v56 =	vshll.u32 v11, $0x4  }
0x19d: {  	v57 =	vadd.s32 v6, v56  }
0x19e: {  	v12 =	vor.u32 v1, v56;
	_ =	sdelay $0x3  }
0x19f: {  	v13 =	vld.idx.msk [tilespmem:v57+s25+$0x0], $0xffff  }
0x1a0: {  	v12 =	vld.idx.msk [tilespmem:v12+s25+$0x0], $0xffff;
	_ =	sdelay $0x4  }
0x1a1: {  	v12 =	vsub.f32 v12, v13;
	_ =	sdelay $0x1  }
0x1a2: {  	vm0 =	vgt.f32 v12, $9.999999960e-13  }
0x1a3: {  	v12 =	vnsel vm0, $0x3F800000, v12  }
0x1a4: {  	(erf) = vrcp.f32 v12  }
0x1a5: {  	v58 =	vshll.u32 v11, $0x7  }
0x1a6: {  	v59 =	vadd.s32 v10, v58;
	v60 =	vor.u32 v10, v58  }
0x1a7: {  	v12 =	vadd.s32 $0xFFFFFF80, v59;
	_ =	sdelay $0x2  }
0x1a8: {  	v14 =	vadd.f32 $1.538461540e-02, v14  }
0x1a9: {  	v10 =	vld.idx.msk [tilespmem:v60+s15+$0x0], $0xffff  }
0x1aa: {  	v13 =	vsub.f32 v14, v13;
	v12 =	vld.idx.msk [tilespmem:v12+s15+$0x0], $0xffff  }
0x1ab: {  	v61 =	vpop (erf)  }
0x1ac: {  	v13 =	vmul.f32 v61, v13;
	_ =	sdelay $0x1  }
0x1ad: {  	v13 =	vmax.f32 v13, $0.0e+00  }
0x1ae: {  	v11 =	vadd.s32 $0x40, v11;
	v10 =	vsub.f32 v10, v12;
	v13 =	vmin.f32 v13, $1.000000000e+00  }
0x1af: {  	v62 =	vshll.u32 v11, $0x3;
	v13 =	vnsel vm0, $0x0, v13  }
0x1b0: {  	v63 =	vand.u32 $0xFFFFFC00, v62;
	v10 =	vmul.f32 v13, v10  }
0x1b1: {  	v11 =	vand.u32 $0x7F, v11;
	v9 =	vadd.s32 v9, v63  }
0x1b2: {  	v9 =	vor.u32 v11, v9;
	v10 =	vadd.f32 v10, v12  }
0x1b3: {  	v9 =	vor.u32 v4, v9  }
0x1b4: {  	v8 =	vmul.f32 v10, v8;
	_ =	sdelay $0x1  }
0x1b5: {  	v7 =	vadd.f32 v8, v7;
	_ =	sdelay $0x1  }
0x1b6: {  	s10 =	simm.s32 $0x10F40;
	[tilespmem:v9+s23+$0x0] =	vst.idx.msk $0xffff, v7  }
0x1b7: {  	[tilespmem:s10+$0xFFFFFFD0] =	vst v3  }
0x1b8: {  	[tilespmem:s10+$0x40] =	vst v3  }
0x1b9: {  	[tilespmem:s10+$0x30] =	vst v3  }
0x1ba: {  	[tilespmem:s10+$0x20] =	vst v3  }
0x1bb: {  	[tilespmem:s10+$0x10] =	vst v3  }
0x1bc: {  	[tilespmem:s10+$0x0] =	vst v3  }
0x1bd: {  	s11 =	simm.s32 $0x1;
	[tilespmem:s10+$0xFFFFFFF0] =	vst v3  }
.LBB2_12:
0x1be: {  	s11 =	sadd.s32 $0x8, s11;
	[tilespmem:s10+$0xFFFFFFE0] =	vst v3;
	s10 =	sadd.s32 $0x80, s10  }
0x1bf: {  	[tilespmem:s10+$0xFFFFFFD0] =	vst v3;
	p0 =	slt.u32 s11, $0x39  }
0x1c0: {  	[tilespmem:s10+$0x40] =	vst v3  }
.Ltmp4:
0x1c1: {  	[tilespmem:s10+$0x30] =	vst v3;
	(pc) =	sbr.rel @p0 .LBB2_12-.Ltmp4, $4  }
0x1c2: {  	[tilespmem:s10+$0x20] =	vst v3  }
0x1c3: {  	[tilespmem:s10+$0x10] =	vst v3  }
0x1c4: {  	[tilespmem:s10+$0x0] =	vst v3  }
0x1c5: {  	[tilespmem:s10+$0xFFFFFFF0] =	vst v3  }
0x1c6: {  	s9 =	sadd.s32 $0x1, s9  }
0x1c7: {  	p0 =	sne.s32 s9, $0x8  }
.Ltmp5:
0x1c8: {  	_ = 	snop;
	(pc) =	sbr.rel @p0 .LBB2_5-.Ltmp5, $3  }
0x1c9: {  	_ =	sdelay $0x1  }
0x1ca: {  	[tilespmem:s10+$0xFFFFFFE0] =	vst v3  }
0x1cb: {  	s16 =	sadd.s32 $0x10, s16;
	s14 =	sadd.s32 $0x10, s14;
	[tilespmem:$0x10F00] =	vst v2  }
0x1cc: {  	s1 =	sshll.u32 s31, $0xD  }
0x1cd: {  	s2 =	simm.s32 $0x0;
	p0 =	sgt.u32 s0, $0x6;
	s1 =	sadd.s32 s1, s13  }
0x1ce: {  	[hbm4b:s1+s2] =	stream.linear.scatter [tilespmem:s23], [sflag:$0x3], $0x8000, $0x38;
	[tilespmem:$0x11380] =	vst v63  }
0x1cf: {  	s1 =	sadd.s32 @!p0 $0x2, s4;
	_ =	swait.ge [sflag:s26], $0x8000  }
0x1d0: {  	s2 =	sadd.s32 @!p0 s8, s1;
	[sflag:s26] =	ssyncset.done $0x0  }
0x1d1: {  	s1 =	sshll.u32 @!p0 s1, $0x7;
	s4 =	sshll.u32 @!p0 s2, $0xA;
	[sflag:s26] =	ssyncadd.s32 $0xFFFF8000  }
0x1d2: {  	s2 =	smul.u32 @!p0 $0x480, s2;
	s4 =	sand.u32 @!p0 $0x1FFFF800, s4;
	s9 =	rddreg [dreg:$0x0]  }
0x1d3: {  	s1 =	sadd.s32 @!p0 s7, s1;
	s4 =	sadd.s32 @!p0 s9, s4;
	s9 =	simm.s32 @!p0 $0x0  }
0x1d4: {  	[tilespmem:s9], [sflag:$0x1] =	stream.linear.gather @!p0 [hbm4b:s4+s9], $0x2000, $0x38;
	[tilespmem:$0x11380] =	vst v63  }
0x1d5: {  	s1 =	sshrl.u32 @!p0 s1, $0x3;
	s2 =	sadd.s32 @!p0 s5, s2;
	s4 =	simm.s32 @!p0 $0x4000  }
0x1d6: {  	[tilespmem:s4], [sflag:$0x1] =	stream.linear.gather @!p0 [hbm4b:s2+s9], $0x2080, $0x38;
	[tilespmem:$0x11380] =	vst v63  }
0x1d7: {  	s2 =	sadd.s32 @!p0 s6, s1;
	s4 =	simm.s32 @!p0 $0x8400  }
0x1d8: {  	[tilespmem:s4], [sflag:$0x1] =	stream.linear.gather @!p0 [hbm4b:s2+s9], $0x80, $0x38;
	[tilespmem:$0x11380] =	vst v63  }
0x1d9: {  	s1 =	sadd.s32 @!p0 s3, s1;
	s2 =	simm.s32 @!p0 $0x8500  }
0x1da: {  	[tilespmem:s2], [sflag:$0x1] =	stream.linear.gather @!p0 [hbm4b:s1+s9], $0x80, $0x38;
	[tilespmem:$0x11380] =	vst v63  }
0x1db: {  	_ =	swait.ge [sflag:s28], $0x2000  }
0x1dc: {  	[sflag:s28] =	ssyncset.done $0x0  }
0x1dd: {  	[sflag:s28] =	ssyncadd.s32 $0xFFFFE000  }
0x1de: {  	_ =	swait.ge [sflag:s28], $0x2080  }
0x1df: {  	[sflag:s28] =	ssyncset.done $0x0  }
0x1e0: {  	[sflag:s28] =	ssyncadd.s32 $0xFFFFDF80  }
0x1e1: {  	_ =	swait.ge [sflag:s28], $0x80  }
0x1e2: {  	[sflag:s28] =	ssyncset.done $0x0  }
0x1e3: {  	[sflag:s28] =	ssyncadd.s32 $0xFFFFFF80  }
0x1e4: {  	_ =	swait.ge [sflag:s28], $0x80  }
0x1e5: {  	[sflag:s28] =	ssyncset.done $0x0  }
0x1e6: {  	[sflag:s28] =	ssyncadd.s32 $0xFFFFFF80  }
0x1e7: {  	v7 =	vld [tilespmem:$0x8100]  }
0x1e8: {  	v8 =	vld [tilespmem:$0x8110]  }
0x1e9: {  	v9 =	vld [tilespmem:$0x8120]  }
0x1ea: {  	v10 =	vld [tilespmem:$0x8130]  }
0x1eb: {  	v11 =	vld [tilespmem:$0x8140]  }
0x1ec: {  	v63 =	vld [tilespmem:$0x8170];
	[tilespmem:$0x8180] =	vst v7  }
0x1ed: {  	v7 =	vld [tilespmem:$0x8150];
	[tilespmem:$0x8190] =	vst v8  }
0x1ee: {  	v8 =	vld [tilespmem:$0x8160];
	[tilespmem:$0x81A0] =	vst v9  }
0x1ef: {  	[tilespmem:$0x81B0] =	vst v10  }
0x1f0: {  	[tilespmem:$0x81C0] =	vst v11  }
0x1f1: {  	[tilespmem:$0x81F0] =	vst v63  }
0x1f2: {  	[tilespmem:$0x81D0] =	vst v7  }
0x1f3: {  	s16 =	simm.s32 $0x2380;
	s17 =	simm.s32 $0x6500;
	s4 =	simm.s32 $0x0;
	[tilespmem:$0x81E0] =	vst v8  }
.LBB2_15:
0x1f4: {  	v7 =	vld [tilespmem:s16+$0xFFFFFC80];
	_ =	sdelay $0x1  }
0x1f5: {  	v8 =	vld [tilespmem:s16+$0xFFFFFD00];
	_ =	sdelay $0x1  }
0x1f6: {  	v9 =	vimm.f32 $0.0e+00;
	v10 =	vld [tilespmem:s16+$0xFFFFFD80]  }
0x1f7: {  	v9 =	vadd.f32 v7, v9  }
0x1f8: {  	v11 =	vld [tilespmem:s16+$0xFFFFFE00]  }
0x1f9: {  	v12 =	vadd.f32 v8, v9  }
0x1fa: {  	v13 =	vld [tilespmem:s16+$0xFFFFFE80]  }
0x1fb: {  	s9 =	sshll.u32 s4, $0x4;
	v14 =	vld [tilespmem:s16+$0xFFFFFF00];
	v10 =	vadd.f32 v10, v12  }
0x1fc: {  	s10 =	simm.s32 $0x10640;
	v7 =	vld [tilespmem:s9+$0x8480]  }
0x1fd: {  	v8 =	vld [tilespmem:s9+$0x8580];
	[tilespmem:s10+$0xFFFFFFD0] =	vst v9;
	v11 =	vadd.f32 v11, v10  }
0x1fe: {  	v9 =	vld [tilespmem:s16+$0xFFFFFF80];
	[tilespmem:s10+$0xFFFFFFE0] =	vst v12  }
0x1ff: {  	[tilespmem:s10+$0xFFFFFFF0] =	vst v10;
	v63 =	vadd.f32 v13, v11  }
0x200: {  	v10 =	vld [tilespmem:s16+$0x0];
	[tilespmem:s10+$0x0] =	vst v11  }
0x201: {  	s11 =	simm.s32 $0x0;
	s12 =	sadd.s32 $0x400, s16;
	[tilespmem:s10+$0x10] =	vst v63;
	v11 =	vadd.f32 v14, v63  }
.LBB2_16:
0x202: {  	v12 =	vld [tilespmem:s12+$0xFFFFFC80];
	s11 =	sadd.s32 $0x8, s11  }
0x203: {  	p0 =	slt.u32 s11, $0x38;
	[tilespmem:s10+$0x20] =	vst v11;
	v9 =	vadd.f32 v9, v11  }
0x204: {  	v11 =	vld [tilespmem:s12+$0xFFFFFD00]  }
0x205: {  	[tilespmem:s10+$0x30] =	vst v9;
	v9 =	vadd.f32 v10, v9  }
0x206: {  	v10 =	vld [tilespmem:s12+$0xFFFFFD80]  }
0x207: {  	v12 =	vadd.f32 v12, v9;
	[tilespmem:s10+$0x40] =	vst v9  }
0x208: {  	s10 =	sadd.s32 $0x80, s10;
	v9 =	vld [tilespmem:s12+$0xFFFFFE00]  }
0x209: {  	[tilespmem:s10+$0xFFFFFFD0] =	vst v12;
	v11 =	vadd.f32 v11, v12  }
0x20a: {  	v12 =	vld [tilespmem:s12+$0xFFFFFE80]  }
0x20b: {  	[tilespmem:s10+$0xFFFFFFE0] =	vst v11;
	v10 =	vadd.f32 v10, v11  }
0x20c: {  	v11 =	vld [tilespmem:s12+$0xFFFFFF00]  }
.Ltmp6:
0x20d: {  	[tilespmem:s10+$0xFFFFFFF0] =	vst v10;
	v10 =	vadd.f32 v9, v10;
	(pc) =	sbr.rel @p0 .LBB2_16-.Ltmp6, $4  }
0x20e: {  	v9 =	vld [tilespmem:s12+$0xFFFFFF80]  }
0x20f: {  	[tilespmem:s10+$0x0] =	vst v10;
	v12 =	vadd.f32 v12, v10  }
0x210: {  	v10 =	vld [tilespmem:s12+$0x0]  }
0x211: {  	s12 =	sadd.s32 $0x400, s12;
	[tilespmem:s10+$0x10] =	vst v12;
	v11 =	vadd.f32 v11, v12  }
0x212: {  	_ = 	snop  }
0x213: {  	v9 =	vadd.f32 v9, v11;
	_ =	sdelay $0x1  }
0x214: {  	v10 =	vadd.f32 v10, v9;
	_ =	sdelay $0x1  }
0x215: {  	v12 =	vadd.f32 $6.399999860e-01, v10;
	_ =	sdelay $0x1  }
0x216: {  	[tilespmem:s10+$0x20] =	vst v11;
	v11 =	vsub.f32 $9.999999740e-06, v12  }
0x217: {  	[tilespmem:s10+$0x30] =	vst v9  }
0x218: {  	[tilespmem:s10+$0x40] =	vst v10;
	v13 =	vmax.f32 v11, $0.0e+00  }
0x219: {  	v15 =	vld [tilespmem:s9+$0x6100];
	v9 =	vmul.f32 $1.562500000e-02, v13  }
0x21a: {  	v10 =	vor.u32 s9, v1  }
0x21b: {  	v14 =	vadd.f32 $9.999999770e-03, v9;
	v9 =	vshll.u32 v10, $0x8  }
0x21c: {  	v8 =	vsub.f32 v8, v7;
	v16 =	vimm.f32 $0.0e+00;
	v9 =	vand.u32 $0x7800, v9  }
0x21d: {  	v11 =	vor.u32 v4, v9;
	v16 =	vadd.f32 v16, v14  }
0x21e: {  	v12 =	vadd.f32 v13, v12;
	v13 =	vmul.f32 v15, v8  }
0x21f: {  	v15 =	vadd.f32 v16, v14  }
0x220: {  	(erf) = vrcp.f32 v12;
	v12 =	vadd.f32 v13, v7  }
0x221: {  	v19 =	vadd.f32 v15, v14  }
0x222: {  	s1 =	simm.s32 $0x10640;
	[tilespmem:v11+s23+$0x0] =	vst.idx.msk $0xffff, v12  }
0x223: {  	v12 =	vld [tilespmem:s1+$0xFFFFFFD0];
	v20 =	vadd.f32 v19, v14  }
0x224: {  	v13 =	vld [tilespmem:s1+$0xFFFFFFE0]  }
0x225: {  	v21 =	vadd.f32 v20, v14  }
0x226: {  	v22 =	vld [tilespmem:s1+$0xFFFFFFF0]  }
0x227: {  	v23 =	vld [tilespmem:s1+$0x30];
	v24 =	vadd.f32 v21, v14  }
0x228: {  	v25 =	vld [tilespmem:s1+$0x40];
	v12 =	vadd.f32 v12, v16  }
0x229: {  	v17 =	vpop (erf);
	v16 =	vld [tilespmem:s1+$0x0];
	v15 =	vadd.f32 v13, v15;
	v26 =	vadd.f32 v24, v14  }
0x22a: {  	v27 =	vld [tilespmem:s1+$0x20];
	v12 =	vmul.f32 v12, v17  }
0x22b: {  	v15 =	vmul.f32 v15, v17;
	v18 =	vadd.f32 v26, v14  }
0x22c: {  	v19 =	vadd.f32 v22, v19;
	v12 =	vmin.f32 v12, $1.000000000e+00  }
0x22d: {  	v15 =	vmin.f32 v15, $1.000000000e+00;
	v28 =	vmul.f32 $6.500000000e+01, v12;
	v22 =	vadd.f32 v25, v18  }
0x22e: {  	v25 =	vadd.f32 v16, v20;
	v16 =	vadd.f32 v23, v26;
	v26 =	vmul.f32 $6.500000000e+01, v15  }
0x22f: {  	v24 =	vadd.f32 v27, v24;
	v19 =	vmul.f32 v19, v17;
	v23 =	vld [tilespmem:s1+$0x10];
	v20 =	vadd.f32 $-5.000000000e-01, v28  }
0x230: {  	v22 =	vmul.f32 v22, v17;
	v27 =	vmul.f32 v16, v17;
	v29 =	vadd.f32 $-5.000000000e-01, v26  }
0x231: {  	v13 =	vmov s9;
	v16 =	vmin.f32 v19, $1.000000000e+00;
	v28 =	vtrunc.f32 v20  }
0x232: {  	v31 =	vmin.f32 v22, $1.000000000e+00;
	v22 =	vmin.f32 v27, $1.000000000e+00;
	v30 =	vtrunc.f32 v29  }
0x233: {  	vm0 =	vgt.f32 v20, v28;
	v19 =	vmul.f32 $6.500000000e+01, v31;
	v20 =	vmul.f32 $6.500000000e+01, v16  }
0x234: {  	v26 =	vmul.f32 $6.500000000e+01, v22;
	v21 =	vadd.f32 v23, v21;
	v23 =	vmul.f32 v24, v17  }
0x235: {  	v35 =	vcvt.f32.s32 v30;
	vm13 =	vgt.f32 v29, v30;
	v27 =	vsel vm0, $0x1, v3  }
0x236: {  	v29 =	vsel vm13, $0x1, v3;
	v19 =	vadd.f32 $-5.000000000e-01, v19;
	v24 =	vadd.f32 $-5.000000000e-01, v26  }
0x237: {  	v26 =	vcvt.f32.s32 v28;
	v32 =	vadd.f32 $-5.000000000e-01, v20;
	v21 =	vmul.f32 v21, v17  }
0x238: {  	v29 =	vadd.s32 v35, v29;
	v20 =	vtrunc.f32 v19;
	v28 =	vtrunc.f32 v24  }
0x239: {  	v34 =	vtrunc.f32 v32;
	v33 =	vcvt.f32.s32 v20;
	vm12 =	vgt.f32 v19, v20  }
0x23a: {  	vm1 =	vgt.f32 v24, v28;
	v24 =	vcvt.f32.s32 v28;
	v19 =	vsel vm12, $0x1, v3  }
0x23b: {  	s20 =	simm.s32 $0x8;
	v20 =	vadd.s32 v26, v27;
	v26 =	vsel vm1, $0x1, v3;
	v19 =	vadd.s32 v33, v19  }
0x23c: {  	v61 =	vadd.s32 v24, v26;
	v27 =	vshll.u32 v19, $0x4;
	v28 =	vadd.s32 s20, v19  }
0x23d: {  	s2 =	simm.s32 $0x2;
	s10 =	simm.s32 $0x10AC0;
	v19 =	vmul.f32 v25, v17;
	v25 =	vmin.f32 v23, $1.000000000e+00;
	v23 =	vshll.u32 v61, $0x4  }
0x23e: {  	s9 =	simm.s32 $0x1;
	[tilespmem:s10+$0x30] =	vst v22;
	v22 =	vadd.s32 s2, v29;
	vm14 =	vgt.f32 v32, v34;
	v23 =	vor.u32 v1, v23  }
0x23f: {  	s21 =	simm.s32 $0x7;
	[tilespmem:s10+$0x40] =	vst v31;
	v31 =	vsel vm14, $0x1, v3;
	v26 =	vmin.f32 v21, $1.000000000e+00;
	v24 =	vadd.s32 s9, v20  }
0x240: {  	v30 =	vmul.f32 $6.500000000e+01, v26;
	v38 =	vadd.s32 s21, v61;
	v37 =	vor.u32 v1, v27  }
0x241: {  	v21 =	vmul.f32 $6.500000000e+01, v25;
	v62 =	vshll.u32 v28, $0x3;
	v32 =	vand.u32 $0x7F, v38  }
0x242: {  	v27 =	vmin.f32 v19, $1.000000000e+00;
	v19 =	vand.u32 $0x7F, v24;
	v39 =	vadd.f32 $-5.000000000e-01, v30  }
0x243: {  	v30 =	vshll.u32 v38, $0x3;
	v21 =	vadd.f32 $-5.000000000e-01, v21;
	v63 =	vmul.f32 $6.500000000e+01, v27;
	[tilespmem:v23+s24+$0x0] =	vst.idx.add.s32.msk $0xffff, v2  }
0x244: {  	v33 =	vand.u32 $0xFFFFFC00, v30;
	v30 =	vand.u32 $0xFFFFFC00, v62;
	v41 =	vtrunc.f32 v39;
	v40 =	vld [tilespmem:s17+$0xFFFFFF80]  }
0x245: {  	v30 =	vadd.s32 v11, v30;
	v36 =	vtrunc.f32 v21;
	v35 =	vadd.f32 $-5.000000000e-01, v63  }
0x246: {  	vm2 =	vgt.f32 v39, v41;
	v38 =	vcvt.f32.s32 v41;
	v23 =	vshll.u32 v22, $0x3  }
0x247: {  	vm15 =	vgt.f32 v21, v36;
	v36 =	vcvt.f32.s32 v36;
	v21 =	vcvt.f32.s32 v34  }
0x248: {  	s12 =	simm.s32 $0x6;
	s29 =	simm.s32 $0x9;
	s14 =	simm.s32 $0x10B40;
	[tilespmem:v37+s24+$0x0] =	vst.idx.add.s32.msk $0xffff, v2;
	v37 =	vsel vm2, $0x1, v3;
	v23 =	vand.u32 $0xFFFFFC00, v23;
	v39 =	vsel vm15, $0x1, v3  }
0x249: {  	s18 =	simm.s32 $0x106C0;
	s19 =	smov.u32 s17;
	s11 =	smov.u32 s17;
	v34 =	vld [tilespmem:s17+$0x0];
	v23 =	vadd.s32 v11, v23;
	v21 =	vadd.s32 v21, v31;
	v31 =	vmul.f32 v40, v8  }
.LBB2_18:
0x24a: {  	s1 =	sadd.s32 $0x5, s29  }
0x24b: {  	v40 =	vtrunc.f32 v35;
	v36 =	vadd.s32 v36, v39;
	v33 =	vadd.s32 v11, v33;
	s19 =	sadd.s32 $0x400, s19;
	s21 =	smov.u32 s29;
	s20 =	sadd.s32 $0x8, s29  }
0x24c: {  	p0 =	slt.u32 s29, $0x39;
	v28 =	vand.u32 $0x7F, v28;
	v39 =	vld [tilespmem:s18+$0xFFFFFFD0];
	v41 =	vcvt.f32.s32 v40;
	v42 =	vadd.s32 s12, v36;
	s12 =	smov.u32 s1  }
0x24d: {  	vm0 =	vgt.f32 v35, v40;
	v35 =	vadd.s32 v38, v37;
	v28 =	vor.u32 v28, v30  }
0x24e: {  	v32 =	vor.u32 v32, v33;
	v30 =	vsel vm0, $0x1, v3;
	v37 =	vshll.u32 v42, $0x3  }
0x24f: {  	v33 =	vshll.u32 v36, $0x4;
	v34 =	vmul.f32 v34, v8;
	v36 =	vand.u32 $0xFFFFFC00, v37  }
0x250: {  	v38 =	vshll.u32 v35, $0x4;
	v33 =	vor.u32 v1, v33;
	v30 =	vadd.s32 v41, v30;
	v37 =	vld [tilespmem:s18+$0xFFFFFFF0]  }
0x251: {  	s1 =	sadd.s32 $0x3, s9;
	v31 =	vadd.f32 v31, v7;
	v34 =	vadd.f32 v34, v7;
	v40 =	vld [tilespmem:s18+$0xFFFFFFE0];
	[tilespmem:s10+$0x10] =	vst v26;
	v26 =	vor.u32 v1, v38  }
0x252: {  	v29 =	vshll.u32 v29, $0x4;
	[tilespmem:s10+$0x0] =	vst v27;
	v27 =	vshll.u32 v30, $0x4;
	v30 =	vadd.s32 s1, v30;
	s1 =	sadd.s32 $0x4, s9  }
0x253: {  	v20 =	vshll.u32 v20, $0x4;
	v38 =	vld [tilespmem:s18+$0x30];
	v27 =	vor.u32 v1, v27;
	v35 =	vadd.s32 s1, v35;
	[tilespmem:v32+s23+$0x0] =	vst.idx.msk $0xffff, v31  }
0x254: {  	v24 =	vshll.u32 v24, $0x3;
	v29 =	vor.u32 v1, v29;
	v31 =	vld [tilespmem:s18+$0x0];
	v32 =	vshll.u32 v35, $0x3;
	[tilespmem:v28+s23+$0x0] =	vst.idx.msk $0xffff, v34  }
0x255: {  	v20 =	vor.u32 v1, v20;
	v34 =	vand.u32 $0x7F, v35;
	v28 =	vld [tilespmem:s18+$0x40];
	v32 =	vand.u32 $0xFFFFFC00, v32;
	[tilespmem:s10+$0x20] =	vst v25  }
0x256: {  	v18 =	vadd.f32 v18, v14;
	v25 =	vshll.u32 v30, $0x3;
	v32 =	vadd.s32 v11, v32;
	[tilespmem:v33+s24+$0x0] =	vst.idx.add.s32.msk $0xffff, v2  }
0x257: {  	v25 =	vand.u32 $0xFFFFFC00, v25;
	v33 =	vadd.s32 v11, v36;
	[tilespmem:v26+s24+$0x0] =	vst.idx.add.s32.msk $0xffff, v2;
	v26 =	vand.u32 $0x7F, v42  }
0x258: {  	v35 =	vadd.f32 v18, v14;
	[tilespmem:v27+s24+$0x0] =	vst.idx.add.s32.msk $0xffff, v2;
	v27 =	vand.u32 $0x7F, v30;
	v26 =	vor.u32 v26, v33  }
0x259: {  	v18 =	vadd.f32 v39, v18;
	v25 =	vadd.s32 v11, v25;
	v32 =	vor.u32 v34, v32;
	v30 =	vld [tilespmem:s11+$0xFFFFFE00]  }
0x25a: {  	v22 =	vand.u32 $0x7F, v22;
	v33 =	vadd.f32 v35, v14;
	v25 =	vor.u32 v27, v25;
	v27 =	vld [tilespmem:s11+$0xFFFFFF00]  }
0x25b: {  	v18 =	vmul.f32 v18, v17;
	v34 =	vadd.f32 v40, v35;
	[tilespmem:s10+$0xFFFFFFE0] =	vst v15;
	v15 =	vshll.u32 v21, $0x4;
	v35 =	vld [tilespmem:s11+$0xFFFFFE80]  }
0x25c: {  	v24 =	vand.u32 $0xFFFFFC00, v24;
	v36 =	vadd.f32 v33, v14;
	[tilespmem:v29+s24+$0x0] =	vst.idx.add.s32.msk $0xffff, v2;
	v29 =	vor.u32 v1, v15  }
0x25d: {  	v22 =	vor.u32 v22, v23;
	v18 =	vmin.f32 v18, $1.000000000e+00;
	v15 =	vmul.f32 v34, v17;
	v34 =	vld [tilespmem:s11+$0xFFFFFD00]  }
0x25e: {  	v23 =	vadd.f32 v31, v36;
	v31 =	vadd.f32 v36, v14;
	v36 =	vld [tilespmem:s18+$0x20];
	[tilespmem:s10+$0xFFFFFFD0] =	vst v12;
	v30 =	vmul.f32 v30, v8  }
0x25f: {  	v39 =	vmul.f32 $6.500000000e+01, v18;
	v15 =	vmin.f32 v15, $1.000000000e+00;
	v12 =	vmovc v18;
	[tilespmem:v20+s24+$0x0] =	vst.idx.add.s32.msk $0xffff, v2;
	v20 =	vmul.f32 v27, v8  }
0x260: {  	v24 =	vadd.s32 v11, v24;
	v18 =	vadd.f32 v37, v33;
	v27 =	vadd.f32 v31, v14;
	v33 =	vld [tilespmem:s11+$0xFFFFFC80];
	[tilespmem:s10+$0xFFFFFFF0] =	vst v16;
	s10 =	smov.u32 s14  }
0x261: {  	v37 =	vmul.f32 $6.500000000e+01, v15;
	v16 =	vadd.f32 v30, v7;
	[tilespmem:v29+s24+$0x0] =	vst.idx.add.s32.msk $0xffff, v2;
	v29 =	vmul.f32 v35, v8  }
0x262: {  	v19 =	vor.u32 v19, v24;
	v30 =	vadd.f32 v27, v14;
	v20 =	vadd.f32 v20, v7  }
0x263: {  	s1 =	sadd.s32 $0x2, s9;
	s9 =	smov.u32 s21;
	v24 =	vadd.f32 $-5.000000000e-01, v39;
	v35 =	vmul.f32 v18, v17;
	v39 =	vld [tilespmem:s11+$0xFFFFFD80];
	[tilespmem:v25+s23+$0x0] =	vst.idx.msk $0xffff, v16;
	v16 =	vadd.f32 v29, v7;
	s11 =	smov.u32 s19  }
0x264: {  	v21 =	vadd.s32 s1, v21;
	v18 =	vadd.f32 v30, v14;
	v25 =	vmul.f32 v34, v8;
	[tilespmem:v26+s23+$0x0] =	vst.idx.msk $0xffff, v20  }
0x265: {  	v20 =	vadd.f32 v36, v27;
	v26 =	vadd.f32 v38, v30;
	v27 =	vand.u32 $0x7F, v21;
	[tilespmem:v32+s23+$0x0] =	vst.idx.msk $0xffff, v16  }
0x266: {  	v29 =	vtrunc.f32 v24;
	v21 =	vshll.u32 v21, $0x3;
	v28 =	vadd.f32 v28, v18;
	v30 =	vld [tilespmem:s18+$0x10]  }
0x267: {  	v16 =	vmin.f32 v35, $1.000000000e+00;
	v32 =	vmul.f32 v33, v8;
	v26 =	vmul.f32 v26, v17  }
0x268: {  	vm0 =	vgt.f32 v24, v29;
	v21 =	vand.u32 $0xFFFFFC00, v21;
	v24 =	vmul.f32 v28, v17  }
0x269: {  	v33 =	vadd.f32 $-5.000000000e-01, v37;
	v28 =	vmul.f32 $6.500000000e+01, v16;
	v34 =	vmin.f32 v26, $1.000000000e+00  }
0x26a: {  	v21 =	vadd.s32 v11, v21;
	v26 =	vmul.f32 $6.500000000e+01, v34;
	v35 =	vmin.f32 v24, $1.000000000e+00  }
0x26b: {  	v24 =	vsel vm0, $0x1, v3;
	v30 =	vadd.f32 v30, v31;
	v31 =	vmul.f32 $6.500000000e+01, v35  }
0x26c: {  	v36 =	vmul.f32 v20, v17;
	v21 =	vor.u32 v27, v21;
	v20 =	vadd.f32 $-5.000000000e-01, v26  }
0x26d: {  	v37 =	vtrunc.f32 v33;
	v27 =	vmul.f32 v39, v8;
	v26 =	vadd.f32 $-5.000000000e-01, v31  }
0x26e: {  	v29 =	vcvt.f32.s32 v29;
	v31 =	vadd.f32 $-5.000000000e-01, v28;
	v28 =	vtrunc.f32 v20  }
0x26f: {  	v25 =	vadd.f32 v25, v7;
	vm0 =	vgt.f32 v20, v28;
	v20 =	vtrunc.f32 v26  }
0x270: {  	v38 =	vcvt.f32.s32 v20;
	vm1 =	vgt.f32 v26, v20;
	v26 =	vadd.f32 v32, v7  }
0x271: {  	v20 =	vadd.s32 v29, v24;
	v24 =	vcvt.f32.s32 v28;
	v28 =	vsel vm1, $0x1, v3;
	[tilespmem:v22+s23+$0x0] =	vst.idx.msk $0xffff, v25  }
0x272: {  	v39 =	vtrunc.f32 v31;
	v22 =	vsel vm0, $0x1, v3;
	v25 =	vadd.s32 v38, v28;
	[tilespmem:v19+s23+$0x0] =	vst.idx.msk $0xffff, v26  }
0x273: {  	s1 =	sadd.s32 $0x7, s9;
	v19 =	vmul.f32 v30, v17;
	v22 =	vadd.s32 v24, v22;
	v24 =	vshll.u32 v25, $0x4  }
0x274: {  	v28 =	vadd.s32 s1, v25;
	v30 =	vor.u32 v1, v24;
	v24 =	vadd.f32 v27, v7  }
0x275: {  	v23 =	vmul.f32 v23, v17;
	v25 =	vmin.f32 v36, $1.000000000e+00;
	v27 =	vshll.u32 v22, $0x4  }
0x276: {  	v26 =	vmin.f32 v19, $1.000000000e+00;
	v32 =	vmul.f32 $6.500000000e+01, v25;
	v36 =	vor.u32 v1, v27;
	[tilespmem:v21+s23+$0x0] =	vst.idx.msk $0xffff, v24  }
0x277: {  	v27 =	vmin.f32 v23, $1.000000000e+00;
	v24 =	vadd.s32 s9, v20;
	v21 =	vcvt.f32.s32 v37  }
0x278: {  	vm1 =	vgt.f32 v33, v37;
	vm0 =	vgt.f32 v31, v39;
	v19 =	vand.u32 $0x7F, v24  }
0x279: {  	s1 =	sadd.s32 $0x6, s9;
	v23 =	vsel vm1, $0x1, v3;
	v31 =	vmul.f32 $6.500000000e+01, v26;
	[tilespmem:s14+$0x30] =	vst v34;
	v34 =	vshll.u32 v28, $0x3  }
0x27a: {  	s2 =	sadd.s32 $0x1, s9;
	v29 =	vadd.s32 v21, v23;
	v21 =	vadd.f32 $-5.000000000e-01, v32;
	v32 =	vadd.s32 s1, v22  }
0x27b: {  	v31 =	vadd.f32 $-5.000000000e-01, v31;
	v23 =	vmul.f32 $6.500000000e+01, v27;
	v22 =	vadd.s32 s2, v29;
	[tilespmem:v36+s24+$0x0] =	vst.idx.add.s32.msk $0xffff, v2  }
0x27c: {  	v33 =	vshll.u32 v22, $0x3;
	v37 =	vtrunc.f32 v21;
	v36 =	vshll.u32 v32, $0x3  }
0x27d: {  	v34 =	vand.u32 $0xFFFFFC00, v34;
	v38 =	vand.u32 $0xFFFFFC00, v33;
	v33 =	vand.u32 $0xFFFFFC00, v36;
	v40 =	vld [tilespmem:s19+$0xFFFFFF80];
	[tilespmem:s14+$0x40] =	vst v35  }
.Ltmp7:
0x27e: {  	v41 =	vtrunc.f32 v31;
	v35 =	vadd.f32 $-5.000000000e-01, v23;
	[tilespmem:v30+s24+$0x0] =	vst.idx.add.s32.msk $0xffff, v2;
	v30 =	vadd.s32 v11, v34;
	(pc) =	sbr.rel @p0 .LBB2_18-.Ltmp7, $4  }
0x27f: {  	v32 =	vand.u32 $0x7F, v32;
	v36 =	vcvt.f32.s32 v37;
	v23 =	vadd.s32 v11, v38  }
0x280: {  	vm1 =	vgt.f32 v31, v41;
	vm2 =	vgt.f32 v21, v37;
	v38 =	vcvt.f32.s32 v39;
	v34 =	vld [tilespmem:s19+$0x0]  }
0x281: {  	v21 =	vsel vm0, $0x1, v3;
	v37 =	vsel vm1, $0x1, v3;
	v39 =	vsel vm2, $0x1, v3  }
0x282: {  	s29 =	smov.u32 s20;
	s18 =	sadd.s32 $0x80, s18;
	s14 =	sadd.s32 $0x80, s14;
	v21 =	vadd.s32 v38, v21;
	v38 =	vcvt.f32.s32 v41;
	v31 =	vmul.f32 v40, v8  }
0x283: {  	v14 =	vtrunc.f32 v35;
	v17 =	vadd.s32 v36, v39;
	v28 =	vand.u32 $0x7F, v28  }
0x284: {  	[tilespmem:s10+$0x10] =	vst v26;
	v20 =	vshll.u32 v20, $0x4;
	v18 =	vcvt.f32.s32 v14;
	vm0 =	vgt.f32 v35, v14  }
0x285: {  	[tilespmem:s10+$0x20] =	vst v25;
	v36 =	vshll.u32 v17, $0x4;
	v25 =	vor.u32 v28, v30;
	v20 =	vor.u32 v1, v20  }
0x286: {  	[tilespmem:s10+$0x0] =	vst v27;
	v28 =	vshll.u32 v29, $0x4;
	v35 =	vsel vm0, $0x1, v3;
	v36 =	vor.u32 v1, v36  }
0x287: {  	v59 =	vshll.u32 v21, $0x4;
	[tilespmem:s10+$0xFFFFFFE0] =	vst v15;
	v28 =	vor.u32 v1, v28;
	v18 =	vadd.s32 v18, v35  }
0x288: {  	[tilespmem:s10+$0xFFFFFFD0] =	vst v12;
	v30 =	vmul.f32 v34, v8;
	v34 =	vor.u32 v1, v59;
	v56 =	vshll.u32 v18, $0x4  }
0x289: {  	[tilespmem:s10+$0xFFFFFFF0] =	vst v16;
	v26 =	vor.u32 v1, v56  }
0x28a: {  	v14 =	vadd.s32 v38, v37;
	[tilespmem:v20+s24+$0x0] =	vst.idx.add.s32.msk $0xffff, v2  }
0x28b: {  	v27 =	vadd.s32 v11, v33;
	v55 =	vshll.u32 v14, $0x4;
	[tilespmem:v36+s24+$0x0] =	vst.idx.add.s32.msk $0xffff, v2  }
0x28c: {  	v24 =	vshll.u32 v24, $0x3;
	s10 =	sadd.s32 $0x2, s9;
	v17 =	vadd.s32 s12, v17;
	v35 =	vor.u32 v1, v55;
	[tilespmem:v28+s24+$0x0] =	vst.idx.add.s32.msk $0xffff, v2  }
0x28d: {  	s1 =	sadd.s32 $0x4, s9;
	v27 =	vor.u32 v32, v27;
	v16 =	vand.u32 $0xFFFFFC00, v24;
	v21 =	vadd.s32 s10, v21;
	[tilespmem:v34+s24+$0x0] =	vst.idx.add.s32.msk $0xffff, v2  }
0x28e: {  	s2 =	sadd.s32 $0x3, s9;
	v29 =	vshll.u32 v17, $0x3;
	v14 =	vadd.s32 s1, v14;
	v17 =	vand.u32 $0x7F, v17;
	[tilespmem:v26+s24+$0x0] =	vst.idx.add.s32.msk $0xffff, v2  }
0x28f: {  	v16 =	vadd.s32 v11, v16;
	v18 =	vadd.s32 s2, v18;
	v26 =	vadd.f32 v31, v7;
	v31 =	vld [tilespmem:s11+$0xFFFFFE00]  }
0x290: {  	v29 =	vand.u32 $0xFFFFFC00, v29;
	v57 =	vshll.u32 v14, $0x3;
	v60 =	vshll.u32 v18, $0x3;
	v58 =	vld [tilespmem:s11+$0xFFFFFF00]  }
0x291: {  	v14 =	vand.u32 $0x7F, v14;
	v16 =	vor.u32 v19, v16;
	v28 =	vand.u32 $0xFFFFFC00, v60;
	[tilespmem:v35+s24+$0x0] =	vst.idx.add.s32.msk $0xffff, v2  }
0x292: {  	v30 =	vadd.f32 v30, v7;
	v12 =	vand.u32 $0x7F, v18;
	v18 =	vadd.s32 v11, v28;
	v15 =	vld [tilespmem:s11+$0xFFFFFE80]  }
0x293: {  	v32 =	vand.u32 $0xFFFFFC00, v57;
	v29 =	vadd.s32 v11, v29;
	v61 =	vld [tilespmem:s11+$0xFFFFFD00];
	v12 =	vor.u32 v12, v18  }
0x294: {  	v32 =	vadd.s32 v11, v32;
	v20 =	vand.u32 $0x7F, v22;
	v18 =	vld [tilespmem:s11+$0xFFFFFC80];
	v22 =	vmul.f32 v31, v8  }
0x295: {  	v17 =	vor.u32 v17, v29;
	v20 =	vor.u32 v20, v23;
	v24 =	vld [tilespmem:s11+$0xFFFFFD80];
	v23 =	vmul.f32 v58, v8  }
0x296: {  	v14 =	vor.u32 v14, v32;
	[tilespmem:v27+s23+$0x0] =	vst.idx.msk $0xffff, v26;
	v26 =	vshll.u32 v21, $0x3;
	v22 =	vadd.f32 v22, v7  }
0x297: {  	[tilespmem:v25+s23+$0x0] =	vst.idx.msk $0xffff, v30;
	v15 =	vmul.f32 v15, v8;
	v19 =	vadd.f32 v23, v7;
	v23 =	vand.u32 $0xFFFFFC00, v26  }
0x298: {  	v21 =	vand.u32 $0x7F, v21;
	[tilespmem:v12+s23+$0x0] =	vst.idx.msk $0xffff, v22;
	v12 =	vmul.f32 v61, v8;
	v22 =	vadd.s32 v11, v23  }
0x299: {  	v18 =	vmul.f32 v18, v8;
	v15 =	vadd.f32 v15, v7;
	v21 =	vor.u32 v21, v22  }
0x29a: {  	[tilespmem:v17+s23+$0x0] =	vst.idx.msk $0xffff, v19;
	v17 =	vmul.f32 v24, v8;
	v12 =	vadd.f32 v12, v7  }
0x29b: {  	[tilespmem:v14+s23+$0x0] =	vst.idx.msk $0xffff, v15;
	v14 =	vadd.f32 v18, v7  }
0x29c: {  	[tilespmem:v20+s23+$0x0] =	vst.idx.msk $0xffff, v12;
	v12 =	vadd.f32 v17, v7  }
0x29d: {  	[tilespmem:v16+s23+$0x0] =	vst.idx.msk $0xffff, v14  }
0x29e: {  	[tilespmem:v21+s23+$0x0] =	vst.idx.msk $0xffff, v12  }
0x29f: {  	v12 =	vld [tilespmem:$0x10E80];
	_ =	sdelay $0x4  }
0x2a0: {  	s11 =	simm.s32 $0x10F40;
	[tilespmem:$0x10E90] =	vst v12  }
0x2a1: {  	v14 =	vld [tilespmem:s11+$0xFFFFFFC0];
	_ =	sdelay $0x1  }
0x2a2: {  	v15 =	vld [tilespmem:s11+$0xFFFFFFD0]  }
0x2a3: {  	v18 =	vimm.s32 $0x0;
	v12 =	vimm.f32 $-7.692307700e-03;
	v19 =	vld [tilespmem:s11+$0xFFFFFFE0]  }
0x2a4: {  	v16 =	vor.u32 $0x2100, v1;
	v17 =	vadd.f32 $1.538461540e-02, v12;
	v12 =	vor.u32 $0x2080, v1  }
0x2a5: {  	v20 =	vld [tilespmem:s11+$0xFFFFFFF0];
	v12 =	vadd.s32 v12, v13;
	v13 =	vadd.s32 v16, v13;
	v16 =	vadd.s32 v18, v14  }
0x2a6: {  	v25 =	vshll.u32 v16, $0x4  }
0x2a7: {  	v21 =	vld [tilespmem:s11+$0x0];
	v18 =	vadd.s32 v16, v15;
	v27 =	vadd.s32 v6, v25  }
0x2a8: {  	v14 =	vld [tilespmem:s11+$0x10];
	v28 =	vshll.u32 v18, $0x4;
	v19 =	vadd.s32 v18, v19;
	v25 =	vor.u32 v1, v25  }
0x2a9: {  	v30 =	vshll.u32 v19, $0x4;
	v46 =	vadd.s32 v6, v28;
	v28 =	vor.u32 v1, v28  }
0x2aa: {  	v29 =	vld [tilespmem:s11+$0x30];
	v23 =	vadd.f32 $1.538461540e-02, v17;
	v22 =	vadd.s32 v19, v20;
	v20 =	vadd.s32 v6, v30  }
0x2ab: {  	v15 =	vld [tilespmem:s11+$0x20];
	v62 =	vshll.u32 v22, $0x4;
	v30 =	vor.u32 v1, v30  }
0x2ac: {  	v24 =	vadd.f32 $1.538461540e-02, v23;
	v33 =	vadd.s32 v22, v21;
	v44 =	vadd.s32 v6, v62;
	v27 =	vld.idx.msk [tilespmem:v27+s25+$0x0], $0xffff  }
0x2ad: {  	v21 =	vshll.u32 v33, $0x4;
	v34 =	vadd.s32 v33, v14;
	v32 =	vor.u32 v1, v62;
	v25 =	vld.idx.msk [tilespmem:v25+s25+$0x0], $0xffff  }
0x2ae: {  	v26 =	vadd.f32 $1.538461540e-02, v24;
	v63 =	vadd.s32 v6, v21;
	v45 =	vshll.u32 v34, $0x4;
	v28 =	vld.idx.msk [tilespmem:v28+s25+$0x0], $0xffff  }
0x2af: {  	s29 =	simm.s32 $0x0;
	v21 =	vor.u32 v1, v21;
	v43 =	vadd.s32 v6, v45;
	v37 =	vor.u32 v1, v45;
	v45 =	vld.idx.msk [tilespmem:v20+s25+$0x0], $0xffff  }
0x2b0: {  	s21 =	simm.s32 $0x1;
	v52 =	vshll.u32 v16, $0x7;
	v16 =	vadd.s32 s29, v16;
	v53 =	vshll.u32 v18, $0x7;
	v30 =	vld.idx.msk [tilespmem:v30+s25+$0x0], $0xffff  }
0x2b1: {  	v18 =	vadd.s32 s21, v18;
	v31 =	vadd.f32 $1.538461540e-02, v26;
	v38 =	vadd.s32 v34, v15;
	v44 =	vld.idx.msk [tilespmem:v44+s25+$0x0], $0xffff  }
0x2b2: {  	v49 =	vshll.u32 v19, $0x7;
	v15 =	vshll.u32 v38, $0x4;
	v14 =	vadd.s32 v38, v29;
	v32 =	vld.idx.msk [tilespmem:v32+s25+$0x0], $0xffff  }
0x2b3: {  	s20 =	simm.s32 $0x2;
	v60 =	vadd.s32 v12, v53;
	v29 =	vadd.s32 v6, v15;
	v41 =	vshll.u32 v14, $0x4;
	v36 =	vld.idx.msk [tilespmem:v63+s25+$0x0], $0xffff  }
0x2b4: {  	s2 =	simm.s32 $0x6;
	v53 =	vadd.s32 v13, v53;
	v19 =	vadd.s32 s20, v19;
	v42 =	vadd.s32 v6, v41;
	v62 =	vld.idx.msk [tilespmem:v21+s25+$0x0], $0xffff  }
0x2b5: {  	v47 =	vshll.u32 v38, $0x7;
	v41 =	vor.u32 v1, v41;
	v21 =	vadd.s32 s2, v38;
	v38 =	vld.idx.msk [tilespmem:v46+s25+$0x0], $0xffff  }
0x2b6: {  	v50 =	vshll.u32 v22, $0x7;
	v61 =	vadd.s32 v12, v49;
	v40 =	vor.u32 v1, v15;
	v43 =	vld.idx.msk [tilespmem:v43+s25+$0x0], $0xffff  }
0x2b7: {  	v49 =	vadd.s32 v13, v49;
	v35 =	vadd.f32 $1.538461540e-02, v31;
	v51 =	vshll.u32 v33, $0x7;
	v37 =	vld.idx.msk [tilespmem:v37+s25+$0x0], $0xffff  }
0x2b8: {  	v59 =	vadd.s32 v12, v50;
	v56 =	vadd.s32 v12, v51;
	v51 =	vadd.s32 v13, v51;
	v29 =	vld.idx.msk [tilespmem:v29+s25+$0x0], $0xffff  }
0x2b9: {  	v39 =	vadd.f32 $1.538461540e-02, v35;
	v55 =	vadd.s32 v12, v47;
	v47 =	vadd.s32 v13, v47;
	v42 =	vld.idx.msk [tilespmem:v42+s25+$0x0], $0xffff  }
0x2ba: {  	v48 =	vshll.u32 v14, $0x7;
	v63 =	vadd.s32 v12, v52;
	v52 =	vadd.s32 v13, v52;
	v41 =	vld.idx.msk [tilespmem:v41+s25+$0x0], $0xffff  }
0x2bb: {  	v15 =	vadd.f32 $1.538461540e-02, v39;
	v20 =	vshll.u32 v34, $0x7;
	v25 =	vsub.f32 v25, v27;
	v40 =	vld.idx.msk [tilespmem:v40+s25+$0x0], $0xffff  }
0x2bc: {  	v54 =	vadd.s32 v12, v48;
	v27 =	vsub.f32 v17, v27;
	v30 =	vsub.f32 v30, v45  }
0x2bd: {  	v48 =	vadd.s32 v13, v48;
	v32 =	vsub.f32 v32, v44;
	v31 =	vsub.f32 v31, v36  }
0x2be: {  	v57 =	vadd.s32 v12, v20;
	v47 =	vld.idx.msk [tilespmem:v47+s15+$0x0], $0xffff;
	v36 =	vsub.f32 v62, v36;
	v28 =	vsub.f32 v28, v38  }
0x2bf: {  	s14 =	simm.s32 $0x4;
	v58 =	vadd.s32 v13, v20;
	v62 =	vld.idx.msk [tilespmem:v52+s15+$0x0], $0xffff;
	v35 =	vsub.f32 v35, v43;
	v41 =	vsub.f32 v41, v42  }
0x2c0: {  	v37 =	vsub.f32 v37, v43;
	v43 =	vadd.s32 s14, v33;
	v33 =	vld.idx.msk [tilespmem:v61+s15+$0x0], $0xffff;
	v40 =	vsub.f32 v40, v29  }
0x2c1: {  	v29 =	vsub.f32 v39, v29;
	v39 =	vld.idx.msk [tilespmem:v54+s15+$0x0], $0xffff;
	vm6 =	vgt.f32 v28, $9.999999960e-13;
	vm3 =	vgt.f32 v41, $9.999999960e-13  }
0x2c2: {  	v17 =	vnsel vm6, $0x3F800000, v28;
	v28 =	vld.idx.msk [tilespmem:v51+s15+$0x0], $0xffff;
	vm5 =	vgt.f32 v40, $9.999999960e-13;
	v46 =	vnsel vm3, $0x3F800000, v41  }
0x2c3: {  	vm2 =	vgt.f32 v37, $9.999999960e-13;
	v40 =	vnsel vm5, $0x3F800000, v40;
	v41 =	vld.idx.msk [tilespmem:v57+s15+$0x0], $0xffff;
	(erf) = vrcp.f32 v46  }
0x2c4: {  	vm15 =	vgt.f32 v36, $9.999999960e-13;
	v37 =	vnsel vm2, $0x3F800000, v37;
	v57 =	vld.idx.msk [tilespmem:v60+s15+$0x0], $0xffff;
	(erf) = vrcp.f32 v40  }
0x2c5: {  	vm4 =	vgt.f32 v32, $9.999999960e-13;
	v36 =	vnsel vm15, $0x3F800000, v36;
	v60 =	vld.idx.msk [tilespmem:v63+s15+$0x0], $0xffff;
	(erf) = vrcp.f32 v37  }
0x2c6: {  	vm1 =	vgt.f32 v30, $9.999999960e-13;
	v32 =	vnsel vm4, $0x3F800000, v32;
	v46 =	vld.idx.msk [tilespmem:v48+s15+$0x0], $0xffff;
	(erf) = vrcp.f32 v36  }
0x2c7: {  	s12 =	simm.s32 $0x7;
	v50 =	vadd.s32 v13, v50;
	v30 =	vnsel vm1, $0x3F800000, v30;
	v37 =	vld.idx.msk [tilespmem:v55+s15+$0x0], $0xffff;
	(erf) = vrcp.f32 v32  }
0x2c8: {  	v20 =	vadd.s32 s12, v14;
	vm7 =	vgt.f32 v25, $9.999999960e-13;
	(erf) = vrcp.f32 v30;
	v30 =	vld.idx.msk [tilespmem:v56+s15+$0x0], $0xffff  }
0x2c9: {  	s18 =	simm.s32 $0x5;
	v24 =	vsub.f32 v24, v45;
	v26 =	vsub.f32 v26, v44;
	v25 =	vnsel vm7, $0x3F800000, v25;
	v48 =	vld.idx.msk [tilespmem:v58+s15+$0x0], $0xffff  }
0x2ca: {  	v44 =	vadd.s32 s18, v34;
	v23 =	vsub.f32 v23, v38;
	v42 =	vsub.f32 v15, v42;
	v55 =	vld.idx.msk [tilespmem:v49+s15+$0x0], $0xffff  }
0x2cb: {  	v58 =	vld.idx.msk [tilespmem:v53+s15+$0x0], $0xffff;
	v53 =	vshll.u32 v43, $0x3;
	v38 =	vsub.f32 v46, v39;
	(erf) = vrcp.f32 v17  }
0x2cc: {  	v36 =	vsub.f32 v47, v37;
	v17 =	vpop (erf);
	(erf) = vrcp.f32 v25;
	v25 =	vld.idx.msk [tilespmem:v50+s15+$0x0], $0xffff;
	v50 =	vsub.f32 v62, v60  }
0x2cd: {  	s19 =	simm.s32 $0x3;
	v62 =	vand.u32 $0xFFFFFC00, v53;
	v42 =	vmul.f32 v17, v42;
	v17 =	vpop (erf);
	v28 =	vsub.f32 v28, v30  }
0x2ce: {  	v40 =	vld.idx.msk [tilespmem:v59+s15+$0x0], $0xffff;
	v29 =	vmul.f32 v17, v29;
	v17 =	vadd.s32 s19, v22;
	v22 =	vsub.f32 v48, v41;
	v54 =	vpop (erf)  }
0x2cf: {  	v51 =	vmax.f32 v42, $0.0e+00;
	v34 =	vmul.f32 v54, v35;
	v42 =	vsub.f32 v55, v33  }
0x2d0: {  	v56 =	vpop (erf);
	v35 =	vsub.f32 v58, v57;
	v54 =	vshll.u32 v16, $0x3;
	v55 =	vshll.u32 v18, $0x3  }
0x2d1: {  	v29 =	vmax.f32 v29, $0.0e+00;
	v32 =	vmin.f32 v51, $1.000000000e+00;
	v31 =	vmul.f32 v56, v31  }
0x2d2: {  	v59 =	vpop (erf);
	v56 =	vshll.u32 v19, $0x3;
	v29 =	vmin.f32 v29, $1.000000000e+00;
	v34 =	vmax.f32 v34, $0.0e+00  }
0x2d3: {  	v32 =	vnsel vm3, $0x0, v32;
	v26 =	vmul.f32 v59, v26;
	v25 =	vsub.f32 v25, v40  }
0x2d4: {  	v61 =	vpop (erf);
	v29 =	vnsel vm5, $0x0, v29;
	v31 =	vmax.f32 v31, $0.0e+00;
	v34 =	vmin.f32 v34, $1.000000000e+00  }
0x2d5: {  	v24 =	vmul.f32 v61, v24;
	v32 =	vmul.f32 v32, v38;
	v38 =	vand.u32 $0x7F, v20  }
0x2d6: {  	v63 =	vpop (erf);
	v31 =	vmin.f32 v31, $1.000000000e+00;
	v26 =	vmax.f32 v26, $0.0e+00;
	v34 =	vnsel vm2, $0x0, v34  }
0x2d7: {  	v23 =	vmul.f32 v63, v23;
	v29 =	vmul.f32 v29, v36;
	v63 =	vand.u32 $0xFFFFFC00, v55  }
0x2d8: {  	v36 =	vadd.s32 v11, v62;
	v24 =	vmax.f32 v24, $0.0e+00;
	v26 =	vmin.f32 v26, $1.000000000e+00  }
0x2d9: {  	v31 =	vnsel vm15, $0x0, v31;
	v22 =	vmul.f32 v34, v22;
	v24 =	vmin.f32 v24, $1.000000000e+00  }
0x2da: {  	v49 =	vpop (erf);
	v23 =	vmax.f32 v23, $0.0e+00;
	v26 =	vnsel vm4, $0x0, v26;
	v28 =	vmul.f32 v31, v28  }
0x2db: {  	v29 =	vadd.f32 v29, v37;
	v27 =	vmul.f32 v49, v27;
	v23 =	vmin.f32 v23, $1.000000000e+00  }
0x2dc: {  	v24 =	vnsel vm1, $0x0, v24;
	v25 =	vmul.f32 v26, v25;
	v26 =	vadd.f32 v32, v39  }
0x2dd: {  	v22 =	vadd.f32 v22, v41;
	v39 =	vand.u32 $0x7F, v43;
	v23 =	vnsel vm6, $0x0, v23  }
0x2de: {  	v24 =	vmul.f32 v24, v42;
	v28 =	vadd.f32 v28, v30;
	v29 =	vmul.f32 v29, v8  }
0x2df: {  	v27 =	vmax.f32 v27, $0.0e+00;
	v23 =	vmul.f32 v23, v35;
	v25 =	vadd.f32 v25, v40  }
0x2e0: {  	v30 =	vmul.f32 v26, v8;
	v22 =	vmul.f32 v22, v8;
	v26 =	vshll.u32 v20, $0x3  }
0x2e1: {  	v40 =	vand.u32 $0x7F, v21;
	v20 =	vadd.s32 v11, v63;
	v27 =	vmin.f32 v27, $1.000000000e+00  }
0x2e2: {  	v24 =	vadd.f32 v24, v33;
	v51 =	vmul.f32 v28, v8;
	v28 =	vshll.u32 v17, $0x3  }
0x2e3: {  	v59 =	vand.u32 $0xFFFFFC00, v26;
	v26 =	vand.u32 $0xFFFFFC00, v54;
	v32 =	vadd.f32 v29, v7  }
0x2e4: {  	v27 =	vnsel vm7, $0x0, v27;
	v23 =	vadd.f32 v23, v57;
	v31 =	vmul.f32 v25, v8  }
0x2e5: {  	v25 =	vshll.u32 v21, $0x3;
	v61 =	vand.u32 $0xFFFFFC00, v28;
	v33 =	vadd.s32 v11, v59  }
0x2e6: {  	v27 =	vmul.f32 v27, v50;
	v24 =	vmul.f32 v24, v8;
	v58 =	vand.u32 $0xFFFFFC00, v25  }
0x2e7: {  	v25 =	vadd.f32 v22, v7;
	v37 =	vadd.s32 v11, v61;
	v52 =	vmul.f32 v23, v8  }
0x2e8: {  	v23 =	vshll.u32 v44, $0x3;
	v28 =	vadd.f32 v31, v7;
	v27 =	vadd.f32 v27, v60  }
0x2e9: {  	v31 =	vadd.f32 v51, v7;
	v34 =	vadd.s32 v11, v58;
	v57 =	vand.u32 $0xFFFFFC00, v23  }
0x2ea: {  	v60 =	vand.u32 $0xFFFFFC00, v56;
	v23 =	vadd.f32 v30, v7;
	v27 =	vmul.f32 v27, v8  }
0x2eb: {  	v30 =	vadd.f32 v24, v7;
	v24 =	vand.u32 $0x7F, v44;
	v29 =	vadd.f32 v52, v7  }
0x2ec: {  	s9 =	simm.s32 $0x10FC0;
	s10 =	simm.s32 $0x8;
	v35 =	vadd.s32 v11, v57;
	v21 =	vadd.s32 v11, v60;
	v27 =	vadd.f32 v27, v7  }
.LBB2_20:
0x2ed: {  	v41 =	vld [tilespmem:s9+$0xFFFFFFC0];
	v22 =	vadd.f32 $1.538461540e-02, v15;
	p0 =	slt.u32 s10, $0x38;
	v15 =	vadd.s32 v11, v26;
	v26 =	vand.u32 $0x7F, v17  }
0x2ee: {  	v43 =	vand.u32 $0x7F, v16;
	v16 =	vand.u32 $0x7F, v18;
	v18 =	vand.u32 $0x7F, v19;
	v42 =	vld [tilespmem:s9+$0xFFFFFFD0]  }
0x2ef: {  	v34 =	vor.u32 v40, v34;
	v33 =	vor.u32 v38, v33;
	v17 =	vadd.f32 $1.538461540e-02, v22;
	v19 =	vld [tilespmem:s9+$0xFFFFFFE0]  }
0x2f0: {  	v36 =	vor.u32 v39, v36;
	v35 =	vor.u32 v24, v35;
	v37 =	vor.u32 v26, v37;
	v38 =	vld [tilespmem:s9+$0xFFFFFFF0]  }
0x2f1: {  	v20 =	vor.u32 v16, v20;
	v21 =	vor.u32 v18, v21;
	v26 =	vadd.f32 $1.538461540e-02, v17;
	v24 =	vld [tilespmem:s9+$0x0]  }
0x2f2: {  	v39 =	vor.u32 v43, v15;
	v16 =	vadd.s32 v14, v41;
	v14 =	vld [tilespmem:s9+$0x10]  }
0x2f3: {  	v40 =	vshll.u32 v16, $0x4;
	v18 =	vadd.s32 v16, v42;
	v41 =	vadd.f32 $1.538461540e-02, v26;
	v15 =	vld [tilespmem:s9+$0x20]  }
0x2f4: {  	v42 =	vadd.s32 v6, v40;
	v43 =	vshll.u32 v18, $0x4;
	v19 =	vadd.s32 v18, v19;
	v44 =	vld [tilespmem:s9+$0x30];
	[tilespmem:v33+s23+$0x0] =	vst.idx.msk $0xffff, v23  }
0x2f5: {  	v33 =	vshll.u32 v19, $0x4;
	v23 =	vadd.s32 v19, v38;
	v38 =	vadd.f32 $1.538461540e-02, v41;
	[tilespmem:v34+s23+$0x0] =	vst.idx.msk $0xffff, v32  }
0x2f6: {  	v32 =	vadd.s32 v6, v33;
	v34 =	vshll.u32 v23, $0x4;
	v24 =	vadd.s32 v23, v24;
	[tilespmem:v35+s23+$0x0] =	vst.idx.msk $0xffff, v25  }
0x2f7: {  	v35 =	vshll.u32 v24, $0x4;
	v25 =	vadd.s32 v24, v14;
	v45 =	vadd.f32 $1.538461540e-02, v38;
	[tilespmem:v36+s23+$0x0] =	vst.idx.msk $0xffff, v31  }
0x2f8: {  	v31 =	vadd.s32 v6, v35;
	v36 =	vshll.u32 v25, $0x4;
	v46 =	vadd.s32 v25, v15;
	[tilespmem:v37+s23+$0x0] =	vst.idx.msk $0xffff, v28  }
0x2f9: {  	v28 =	vld.idx.msk [tilespmem:v42+s25+$0x0], $0xffff;
	v37 =	vadd.f32 $1.538461540e-02, v45;
	v15 =	vshll.u32 v46, $0x4;
	v14 =	vadd.s32 v46, v44;
	[tilespmem:v21+s23+$0x0] =	vst.idx.msk $0xffff, v30  }
0x2fa: {  	v21 =	vadd.s32 v6, v15;
	v30 =	vor.u32 v1, v15;
	v42 =	vshll.u32 v14, $0x4;
	[tilespmem:v20+s23+$0x0] =	vst.idx.msk $0xffff, v29  }
0x2fb: {  	v29 =	vld.idx.msk [tilespmem:v32+s25+$0x0], $0xffff;
	v15 =	vadd.f32 $1.538461540e-02, v37;
	v20 =	vadd.s32 v6, v42;
	v32 =	vor.u32 v1, v42  }
0x2fc: {  	v35 =	vor.u32 v1, v35;
	v42 =	vadd.s32 v6, v36;
	v36 =	vor.u32 v1, v36  }
0x2fd: {  	v33 =	vor.u32 v1, v33;
	v44 =	vadd.s32 v6, v34;
	v34 =	vor.u32 v1, v34;
	v31 =	vld.idx.msk [tilespmem:v31+s25+$0x0], $0xffff  }
0x2fe: {  	v40 =	vor.u32 v1, v40;
	v47 =	vadd.s32 v6, v43;
	v43 =	vor.u32 v1, v43  }
0x2ff: {  	v48 =	vshll.u32 v25, $0x7;
	v49 =	vshll.u32 v46, $0x7;
	v50 =	vshll.u32 v14, $0x7;
	v21 =	vld.idx.msk [tilespmem:v21+s25+$0x0], $0xffff;
	[tilespmem:v39+s23+$0x0] =	vst.idx.msk $0xffff, v27  }
0x300: {  	v51 =	vshll.u32 v24, $0x7;
	v27 =	vshll.u32 v19, $0x7;
	v39 =	vshll.u32 v23, $0x7;
	v20 =	vld.idx.msk [tilespmem:v20+s25+$0x0], $0xffff  }
0x301: {  	v52 =	vshll.u32 v16, $0x7;
	v53 =	vshll.u32 v18, $0x7;
	v54 =	vadd.s32 v12, v50;
	v32 =	vld.idx.msk [tilespmem:v32+s25+$0x0], $0xffff  }
0x302: {  	v55 =	vadd.s32 v12, v49;
	v49 =	vadd.s32 v13, v49;
	v50 =	vadd.s32 v13, v50;
	v30 =	vld.idx.msk [tilespmem:v30+s25+$0x0], $0xffff  }
0x303: {  	v56 =	vadd.s32 v12, v51;
	v57 =	vadd.s32 v12, v48;
	v48 =	vadd.s32 v13, v48;
	v42 =	vld.idx.msk [tilespmem:v42+s25+$0x0], $0xffff  }
0x304: {  	v51 =	vadd.s32 v13, v51;
	v58 =	vadd.s32 v12, v39;
	v39 =	vadd.s32 v13, v39;
	v36 =	vld.idx.msk [tilespmem:v36+s25+$0x0], $0xffff  }
0x305: {  	v59 =	vadd.s32 v12, v53;
	v60 =	vadd.s32 v12, v27;
	v27 =	vadd.s32 v13, v27;
	v35 =	vld.idx.msk [tilespmem:v35+s25+$0x0], $0xffff  }
0x306: {  	s1 =	sadd.s32 $0x7, s10;
	v61 =	vadd.s32 v12, v52;
	v52 =	vadd.s32 v13, v52;
	v53 =	vadd.s32 v13, v53;
	v44 =	vld.idx.msk [tilespmem:v44+s25+$0x0], $0xffff  }
0x307: {  	s2 =	sadd.s32 $0x6, s10;
	v62 =	vsub.f32 v15, v20;
	v32 =	vsub.f32 v32, v20;
	v20 =	vadd.s32 s1, v14;
	v34 =	vld.idx.msk [tilespmem:v34+s25+$0x0], $0xffff  }
0x308: {  	v37 =	vsub.f32 v37, v21;
	v30 =	vsub.f32 v30, v21;
	v21 =	vadd.s32 s2, v46;
	v33 =	vld.idx.msk [tilespmem:v33+s25+$0x0], $0xffff  }
0x309: {  	v38 =	vsub.f32 v38, v31;
	v45 =	vsub.f32 v45, v42;
	vm4 =	vgt.f32 v32, $9.999999960e-13;
	v46 =	vld.idx.msk [tilespmem:v47+s25+$0x0], $0xffff  }
0x30a: {  	v36 =	vsub.f32 v36, v42;
	vm5 =	vgt.f32 v30, $9.999999960e-13;
	v32 =	vnsel vm4, $0x3F800000, v32;
	v43 =	vld.idx.msk [tilespmem:v43+s25+$0x0], $0xffff  }
0x30b: {  	v31 =	vsub.f32 v35, v31;
	v30 =	vnsel vm5, $0x3F800000, v30;
	v40 =	vld.idx.msk [tilespmem:v40+s25+$0x0], $0xffff;
	(erf) = vrcp.f32 v32  }
0x30c: {  	v32 =	vsub.f32 v41, v44;
	vm2 =	vgt.f32 v36, $9.999999960e-13;
	v35 =	vld.idx.msk [tilespmem:v54+s15+$0x0], $0xffff;
	(erf) = vrcp.f32 v30  }
0x30d: {  	v30 =	vsub.f32 v34, v44;
	vm0 =	vgt.f32 v31, $9.999999960e-13;
	v34 =	vnsel vm2, $0x3F800000, v36;
	v36 =	vld.idx.msk [tilespmem:v50+s15+$0x0], $0xffff  }
0x30e: {  	v33 =	vsub.f32 v33, v29;
	v31 =	vnsel vm0, $0x3F800000, v31;
	v41 =	vld.idx.msk [tilespmem:v55+s15+$0x0], $0xffff;
	(erf) = vrcp.f32 v34  }
0x30f: {  	v26 =	vsub.f32 v26, v29;
	vm3 =	vgt.f32 v30, $9.999999960e-13;
	v29 =	vld.idx.msk [tilespmem:v49+s15+$0x0], $0xffff;
	(erf) = vrcp.f32 v31  }
0x310: {  	v31 =	vsub.f32 v43, v46;
	vm1 =	vgt.f32 v33, $9.999999960e-13;
	v30 =	vnsel vm3, $0x3F800000, v30;
	v34 =	vld.idx.msk [tilespmem:v57+s15+$0x0], $0xffff  }
0x311: {  	v40 =	vsub.f32 v40, v28;
	v33 =	vnsel vm1, $0x3F800000, v33;
	v42 =	vld.idx.msk [tilespmem:v48+s15+$0x0], $0xffff;
	(erf) = vrcp.f32 v30  }
0x312: {  	vm6 =	vgt.f32 v31, $9.999999960e-13;
	v30 =	vsub.f32 v17, v46;
	v43 =	vld.idx.msk [tilespmem:v56+s15+$0x0], $0xffff;
	(erf) = vrcp.f32 v33  }
0x313: {  	v28 =	vsub.f32 v22, v28;
	vm7 =	vgt.f32 v40, $9.999999960e-13;
	v44 =	vnsel vm6, $0x3F800000, v31;
	v31 =	vld.idx.msk [tilespmem:v51+s15+$0x0], $0xffff  }
0x314: {  	v36 =	vsub.f32 v36, v35;
	v22 =	vnsel vm7, $0x3F800000, v40;
	v33 =	vld.idx.msk [tilespmem:v58+s15+$0x0], $0xffff;
	(erf) = vrcp.f32 v44;
	v17 =	vpop (erf)  }
0x315: {  	s1 =	sadd.s32 $0x4, s10;
	s2 =	sadd.s32 $0x5, s10;
	v29 =	vsub.f32 v29, v41;
	v39 =	vld.idx.msk [tilespmem:v39+s15+$0x0], $0xffff;
	v46 =	vmul.f32 v17, v62;
	(erf) = vrcp.f32 v22;
	v17 =	vpop (erf)  }
0x316: {  	s11 =	sadd.s32 $0x3, s10;
	v22 =	vadd.s32 s1, v24;
	v24 =	vadd.s32 s2, v25;
	v44 =	vld.idx.msk [tilespmem:v60+s15+$0x0], $0xffff;
	v25 =	vmul.f32 v17, v37  }
0x317: {  	v17 =	vadd.s32 s11, v23;
	v23 =	vsub.f32 v42, v34;
	v27 =	vld.idx.msk [tilespmem:v27+s15+$0x0], $0xffff;
	v37 =	vmax.f32 v46, $0.0e+00;
	v40 =	vpop (erf)  }
0x318: {  	v42 =	vld.idx.msk [tilespmem:v59+s15+$0x0], $0xffff;
	v40 =	vmul.f32 v40, v45;
	v25 =	vmax.f32 v25, $0.0e+00;
	v37 =	vmin.f32 v37, $1.000000000e+00;
	v45 =	vpop (erf)  }
0x319: {  	v31 =	vsub.f32 v31, v43;
	v46 =	vld.idx.msk [tilespmem:v53+s15+$0x0], $0xffff;
	v38 =	vmul.f32 v45, v38;
	v25 =	vmin.f32 v25, $1.000000000e+00  }
0x31a: {  	v37 =	vnsel vm4, $0x0, v37;
	v45 =	vld.idx.msk [tilespmem:v61+s15+$0x0], $0xffff;
	v40 =	vmax.f32 v40, $0.0e+00;
	v25 =	vnsel vm5, $0x0, v25;
	v47 =	vpop (erf)  }
0x31b: {  	v48 =	vld.idx.msk [tilespmem:v52+s15+$0x0], $0xffff;
	v32 =	vmul.f32 v47, v32;
	v38 =	vmax.f32 v38, $0.0e+00;
	v40 =	vmin.f32 v40, $1.000000000e+00;
	v47 =	vpop (erf)  }
0x31c: {  	v39 =	vsub.f32 v39, v33;
	v26 =	vmul.f32 v47, v26;
	v38 =	vmin.f32 v38, $1.000000000e+00  }
0x31d: {  	v27 =	vsub.f32 v27, v44;
	v40 =	vnsel vm2, $0x0, v40;
	v32 =	vmax.f32 v32, $0.0e+00;
	v47 =	vpop (erf)  }
0x31e: {  	v30 =	vmul.f32 v47, v30;
	v26 =	vmax.f32 v26, $0.0e+00;
	v32 =	vmin.f32 v32, $1.000000000e+00;
	v47 =	vpop (erf)  }
0x31f: {  	v46 =	vsub.f32 v46, v42;
	v28 =	vmul.f32 v47, v28;
	v26 =	vmin.f32 v26, $1.000000000e+00  }
0x320: {  	v38 =	vnsel vm0, $0x0, v38;
	v32 =	vnsel vm3, $0x0, v32;
	v30 =	vmax.f32 v30, $0.0e+00  }
0x321: {  	v47 =	vsub.f32 v48, v45;
	v28 =	vmax.f32 v28, $0.0e+00;
	v30 =	vmin.f32 v30, $1.000000000e+00  }
0x322: {  	v26 =	vnsel vm1, $0x0, v26;
	v28 =	vmin.f32 v28, $1.000000000e+00;
	v30 =	vnsel vm6, $0x0, v30  }
0x323: {  	s1 =	sadd.s32 $0x2, s10;
	v25 =	vmul.f32 v25, v29;
	v29 =	vmul.f32 v37, v36;
	v28 =	vnsel vm7, $0x0, v28  }
0x324: {  	v19 =	vadd.s32 s1, v19;
	v23 =	vmul.f32 v40, v23;
	v31 =	vmul.f32 v38, v31  }
0x325: {  	v29 =	vadd.f32 v29, v35;
	v26 =	vmul.f32 v26, v27;
	v27 =	vmul.f32 v32, v39  }
0x326: {  	s1 =	sadd.s32 $0x1, s10;
	v25 =	vadd.f32 v25, v41;
	v30 =	vmul.f32 v30, v46;
	v28 =	vmul.f32 v28, v47  }
0x327: {  	v18 =	vadd.s32 s1, v18;
	v23 =	vadd.f32 v23, v34;
	v31 =	vadd.f32 v31, v43  }
0x328: {  	v16 =	vadd.s32 s10, v16;
	v26 =	vadd.f32 v26, v44;
	v27 =	vadd.f32 v27, v33  }
0x329: {  	v29 =	vmul.f32 v29, v8;
	v30 =	vadd.f32 v30, v42;
	v28 =	vadd.f32 v28, v45  }
0x32a: {  	v32 =	vmul.f32 v23, v8;
	v23 =	vshll.u32 v20, $0x3;
	v33 =	vmul.f32 v25, v8  }
0x32b: {  	v31 =	vmul.f32 v31, v8;
	v25 =	vshll.u32 v21, $0x3;
	v27 =	vmul.f32 v27, v8  }
0x32c: {  	v35 =	vmul.f32 v26, v8;
	v26 =	vshll.u32 v24, $0x3;
	v30 =	vmul.f32 v30, v8  }
0x32d: {  	v34 =	vshll.u32 v22, $0x3;
	v36 =	vmul.f32 v28, v8;
	v28 =	vshll.u32 v17, $0x3  }
0x32e: {  	v37 =	vshll.u32 v16, $0x3;
	v38 =	vshll.u32 v18, $0x3;
	v39 =	vshll.u32 v19, $0x3  }
0x32f: {  	v41 =	vand.u32 $0xFFFFFC00, v25;
	v42 =	vand.u32 $0xFFFFFC00, v23;
	v40 =	vand.u32 $0xFFFFFC00, v26  }
0x330: {  	v39 =	vand.u32 $0xFFFFFC00, v39;
	v44 =	vand.u32 $0xFFFFFC00, v34;
	v43 =	vand.u32 $0xFFFFFC00, v28  }
0x331: {  	v23 =	vadd.f32 v29, v7;
	v26 =	vand.u32 $0xFFFFFC00, v37;
	v45 =	vand.u32 $0xFFFFFC00, v38  }
0x332: {  	v25 =	vadd.f32 v32, v7;
	v32 =	vadd.f32 v33, v7;
	v33 =	vadd.s32 v11, v42  }
.Ltmp8:
0x333: {  	v31 =	vadd.f32 v31, v7;
	v34 =	vadd.s32 v11, v41;
	v28 =	vadd.f32 v27, v7;
	(pc) =	sbr.rel @p0 .LBB2_20-.Ltmp8, $4  }
0x334: {  	v29 =	vadd.f32 v30, v7;
	v30 =	vadd.f32 v35, v7;
	v35 =	vadd.s32 v11, v40  }
0x335: {  	v38 =	vand.u32 $0x7F, v20;
	v27 =	vadd.f32 v36, v7;
	v36 =	vadd.s32 v11, v44  }
0x336: {  	v24 =	vand.u32 $0x7F, v24;
	v40 =	vand.u32 $0x7F, v21;
	v37 =	vadd.s32 v11, v43  }
0x337: {  	s9 =	sadd.s32 $0x80, s9;
	s10 =	sadd.s32 $0x8, s10;
	v20 =	vadd.s32 v11, v45;
	v21 =	vadd.s32 v11, v39;
	v39 =	vand.u32 $0x7F, v22  }
0x338: {  	v12 =	vor.u32 v38, v33  }
0x339: {  	v13 =	vor.u32 v40, v34  }
0x33a: {  	v22 =	vor.u32 v24, v35  }
0x33b: {  	v17 =	vand.u32 $0x7F, v17;
	v54 =	vor.u32 v39, v36  }
0x33c: {  	v19 =	vand.u32 $0x7F, v19;
	v17 =	vor.u32 v17, v37  }
0x33d: {  	v18 =	vand.u32 $0x7F, v18;
	v19 =	vor.u32 v19, v21;
	[tilespmem:v12+s23+$0x0] =	vst.idx.msk $0xffff, v23  }
0x33e: {  	v11 =	vadd.s32 v11, v26;
	v55 =	vand.u32 $0x7F, v16;
	v56 =	vor.u32 v18, v20;
	[tilespmem:v13+s23+$0x0] =	vst.idx.msk $0xffff, v32  }
0x33f: {  	v11 =	vor.u32 v55, v11;
	[tilespmem:v22+s23+$0x0] =	vst.idx.msk $0xffff, v25  }
0x340: {  	[tilespmem:v54+s23+$0x0] =	vst.idx.msk $0xffff, v31  }
0x341: {  	[tilespmem:v17+s23+$0x0] =	vst.idx.msk $0xffff, v28  }
0x342: {  	[tilespmem:v19+s23+$0x0] =	vst.idx.msk $0xffff, v30  }
0x343: {  	[tilespmem:v56+s23+$0x0] =	vst.idx.msk $0xffff, v29  }
0x344: {  	[tilespmem:v11+s23+$0x0] =	vst.idx.msk $0xffff, v27  }
0x345: {  	v11 =	vld [tilespmem:$0x11300];
	_ =	sdelay $0x4  }
0x346: {  	v11 =	vadd.s32 v14, v11  }
0x347: {  	v57 =	vshll.u32 v11, $0x4  }
0x348: {  	v58 =	vadd.s32 v6, v57  }
0x349: {  	v12 =	vor.u32 v1, v57;
	_ =	sdelay $0x3  }
0x34a: {  	v13 =	vld.idx.msk [tilespmem:v58+s25+$0x0], $0xffff  }
0x34b: {  	v12 =	vld.idx.msk [tilespmem:v12+s25+$0x0], $0xffff;
	_ =	sdelay $0x4  }
0x34c: {  	v12 =	vsub.f32 v12, v13;
	_ =	sdelay $0x1  }
0x34d: {  	vm0 =	vgt.f32 v12, $9.999999960e-13  }
0x34e: {  	v12 =	vnsel vm0, $0x3F800000, v12  }
0x34f: {  	v14 =	vshll.u32 v11, $0x7;
	(erf) = vrcp.f32 v12  }
0x350: {  	v10 =	vadd.s32 v10, v14  }
0x351: {  	v59 =	vadd.s32 $0x2080, v10;
	v10 =	vadd.s32 $0x2100, v10;
	_ =	sdelay $0x3  }
0x352: {  	v60 =	vadd.f32 $1.538461540e-02, v15  }
0x353: {  	v10 =	vld.idx.msk [tilespmem:v10+s15+$0x0], $0xffff  }
0x354: {  	v13 =	vsub.f32 v60, v13;
	v12 =	vld.idx.msk [tilespmem:v59+s15+$0x0], $0xffff  }
0x355: {  	v61 =	vpop (erf)  }
0x356: {  	v13 =	vmul.f32 v61, v13;
	_ =	sdelay $0x1  }
0x357: {  	v13 =	vmax.f32 v13, $0.0e+00  }
0x358: {  	v11 =	vadd.s32 $0x40, v11;
	v10 =	vsub.f32 v10, v12;
	v13 =	vmin.f32 v13, $1.000000000e+00  }
0x359: {  	v62 =	vshll.u32 v11, $0x3;
	v13 =	vnsel vm0, $0x0, v13  }
0x35a: {  	v63 =	vand.u32 $0xFFFFFC00, v62;
	v10 =	vmul.f32 v13, v10  }
0x35b: {  	v11 =	vand.u32 $0x7F, v11;
	v9 =	vadd.s32 v9, v63  }
0x35c: {  	v9 =	vor.u32 v11, v9;
	v10 =	vadd.f32 v10, v12  }
0x35d: {  	v9 =	vor.u32 v4, v9  }
0x35e: {  	v8 =	vmul.f32 v10, v8;
	_ =	sdelay $0x1  }
0x35f: {  	v7 =	vadd.f32 v8, v7;
	_ =	sdelay $0x1  }
0x360: {  	s9 =	simm.s32 $0x10F40;
	[tilespmem:v9+s23+$0x0] =	vst.idx.msk $0xffff, v7  }
0x361: {  	[tilespmem:s9+$0xFFFFFFD0] =	vst v3  }
0x362: {  	[tilespmem:s9+$0x40] =	vst v3  }
0x363: {  	[tilespmem:s9+$0x30] =	vst v3  }
0x364: {  	[tilespmem:s9+$0x20] =	vst v3  }
0x365: {  	[tilespmem:s9+$0x10] =	vst v3  }
0x366: {  	[tilespmem:s9+$0x0] =	vst v3  }
0x367: {  	s10 =	simm.s32 $0x1;
	[tilespmem:s9+$0xFFFFFFF0] =	vst v3  }
.LBB2_22:
0x368: {  	s10 =	sadd.s32 $0x8, s10;
	[tilespmem:s9+$0xFFFFFFE0] =	vst v3;
	s9 =	sadd.s32 $0x80, s9  }
0x369: {  	[tilespmem:s9+$0xFFFFFFD0] =	vst v3;
	p0 =	slt.u32 s10, $0x39  }
0x36a: {  	[tilespmem:s9+$0x40] =	vst v3  }
.Ltmp9:
0x36b: {  	[tilespmem:s9+$0x30] =	vst v3;
	(pc) =	sbr.rel @p0 .LBB2_22-.Ltmp9, $4  }
0x36c: {  	[tilespmem:s9+$0x20] =	vst v3  }
0x36d: {  	[tilespmem:s9+$0x10] =	vst v3  }
0x36e: {  	[tilespmem:s9+$0x0] =	vst v3  }
0x36f: {  	[tilespmem:s9+$0xFFFFFFF0] =	vst v3  }
0x370: {  	s4 =	sadd.s32 $0x1, s4  }
0x371: {  	p0 =	sne.s32 s4, $0x8  }
.Ltmp10:
0x372: {  	_ = 	snop;
	(pc) =	sbr.rel @p0 .LBB2_15-.Ltmp10, $3  }
0x373: {  	_ =	sdelay $0x1  }
0x374: {  	[tilespmem:s9+$0xFFFFFFE0] =	vst v3  }
0x375: {  	s16 =	sadd.s32 $0x10, s16;
	s17 =	sadd.s32 $0x10, s17;
	[tilespmem:$0x10F00] =	vst v2  }
0x376: {  	s31 =	sadd.s32 $0x1, s31  }
0x377: {  	s0 =	sshll.u32 s0, $0xC;
	p0 =	sne.s32 s31, $0x4  }
.Ltmp11:
0x378: {  	s1 =	simm.s32 $0x0;
	s0 =	sadd.s32 s0, s13;
	(pc) =	sbr.rel @p0 .LBB2_4-.Ltmp11, $4  }
0x379: {  	[hbm4b:s0+s1] =	stream.linear.scatter [tilespmem:s23], [sflag:$0x3], $0x8000, $0x38;
	[tilespmem:$0x11380] =	vst v63  }
0x37a: {  	_ =	swait.ge [sflag:s26], $0x8000  }
0x37b: {  	[sflag:s26] =	ssyncset.done $0x0  }
0x37c: {  	[sflag:s26] =	ssyncadd.s32 $0xFFFF8000  }
0x37d: {  	s1 =	rddreg [dreg:$0xb]  }
0x37e: {  	s0 =	rddreg [dreg:$0xa];
	s1 =	sadd.s32 $0x1, s1  }
0x37f: {  	p0 =	sne.s32 s1, s0  }
.Ltmp12:
0x380: {  	_ = 	snop;
	(pc) =	sbr.rel @p0 .LBB2_1-.Ltmp12, $1  }
0x381: {  	_ =	sdelay $0x3  }
0x382: {  	_ =	sfence.sel $0x180000  }
0x383: {  	[bflag:$0x0] =	sbarrier.arrive $0xFFFF  }
0x384: {  	_ =	strace $0x90000047  }
0x385: {  	s0 =	stileid.u32;
	[bflag:$0x2] =	sbarrier.arrive $0xFFFF  }
0x386: {  	p0 =	sne.s32 s0, $0x0;
	s0 =	rddreg [dreg:$0x5]  }
0x387: {  	s0 =	sadd.s32 @!p0 $0x100000, s0  }
0x388: {  	[sflag:s0] =	ssyncadd.tile.s32 @!p0 $0x1;
	_ =	shalt  }
.Lfunc_end2:
_tile_overlayer_lowered:
.L_overlay_start_2:
0x389: {  	(tag) =	ssettag $0x2  }
0x38a: {  	s0 =	rddreg [dreg:$0x0];
	s2 =	stileid.u32  }
0x38b: {  	s1 =	rddreg [dreg:$0x1];
	p0 =	sne.s32 s2, $0x0  }
0x38c: {  	s3 =	rddreg [dreg:$0x2];
	[bflag:$0x3] =	sbarrier.arrive $0xFFFF;
	s2 =	simm.s32 @!p0 $0x1C03  }
0x38d: {  	[timem:s3], [sflag:s2] =	dma.local @!p0 [hbm:s0], s1  }
0x38e: {  	s0 =	simm.s32 @!p0 $0x3  }
0x38f: {  	_ =	swait.ge @!p0 [sflag:s0], s1  }
0x390: {  	s1 =	ssub.s32 @!p0 $0x0, s1;
	[sflag:s0] =	ssyncset.done @!p0 $0x0  }
0x391: {  	[sflag:s0] =	ssyncadd.s32 @!p0 s1  }
0x392: {  	[bflag:$0x3] =	sbarrier.arrive $0xFFFF  }
0x393: {  	_ =	shalt  }

</sc_bundles>
